<compile_context>
chip_gen: v7x
topology: tpu7x:2x2x1
jax: 0.10.2.dev20260603
libtpu: 0.0.44.dev20260713+nightly
codegen_flags: <defaults>
</compile_context>

<pallas_src>
import functools

import jax
import jax.numpy as jnp
from jax import lax
from jax.experimental import pallas as pl
from jax.experimental.pallas import tpu as pltpu
from jax.experimental.pallas import tpu_sc as plsc

N = 10000
E = 320000
H = 128
HE = 256

NC = 2
NS = 16
NW = NC * NS
B = 80
UNR = 5
UNS = 2
N2 = 10240
RPS = N2 // NS

CHUNKS = ((0, 153600), (153600, 166400))
BS = 128

RB = 1000
NRB = N // RB
EB = 2560


def _mesh():
    return plsc.VectorSubcoreMesh(
        core_axis_name="c", subcore_axis_name="s", num_cores=NC, num_subcores=NS)


def _gather_chunk(e_off, e_cnt):
    ept = e_cnt // NW
    gblk = ept // B
    assert gblk % UNR == 0

    def body(x_hbm, src_hbm, xg_hbm, srcv, *bufs):
        rows = bufs[0:UNR]
        gsem = bufs[UNR:2 * UNR]
        wsem = bufs[2 * UNR:3 * UNR]
        w = lax.axis_index("c") * NS + lax.axis_index("s")
        base_l = w * ept
        pltpu.sync_copy(src_hbm.at[pl.ds(e_off + base_l, ept)], srcv)

        def outer(it, carry):
            base = it * UNR
            gds = []
            for b in range(UNR):
                blk = base + b
                gds.append(pltpu.async_copy(
                    x_hbm.at[srcv.at[pl.ds(blk * B, B)]], rows[b], gsem[b]))
            wds = []
            for b in range(UNR):
                blk = base + b
                gds[b].wait()
                wds.append(pltpu.async_copy(
                    rows[b], xg_hbm.at[pl.ds(base_l + blk * B, B)], wsem[b]))
            for b in range(UNR):
                wds[b].wait()
            return carry

        lax.fori_loop(0, gblk // UNR, outer, 0)

    return functools.partial(
        pl.kernel,
        out_type=jax.ShapeDtypeStruct((e_cnt, H), jnp.float32),
        mesh=_mesh(),
        scratch_types=(
            [pltpu.VMEM((ept,), jnp.int32)]
            + [pltpu.VMEM((B, H), jnp.float32)] * UNR
            + [pltpu.SemaphoreType.DMA] * (2 * UNR)
        ),
    )(body)


def _v_body(xg_ref, attrt_ref, bases_ref, we_ref, be_ref, wp1_ref, bp1_ref,
            out_ref):
    e = lax.dot_general(attrt_ref[...], we_ref[...],
                        (((0,), (0,)), ((), ()))) + be_ref[...]
    pos = xg_ref[...] + e
    out_ref[...] = jnp.maximum(pos @ wp1_ref[...] + bp1_ref[...], 0.0) \
        * bases_ref[...]


def _make_v(xg, attrt, bases, W_e, b_e, W_p1, b_p1, e_off, e_cnt):
    neb = e_cnt // EB
    offb = e_off // EB
    return pl.pallas_call(
        _v_body,
        grid=(neb,),
        in_specs=[
            pl.BlockSpec((EB, H), lambda i: (i, 0)),
            pl.BlockSpec((7, EB), lambda i: (0, offb + i)),
            pl.BlockSpec((EB, HE), lambda i: (offb + i, 0)),
            pl.BlockSpec((7, H), lambda i: (0, 0)),
            pl.BlockSpec((1, H), lambda i: (0, 0)),
            pl.BlockSpec((H, HE), lambda i: (0, 0)),
            pl.BlockSpec((1, HE), lambda i: (0, 0)),
        ],
        out_specs=pl.BlockSpec((EB, HE), lambda i: (i, 0)),
        out_shape=jax.ShapeDtypeStruct((e_cnt, HE), jnp.float32),
    )(xg, attrt, bases, W_e, b_e.reshape(1, H), W_p1, b_p1.reshape(1, HE))


def _scatter_chunk(e_off, e_cnt):
    eps = e_cnt // NS
    nfull = eps // BS
    rem = eps % BS
    npair = nfull // UNS
    nodd = nfull % UNS

    def body(v_hbm, dst_hbm, zeros_hbm, out_hbm, *bufs):
        dbufs = bufs[0:UNS]
        vbufs = bufs[UNS:2 * UNS]
        isem = bufs[2 * UNS:3 * UNS]
        vsem = bufs[3 * UNS:4 * UNS]
        asem = bufs[4 * UNS:5 * UNS]
        rest = bufs[5 * UNS:]
        if rem:
            dbr, vbr = rest[0], rest[1]
            aggr_sp = rest[2]
        else:
            aggr_sp = rest[0]
        c = lax.axis_index("c")
        s = lax.axis_index("s")
        row0 = s * RPS
        pltpu.sync_copy(zeros_hbm, aggr_sp.at[pl.ds(row0, RPS)])
        plsc.subcore_barrier()

        base_l = s * eps
        col0 = c * H

        def outer(it, carry):
            base = it * UNS
            ids, vds = [], []
            for b in range(UNS):
                e0 = base_l + (base + b) * BS
                ids.append(pltpu.async_copy(
                    dst_hbm.at[pl.ds(e_off + e0, BS)], dbufs[b], isem[b]))
                vds.append(pltpu.async_copy(
                    v_hbm.at[pl.ds(e0, BS), pl.ds(col0, H)], vbufs[b],
                    vsem[b]))
            ads = []
            for b in range(UNS):
                ids[b].wait()
                vds[b].wait()
                ads.append(pltpu.async_copy(
                    vbufs[b], aggr_sp.at[dbufs[b]], asem[b], add=True))
            for b in range(UNS):
                ads[b].wait()
            return carry

        lax.fori_loop(0, npair, outer, 0)
        for k in range(nodd):
            e0 = base_l + (npair * UNS + k) * BS
            icp = pltpu.async_copy(
                dst_hbm.at[pl.ds(e_off + e0, BS)], dbufs[0], isem[0])
            vcp = pltpu.async_copy(
                v_hbm.at[pl.ds(e0, BS), pl.ds(col0, H)], vbufs[0], vsem[0])
            icp.wait()
            vcp.wait()
            pltpu.sync_copy(vbufs[0], aggr_sp.at[dbufs[0]], add=True)
        if rem:
            e0 = base_l + nfull * BS
            icp = pltpu.async_copy(
                dst_hbm.at[pl.ds(e_off + e0, rem)], dbr, isem[0])
            vcp = pltpu.async_copy(
                v_hbm.at[pl.ds(e0, rem), pl.ds(col0, H)], vbr, vsem[0])
            icp.wait()
            vcp.wait()
            pltpu.sync_copy(vbr, aggr_sp.at[dbr], add=True)
        plsc.subcore_barrier()
        pltpu.sync_copy(aggr_sp.at[pl.ds(row0, RPS)],
                        out_hbm.at[c, pl.ds(row0, RPS)])

    return functools.partial(
        pl.kernel,
        out_type=jax.ShapeDtypeStruct((NC, N2, H), jnp.float32),
        mesh=_mesh(),
        scratch_types=(
            [pltpu.VMEM((BS,), jnp.int32)] * UNS
            + [pltpu.VMEM((BS, H), jnp.float32)] * UNS
            + [pltpu.SemaphoreType.DMA] * (3 * UNS)
            + ([pltpu.VMEM((rem,), jnp.int32),
                pltpu.VMEM((rem, H), jnp.float32)] if rem else [])
            + [pltpu.VMEM_SHARED((N2, H), jnp.float32)]
        ),
    )(body)


def _ffn_body(a1lo_ref, a1hi_ref, a2lo_ref, a2hi_ref,
              x_ref, wp2_ref, bp2_ref, wf1_ref, bf1_ref, wf2_ref, bf2_ref,
              h2_ref, xtx_ref, sh_ref, ssq_ref):
    i = pl.program_id(0)
    aggr = jnp.concatenate([a1lo_ref[0] + a2lo_ref[0],
                            a1hi_ref[0] + a2hi_ref[0]],
                           axis=1)
    y = aggr + jnp.maximum(x_ref[...] @ wp2_ref[...] + bp2_ref[...], 0.0)

    @pl.when(i == 0)
    def _():
        xtx_ref[...] = jnp.zeros_like(xtx_ref)
        sh_ref[...] = jnp.zeros_like(sh_ref)
        ssq_ref[...] = jnp.zeros_like(ssq_ref)

    xtx_ref[...] += lax.dot_general(y, y, (((0,), (0,)), ((), ())))
    h = jnp.maximum(y @ wf1_ref[...] + bf1_ref[...], 0.0)
    h2 = jnp.maximum(h @ wf2_ref[...] + bf2_ref[...], 0.0)
    h2_ref[...] = h2
    sh_ref[...] += jnp.sum(h2, axis=0, keepdims=True)
    ssq_ref[...] += jnp.sum(h2 * h2, axis=0, keepdims=True)


def _make_ffn(ag1, ag2, x_feat, W_p2, b_p2, W_f1, b_f1, W_f2, b_f2):
    aspec = [
        pl.BlockSpec((1, RB, H), lambda i: (0, i, 0)),
        pl.BlockSpec((1, RB, H), lambda i: (1, i, 0)),
    ]
    return pl.pallas_call(
        _ffn_body,
        grid=(NRB,),
        in_specs=aspec + aspec + [
            pl.BlockSpec((RB, H), lambda i: (i, 0)),
            pl.BlockSpec((H, HE), lambda i: (0, 0)),
            pl.BlockSpec((1, HE), lambda i: (0, 0)),
            pl.BlockSpec((HE, HE), lambda i: (0, 0)),
            pl.BlockSpec((1, HE), lambda i: (0, 0)),
            pl.BlockSpec((HE, H), lambda i: (0, 0)),
            pl.BlockSpec((1, H), lambda i: (0, 0)),
        ],
        out_specs=[
            pl.BlockSpec((RB, H), lambda i: (i, 0)),
            pl.BlockSpec((HE, HE), lambda i: (0, 0)),
            pl.BlockSpec((1, H), lambda i: (0, 0)),
            pl.BlockSpec((1, H), lambda i: (0, 0)),
        ],
        out_shape=[
            jax.ShapeDtypeStruct((N, H), jnp.float32),
            jax.ShapeDtypeStruct((HE, HE), jnp.float32),
            jax.ShapeDtypeStruct((1, H), jnp.float32),
            jax.ShapeDtypeStruct((1, H), jnp.float32),
        ],
    )(ag1, ag1, ag2, ag2, x_feat, W_p2, b_p2.reshape(1, HE), W_f1,
      b_f1.reshape(1, HE), W_f2, b_f2.reshape(1, H))


def _bn_body(h2_ref, sh_ref, ssq_ref, g_ref, b_ref, out_ref):
    mean = sh_ref[...] / N
    var = ssq_ref[...] / N - mean * mean
    rstd = lax.rsqrt(var + 1e-5)
    out_ref[...] = (h2_ref[...] - mean) * (rstd * g_ref[...]) + b_ref[...]


def _make_bn(h2, sh, ssq, gamma, beta):
    return pl.pallas_call(
        _bn_body,
        grid=(NRB,),
        in_specs=[
            pl.BlockSpec((RB, H), lambda i: (i, 0)),
            pl.BlockSpec((1, H), lambda i: (0, 0)),
            pl.BlockSpec((1, H), lambda i: (0, 0)),
            pl.BlockSpec((1, H), lambda i: (0, 0)),
            pl.BlockSpec((1, H), lambda i: (0, 0)),
        ],
        out_specs=pl.BlockSpec((RB, H), lambda i: (i, 0)),
        out_shape=jax.ShapeDtypeStruct((N, H), jnp.float32),
    )(h2, sh, ssq, gamma.reshape(1, H), beta.reshape(1, H))


def kernel(x_feat, edge_index, edge_attr, bases, W_e, b_e, W_p1, b_p1,
           W_p2, b_p2, W_f1, b_f1, W_f2, b_f2, gamma, beta):
    src = edge_index[0]
    dst = edge_index[1]
    attrt = edge_attr.T
    zeros = jnp.zeros((RPS, H), jnp.float32)

    ags = []
    for e_off, e_cnt in CHUNKS:
        xg = _gather_chunk(e_off, e_cnt)(x_feat, src)
        v = _make_v(xg, attrt, bases, W_e, b_e, W_p1, b_p1, e_off, e_cnt)
        ags.append(_scatter_chunk(e_off, e_cnt)(v, dst, zeros))

    h2, xtx, sh, ssq = _make_ffn(ags[0], ags[1], x_feat, W_p2, b_p2,
                                 W_f1, b_f1, W_f2, b_f2)
    out = _make_bn(h2, sh, ssq, gamma, beta)
    return (out, xtx)

# --- scband reference (transcript-rebuilt; emitter-appended) ---
"""Pipeline reference for scband-conv-31602369364117 (READ-ONLY COPY).

The authoritative reference and input builder live on the scoring server;
editing this copy changes nothing except your own understanding.
"""

import jax, jax.numpy as jnp
import numpy as np

N = 10000
E = 320000
H = 128
EXP = 2
HE = H * EXP

def setup_inputs(seed: int = 0) -> dict:
    key = jax.random.key(seed)
    ks = jax.random.split(key, 16)
    inp = {}
    inp['x_feat'] = jax.random.normal(ks[0], (N, H), dtype=jnp.float32)
    inp['edge_index'] = jax.random.randint(ks[1], (2, E), 0, N, dtype=jnp.int32)
    inp['edge_attr'] = jax.random.normal(ks[2], (E, 7), dtype=jnp.float32)
    inp['bases'] = jax.random.uniform(ks[3], (E, HE), dtype=jnp.float32)
    s = 0.05
    inp['W_e'] = jax.random.normal(ks[4], (7, H), dtype=jnp.float32) * s
    inp['b_e'] = jnp.zeros((H,), dtype=jnp.float32)
    inp['W_p1'] = jax.random.normal(ks[5], (H, HE), dtype=jnp.float32) * s
    inp['b_p1'] = jnp.zeros((HE,), dtype=jnp.float32)
    inp['W_p2'] = jax.random.normal(ks[6], (H, HE), dtype=jnp.float32) * s
    inp['b_p2'] = jnp.zeros((HE,), dtype=jnp.float32)
    inp['W_f1'] = jax.random.normal(ks[7], (HE, HE), dtype=jnp.float32) * s
    inp['b_f1'] = jnp.zeros((HE,), dtype=jnp.float32)
    inp['W_f2'] = jax.random.normal(ks[8], (HE, H), dtype=jnp.float32) * s
    inp['b_f2'] = jnp.zeros((H,), dtype=jnp.float32)
    inp['gamma'] = jnp.ones((H,), dtype=jnp.float32)
    inp['beta'] = jnp.zeros((H,), dtype=jnp.float32)
    return inp

def reference(x_feat, edge_index, edge_attr, bases, W_e, b_e, W_p1, b_p1, W_p2, b_p2, W_f1, b_f1, W_f2, b_f2, gamma, beta):
    src = edge_index[0]
    dst = edge_index[1]
    # edge_encoder
    e = edge_attr @ W_e + b_e                      # [E, H]
    # fn.u_add_e('x','e','pos_e'): src node feat + edge feat
    pos_e = jnp.take(x_feat, src, axis=0) + e      # [E, H]
    # pre_ffn (Linear + ReLU) then elementwise * bases
    v = jax.nn.relu(pos_e @ W_p1 + b_p1) * bases   # [E, HE]
    # update_all copy_e + sum over dst nodes (scatter-add)
    aggr = jnp.zeros((x_feat.shape[0], v.shape[1]), dtype=v.dtype).at[dst].add(v)  # [N, HE]
    # residual branch
    y = aggr + jax.nn.relu(x_feat @ W_p2 + b_p2)   # [N, HE]
    # compute_covariance(y)
    xtx = y.T @ y                                  # [HE, HE]
    # ffn: Linear-ReLU-Linear-ReLU-BatchNorm1d
    h = jax.nn.relu(y @ W_f1 + b_f1)               # [N, HE]
    h = jax.nn.relu(h @ W_f2 + b_f2)               # [N, H]
    mean = jnp.mean(h, axis=0)
    var = jnp.var(h, axis=0)
    out = (h - mean) / jnp.sqrt(var + 1e-5) * gamma + beta
    return (out, xtx)

if __name__ == "__main__":
    import jax
    _d = setup_inputs()
    print(jax.jit(kernel)(*tuple(_d.values())))

</pallas_src>

<mosaic_0001>
#map = affine_map<(d0, d1) -> (0, 0)>
#map1 = affine_map<(d0, d1) -> (0)>
#map2 = affine_map<(d0, d1) -> (0, 0, 0)>
module attributes {stable_mosaic.version = 14 : i64} {
  func.func @body(%arg0: i32, %arg1: i32, %arg2: memref<166400x256xf32, #tpu.memory_space<hbm>>, %arg3: memref<320000xi32, #tpu.memory_space<hbm>>, %arg4: memref<640x128xf32, #tpu.memory_space<hbm>>, %arg5: memref<2x10240x128xf32, #tpu.memory_space<hbm>>, %arg6: memref<128xi32, #tpu.memory_space<vmem>>, %arg7: memref<128xi32, #tpu.memory_space<vmem>>, %arg8: memref<128x128xf32, #tpu.memory_space<vmem>>, %arg9: memref<128x128xf32, #tpu.memory_space<vmem>>, %arg10: memref<!tpu.dma_semaphore, #tpu.memory_space<semaphore_mem>>, %arg11: memref<!tpu.dma_semaphore, #tpu.memory_space<semaphore_mem>>, %arg12: memref<!tpu.dma_semaphore, #tpu.memory_space<semaphore_mem>>, %arg13: memref<!tpu.dma_semaphore, #tpu.memory_space<semaphore_mem>>, %arg14: memref<!tpu.dma_semaphore, #tpu.memory_space<semaphore_mem>>, %arg15: memref<!tpu.dma_semaphore, #tpu.memory_space<semaphore_mem>>, %arg16: memref<32xi32, #tpu.memory_space<vmem>>, %arg17: memref<32x128xf32, #tpu.memory_space<vmem>>, %arg18: memref<10240x128xf32, #tpu.memory_space<vmem_shared>>) attributes {dimension_semantics = [#tpu.dimension_semantics<core_parallel>, #tpu.dimension_semantics<subcore_parallel>], iteration_bounds = array<i64: 2, 16>, scalar_prefetch = 0 : i64, scratch_operands = 13 : i64, tpu.core_type = #tpu.core_type<sc_vector_subcore>, window_params = [{transform_indices = #map}, {transform_indices = #map1}, {transform_indices = #map}, {transform_indices = #map2}]} {
    %mul3A = arith.constant 640 : i32
    %mul3A_0 = arith.muli %arg1, %mul3A : i32
    "tpu.region"() ({
      %run_scoped3A = tpu.sem_alloc : memref<!tpu.dma_semaphore, #tpu.memory_space<semaphore_mem>>
      %dma_start3A_32 = arith.constant 0 : i32
      %dma_start3A_33 = tpu.memref_slice %arg18[%mul3A_0, %dma_start3A_32] : memref<10240x128xf32, #tpu.memory_space<vmem_shared>> -> memref<640x128xf32, #tpu.memory_space<vmem_shared>>
      tpu.enqueue_dma source(%arg4 : memref<640x128xf32, #tpu.memory_space<hbm>>) target(%dma_start3A_33 : memref<640x128xf32, #tpu.memory_space<vmem_shared>>) target_semaphore(%run_scoped3A : memref<!tpu.dma_semaphore, #tpu.memory_space<semaphore_mem>>)
      %dma_wait3A_34 = arith.constant 0 : i32
      %dma_wait3A_35 = tpu.memref_slice %arg18[%mul3A_0, %dma_wait3A_34] : memref<10240x128xf32, #tpu.memory_space<vmem_shared>> -> memref<640x128xf32, #tpu.memory_space<vmem_shared>>
      tpu.wait_dma2 semaphore(%run_scoped3A : memref<!tpu.dma_semaphore, #tpu.memory_space<semaphore_mem>>) src(%arg4 : memref<640x128xf32, #tpu.memory_space<hbm>>) dst(%dma_wait3A_35 : memref<640x128xf32, #tpu.memory_space<vmem_shared>>)
      tpu.yield
    }) : () -> ()
    %barrier3A = arith.constant 0 : index
    tpu.barrier barrier_id(%barrier3A)
    %mul3A_1 = arith.constant 10400 : i32
    %mul3A_2 = arith.muli %arg1, %mul3A_1 : i32
    %mul3A_3 = arith.constant 128 : i32
    %mul3A_4 = arith.muli %arg0, %mul3A_3 : i32
    %scan3A = arith.constant 0 : i32
    %scan3A_5 = arith.constant 0 : i32
    %scan3A_6 = arith.constant 40 : i32
    %scan3A_7 = arith.addi %scan3A_5, %scan3A_6 : i32
    %scan3A_8 = arith.constant 1 : i32
    scf.for %scan3A_32 = %scan3A_5 to %scan3A_7 step %scan3A_8  : i32 {
      %mul3A_33 = arith.constant 2 : i32
      %mul3A_34 = arith.muli %scan3A_32, %mul3A_33 : i32
      %add3A_35 = arith.constant 0 : i32
      %add3A_36 = arith.addi %mul3A_34, %add3A_35 : i32
      %mul3A_37 = arith.constant 128 : i32
      %mul3A_38 = arith.muli %add3A_36, %mul3A_37 : i32
      %add3A_39 = arith.addi %mul3A_2, %mul3A_38 : i32
      %add3A_40 = arith.constant 153600 : i32
      %add3A_41 = arith.addi %add3A_40, %add3A_39 : i32
      %dma_start3A_42 = tpu.memref_slice %arg3[%add3A_41] : memref<320000xi32, #tpu.memory_space<hbm>> -> memref<128xi32, #tpu.memory_space<hbm>>
      %dma_start3A_43 = tpu.memref_slice %arg3[%add3A_41] : memref<320000xi32, #tpu.memory_space<hbm>> -> memref<128xi32, #tpu.memory_space<hbm>>
      tpu.enqueue_dma source(%dma_start3A_43 : memref<128xi32, #tpu.memory_space<hbm>>) target(%arg6 : memref<128xi32, #tpu.memory_space<vmem>>) target_semaphore(%arg10 : memref<!tpu.dma_semaphore, #tpu.memory_space<semaphore_mem>>)
      %dma_start3A_44 = tpu.memref_slice %arg2[%add3A_39, %mul3A_4] : memref<166400x256xf32, #tpu.memory_space<hbm>> -> memref<128x128xf32, #tpu.memory_space<hbm>>
      %dma_start3A_45 = tpu.memref_slice %arg2[%add3A_39, %mul3A_4] : memref<166400x256xf32, #tpu.memory_space<hbm>> -> memref<128x128xf32, #tpu.memory_space<hbm>>
      tpu.enqueue_dma source(%dma_start3A_45 : memref<128x128xf32, #tpu.memory_space<hbm>>) target(%arg8 : memref<128x128xf32, #tpu.memory_space<vmem>>) target_semaphore(%arg12 : memref<!tpu.dma_semaphore, #tpu.memory_space<semaphore_mem>>)
      %add3A_46 = arith.constant 1 : i32
      %add3A_47 = arith.addi %mul3A_34, %add3A_46 : i32
      %mul3A_48 = arith.constant 128 : i32
      %mul3A_49 = arith.muli %add3A_47, %mul3A_48 : i32
      %add3A_50 = arith.addi %mul3A_2, %mul3A_49 : i32
      %add3A_51 = arith.constant 153600 : i32
      %add3A_52 = arith.addi %add3A_51, %add3A_50 : i32
      %dma_start3A_53 = tpu.memref_slice %arg3[%add3A_52] : memref<320000xi32, #tpu.memory_space<hbm>> -> memref<128xi32, #tpu.memory_space<hbm>>
      %dma_start3A_54 = tpu.memref_slice %arg3[%add3A_52] : memref<320000xi32, #tpu.memory_space<hbm>> -> memref<128xi32, #tpu.memory_space<hbm>>
      tpu.enqueue_dma source(%dma_start3A_54 : memref<128xi32, #tpu.memory_space<hbm>>) target(%arg7 : memref<128xi32, #tpu.memory_space<vmem>>) target_semaphore(%arg11 : memref<!tpu.dma_semaphore, #tpu.memory_space<semaphore_mem>>)
      %dma_start3A_55 = tpu.memref_slice %arg2[%add3A_50, %mul3A_4] : memref<166400x256xf32, #tpu.memory_space<hbm>> -> memref<128x128xf32, #tpu.memory_space<hbm>>
      %dma_start3A_56 = tpu.memref_slice %arg2[%add3A_50, %mul3A_4] : memref<166400x256xf32, #tpu.memory_space<hbm>> -> memref<128x128xf32, #tpu.memory_space<hbm>>
      tpu.enqueue_dma source(%dma_start3A_56 : memref<128x128xf32, #tpu.memory_space<hbm>>) target(%arg9 : memref<128x128xf32, #tpu.memory_space<vmem>>) target_semaphore(%arg13 : memref<!tpu.dma_semaphore, #tpu.memory_space<semaphore_mem>>)
      %dma_wait3A_57 = tpu.memref_slice %arg3[%add3A_41] : memref<320000xi32, #tpu.memory_space<hbm>> -> memref<128xi32, #tpu.memory_space<hbm>>
      %dma_wait3A_58 = tpu.memref_slice %arg3[%add3A_41] : memref<320000xi32, #tpu.memory_space<hbm>> -> memref<128xi32, #tpu.memory_space<hbm>>
      tpu.wait_dma2 semaphore(%arg10 : memref<!tpu.dma_semaphore, #tpu.memory_space<semaphore_mem>>) src(%dma_wait3A_58 : memref<128xi32, #tpu.memory_space<hbm>>) dst(%arg6 : memref<128xi32, #tpu.memory_space<vmem>>)
      %dma_wait3A_59 = tpu.memref_slice %arg2[%add3A_39, %mul3A_4] : memref<166400x256xf32, #tpu.memory_space<hbm>> -> memref<128x128xf32, #tpu.memory_space<hbm>>
      %dma_wait3A_60 = tpu.memref_slice %arg2[%add3A_39, %mul3A_4] : memref<166400x256xf32, #tpu.memory_space<hbm>> -> memref<128x128xf32, #tpu.memory_space<hbm>>
      tpu.wait_dma2 semaphore(%arg12 : memref<!tpu.dma_semaphore, #tpu.memory_space<semaphore_mem>>) src(%dma_wait3A_60 : memref<128x128xf32, #tpu.memory_space<hbm>>) dst(%arg8 : memref<128x128xf32, #tpu.memory_space<vmem>>)
      %dma_start3A_61 = arith.constant 0 : i32
      %dma_start3A_62 = arith.constant 0 : i32
      %dma_start3A_63 = tpu.memref_slice %arg18[%dma_start3A_61, %dma_start3A_62] : memref<10240x128xf32, #tpu.memory_space<vmem_shared>> -> memref<10240x128xf32, #tpu.memory_space<vmem_shared>>
      tpu.enqueue_indirect_dma source(%arg8 : memref<128x128xf32, #tpu.memory_space<vmem>>) target(%dma_start3A_63 : memref<10240x128xf32, #tpu.memory_space<vmem_shared>>) offsets(%arg6 : memref<128xi32, #tpu.memory_space<vmem>>) semaphore(%arg14 : memref<!tpu.dma_semaphore, #tpu.memory_space<semaphore_mem>>) {add = true}
      %dma_wait3A_64 = tpu.memref_slice %arg3[%add3A_52] : memref<320000xi32, #tpu.memory_space<hbm>> -> memref<128xi32, #tpu.memory_space<hbm>>
      %dma_wait3A_65 = tpu.memref_slice %arg3[%add3A_52] : memref<320000xi32, #tpu.memory_space<hbm>> -> memref<128xi32, #tpu.memory_space<hbm>>
      tpu.wait_dma2 semaphore(%arg11 : memref<!tpu.dma_semaphore, #tpu.memory_space<semaphore_mem>>) src(%dma_wait3A_65 : memref<128xi32, #tpu.memory_space<hbm>>) dst(%arg7 : memref<128xi32, #tpu.memory_space<vmem>>)
      %dma_wait3A_66 = tpu.memref_slice %arg2[%add3A_50, %mul3A_4] : memref<166400x256xf32, #tpu.memory_space<hbm>> -> memref<128x128xf32, #tpu.memory_space<hbm>>
      %dma_wait3A_67 = tpu.memref_slice %arg2[%add3A_50, %mul3A_4] : memref<166400x256xf32, #tpu.memory_space<hbm>> -> memref<128x128xf32, #tpu.memory_space<hbm>>
      tpu.wait_dma2 semaphore(%arg13 : memref<!tpu.dma_semaphore, #tpu.memory_space<semaphore_mem>>) src(%dma_wait3A_67 : memref<128x128xf32, #tpu.memory_space<hbm>>) dst(%arg9 : memref<128x128xf32, #tpu.memory_space<vmem>>)
      %dma_start3A_68 = arith.constant 0 : i32
      %dma_start3A_69 = arith.constant 0 : i32
      %dma_start3A_70 = tpu.memref_slice %arg18[%dma_start3A_68, %dma_start3A_69] : memref<10240x128xf32, #tpu.memory_space<vmem_shared>> -> memref<10240x128xf32, #tpu.memory_space<vmem_shared>>
      tpu.enqueue_indirect_dma source(%arg9 : memref<128x128xf32, #tpu.memory_space<vmem>>) target(%dma_start3A_70 : memref<10240x128xf32, #tpu.memory_space<vmem_shared>>) offsets(%arg7 : memref<128xi32, #tpu.memory_space<vmem>>) semaphore(%arg15 : memref<!tpu.dma_semaphore, #tpu.memory_space<semaphore_mem>>) {add = true}
      %dma_wait3A_71 = arith.constant 0 : i32
      %dma_wait3A_72 = arith.constant 0 : i32
      %dma_wait3A_73 = tpu.memref_slice %arg18[%dma_wait3A_71, %dma_wait3A_72] : memref<10240x128xf32, #tpu.memory_space<vmem_shared>> -> memref<10240x128xf32, #tpu.memory_space<vmem_shared>>
      tpu.wait_indirect_dma semaphore(%arg14 : memref<!tpu.dma_semaphore, #tpu.memory_space<semaphore_mem>>) src(%arg8 : memref<128x128xf32, #tpu.memory_space<vmem>>) dst(%dma_wait3A_73 : memref<10240x128xf32, #tpu.memory_space<vmem_shared>>)
      %dma_wait3A_74 = arith.constant 0 : i32
      %dma_wait3A_75 = arith.constant 0 : i32
      %dma_wait3A_76 = tpu.memref_slice %arg18[%dma_wait3A_74, %dma_wait3A_75] : memref<10240x128xf32, #tpu.memory_space<vmem_shared>> -> memref<10240x128xf32, #tpu.memory_space<vmem_shared>>
      tpu.wait_indirect_dma semaphore(%arg15 : memref<!tpu.dma_semaphore, #tpu.memory_space<semaphore_mem>>) src(%arg9 : memref<128x128xf32, #tpu.memory_space<vmem>>) dst(%dma_wait3A_76 : memref<10240x128xf32, #tpu.memory_space<vmem_shared>>)
    }
    %scan3A_9 = arith.constant 40 : i32
    %add3A = arith.constant 10240 : i32
    %add3A_10 = arith.addi %mul3A_2, %add3A : i32
    %add3A_11 = arith.constant 153600 : i32
    %add3A_12 = arith.addi %add3A_11, %add3A_10 : i32
    %dma_start3A = tpu.memref_slice %arg3[%add3A_12] : memref<320000xi32, #tpu.memory_space<hbm>> -> memref<128xi32, #tpu.memory_space<hbm>>
    %dma_start3A_13 = tpu.memref_slice %arg3[%add3A_12] : memref<320000xi32, #tpu.memory_space<hbm>> -> memref<128xi32, #tpu.memory_space<hbm>>
    tpu.enqueue_dma source(%dma_start3A_13 : memref<128xi32, #tpu.memory_space<hbm>>) target(%arg6 : memref<128xi32, #tpu.memory_space<vmem>>) target_semaphore(%arg10 : memref<!tpu.dma_semaphore, #tpu.memory_space<semaphore_mem>>)
    %dma_start3A_14 = tpu.memref_slice %arg2[%add3A_10, %mul3A_4] : memref<166400x256xf32, #tpu.memory_space<hbm>> -> memref<128x128xf32, #tpu.memory_space<hbm>>
    %dma_start3A_15 = tpu.memref_slice %arg2[%add3A_10, %mul3A_4] : memref<166400x256xf32, #tpu.memory_space<hbm>> -> memref<128x128xf32, #tpu.memory_space<hbm>>
    tpu.enqueue_dma source(%dma_start3A_15 : memref<128x128xf32, #tpu.memory_space<hbm>>) target(%arg8 : memref<128x128xf32, #tpu.memory_space<vmem>>) target_semaphore(%arg12 : memref<!tpu.dma_semaphore, #tpu.memory_space<semaphore_mem>>)
    %dma_wait3A = tpu.memref_slice %arg3[%add3A_12] : memref<320000xi32, #tpu.memory_space<hbm>> -> memref<128xi32, #tpu.memory_space<hbm>>
    %dma_wait3A_16 = tpu.memref_slice %arg3[%add3A_12] : memref<320000xi32, #tpu.memory_space<hbm>> -> memref<128xi32, #tpu.memory_space<hbm>>
    tpu.wait_dma2 semaphore(%arg10 : memref<!tpu.dma_semaphore, #tpu.memory_space<semaphore_mem>>) src(%dma_wait3A_16 : memref<128xi32, #tpu.memory_space<hbm>>) dst(%arg6 : memref<128xi32, #tpu.memory_space<vmem>>)
    %dma_wait3A_17 = tpu.memref_slice %arg2[%add3A_10, %mul3A_4] : memref<166400x256xf32, #tpu.memory_space<hbm>> -> memref<128x128xf32, #tpu.memory_space<hbm>>
    %dma_wait3A_18 = tpu.memref_slice %arg2[%add3A_10, %mul3A_4] : memref<166400x256xf32, #tpu.memory_space<hbm>> -> memref<128x128xf32, #tpu.memory_space<hbm>>
    tpu.wait_dma2 semaphore(%arg12 : memref<!tpu.dma_semaphore, #tpu.memory_space<semaphore_mem>>) src(%dma_wait3A_18 : memref<128x128xf32, #tpu.memory_space<hbm>>) dst(%arg8 : memref<128x128xf32, #tpu.memory_space<vmem>>)
    "tpu.region"() ({
      %run_scoped3A = tpu.sem_alloc : memref<!tpu.dma_semaphore, #tpu.memory_space<semaphore_mem>>
      %dma_start3A_32 = arith.constant 0 : i32
      %dma_start3A_33 = arith.constant 0 : i32
      %dma_start3A_34 = tpu.memref_slice %arg18[%dma_start3A_32, %dma_start3A_33] : memref<10240x128xf32, #tpu.memory_space<vmem_shared>> -> memref<10240x128xf32, #tpu.memory_space<vmem_shared>>
      tpu.enqueue_indirect_dma source(%arg8 : memref<128x128xf32, #tpu.memory_space<vmem>>) target(%dma_start3A_34 : memref<10240x128xf32, #tpu.memory_space<vmem_shared>>) offsets(%arg6 : memref<128xi32, #tpu.memory_space<vmem>>) semaphore(%run_scoped3A : memref<!tpu.dma_semaphore, #tpu.memory_space<semaphore_mem>>) {add = true}
      %dma_wait3A_35 = arith.constant 0 : i32
      %dma_wait3A_36 = arith.constant 0 : i32
      %dma_wait3A_37 = tpu.memref_slice %arg18[%dma_wait3A_35, %dma_wait3A_36] : memref<10240x128xf32, #tpu.memory_space<vmem_shared>> -> memref<10240x128xf32, #tpu.memory_space<vmem_shared>>
      tpu.wait_indirect_dma semaphore(%run_scoped3A : memref<!tpu.dma_semaphore, #tpu.memory_space<semaphore_mem>>) src(%arg8 : memref<128x128xf32, #tpu.memory_space<vmem>>) dst(%dma_wait3A_37 : memref<10240x128xf32, #tpu.memory_space<vmem_shared>>)
      tpu.yield
    }) : () -> ()
    %add3A_19 = arith.constant 10368 : i32
    %add3A_20 = arith.addi %mul3A_2, %add3A_19 : i32
    %add3A_21 = arith.constant 153600 : i32
    %add3A_22 = arith.addi %add3A_21, %add3A_20 : i32
    %dma_start3A_23 = tpu.memref_slice %arg3[%add3A_22] : memref<320000xi32, #tpu.memory_space<hbm>> -> memref<32xi32, #tpu.memory_space<hbm>>
    %dma_start3A_24 = tpu.memref_slice %arg3[%add3A_22] : memref<320000xi32, #tpu.memory_space<hbm>> -> memref<32xi32, #tpu.memory_space<hbm>>
    tpu.enqueue_dma source(%dma_start3A_24 : memref<32xi32, #tpu.memory_space<hbm>>) target(%arg16 : memref<32xi32, #tpu.memory_space<vmem>>) target_semaphore(%arg10 : memref<!tpu.dma_semaphore, #tpu.memory_space<semaphore_mem>>)
    %dma_start3A_25 = tpu.memref_slice %arg2[%add3A_20, %mul3A_4] : memref<166400x256xf32, #tpu.memory_space<hbm>> -> memref<32x128xf32, #tpu.memory_space<hbm>>
    %dma_start3A_26 = tpu.memref_slice %arg2[%add3A_20, %mul3A_4] : memref<166400x256xf32, #tpu.memory_space<hbm>> -> memref<32x128xf32, #tpu.memory_space<hbm>>
    tpu.enqueue_dma source(%dma_start3A_26 : memref<32x128xf32, #tpu.memory_space<hbm>>) target(%arg17 : memref<32x128xf32, #tpu.memory_space<vmem>>) target_semaphore(%arg12 : memref<!tpu.dma_semaphore, #tpu.memory_space<semaphore_mem>>)
    %dma_wait3A_27 = tpu.memref_slice %arg3[%add3A_22] : memref<320000xi32, #tpu.memory_space<hbm>> -> memref<32xi32, #tpu.memory_space<hbm>>
    %dma_wait3A_28 = tpu.memref_slice %arg3[%add3A_22] : memref<320000xi32, #tpu.memory_space<hbm>> -> memref<32xi32, #tpu.memory_space<hbm>>
    tpu.wait_dma2 semaphore(%arg10 : memref<!tpu.dma_semaphore, #tpu.memory_space<semaphore_mem>>) src(%dma_wait3A_28 : memref<32xi32, #tpu.memory_space<hbm>>) dst(%arg16 : memref<32xi32, #tpu.memory_space<vmem>>)
    %dma_wait3A_29 = tpu.memref_slice %arg2[%add3A_20, %mul3A_4] : memref<166400x256xf32, #tpu.memory_space<hbm>> -> memref<32x128xf32, #tpu.memory_space<hbm>>
    %dma_wait3A_30 = tpu.memref_slice %arg2[%add3A_20, %mul3A_4] : memref<166400x256xf32, #tpu.memory_space<hbm>> -> memref<32x128xf32, #tpu.memory_space<hbm>>
    tpu.wait_dma2 semaphore(%arg12 : memref<!tpu.dma_semaphore, #tpu.memory_space<semaphore_mem>>) src(%dma_wait3A_30 : memref<32x128xf32, #tpu.memory_space<hbm>>) dst(%arg17 : memref<32x128xf32, #tpu.memory_space<vmem>>)
    "tpu.region"() ({
      %run_scoped3A = tpu.sem_alloc : memref<!tpu.dma_semaphore, #tpu.memory_space<semaphore_mem>>
      %dma_start3A_32 = arith.constant 0 : i32
      %dma_start3A_33 = arith.constant 0 : i32
      %dma_start3A_34 = tpu.memref_slice %arg18[%dma_start3A_32, %dma_start3A_33] : memref<10240x128xf32, #tpu.memory_space<vmem_shared>> -> memref<10240x128xf32, #tpu.memory_space<vmem_shared>>
      tpu.enqueue_indirect_dma source(%arg17 : memref<32x128xf32, #tpu.memory_space<vmem>>) target(%dma_start3A_34 : memref<10240x128xf32, #tpu.memory_space<vmem_shared>>) offsets(%arg16 : memref<32xi32, #tpu.memory_space<vmem>>) semaphore(%run_scoped3A : memref<!tpu.dma_semaphore, #tpu.memory_space<semaphore_mem>>) {add = true}
      %dma_wait3A_35 = arith.constant 0 : i32
      %dma_wait3A_36 = arith.constant 0 : i32
      %dma_wait3A_37 = tpu.memref_slice %arg18[%dma_wait3A_35, %dma_wait3A_36] : memref<10240x128xf32, #tpu.memory_space<vmem_shared>> -> memref<10240x128xf32, #tpu.memory_space<vmem_shared>>
      tpu.wait_indirect_dma semaphore(%run_scoped3A : memref<!tpu.dma_semaphore, #tpu.memory_space<semaphore_mem>>) src(%arg17 : memref<32x128xf32, #tpu.memory_space<vmem>>) dst(%dma_wait3A_37 : memref<10240x128xf32, #tpu.memory_space<vmem_shared>>)
      tpu.yield
    }) : () -> ()
    %barrier3A_31 = arith.constant 0 : index
    tpu.barrier barrier_id(%barrier3A_31)
    "tpu.region"() ({
      %run_scoped3A = tpu.sem_alloc : memref<!tpu.dma_semaphore, #tpu.memory_space<semaphore_mem>>
      %dma_start3A_32 = arith.constant 0 : i32
      %dma_start3A_33 = tpu.memref_slice %arg5[%arg0, %mul3A_0, %dma_start3A_32] : memref<2x10240x128xf32, #tpu.memory_space<hbm>> -> memref<1x640x128xf32, #tpu.memory_space<hbm>>
      %dma_start3A_34 = tpu.memref_squeeze %dma_start3A_33 : memref<1x640x128xf32, #tpu.memory_space<hbm>> -> memref<640x128xf32, #tpu.memory_space<hbm>>
      %dma_start3A_35 = arith.constant 0 : i32
      %dma_start3A_36 = tpu.memref_slice %arg18[%mul3A_0, %dma_start3A_35] : memref<10240x128xf32, #tpu.memory_space<vmem_shared>> -> memref<640x128xf32, #tpu.memory_space<vmem_shared>>
      tpu.enqueue_dma source(%dma_start3A_36 : memref<640x128xf32, #tpu.memory_space<vmem_shared>>) target(%dma_start3A_34 : memref<640x128xf32, #tpu.memory_space<hbm>>) target_semaphore(%run_scoped3A : memref<!tpu.dma_semaphore, #tpu.memory_space<semaphore_mem>>)
      %dma_wait3A_37 = arith.constant 0 : i32
      %dma_wait3A_38 = tpu.memref_slice %arg5[%arg0, %mul3A_0, %dma_wait3A_37] : memref<2x10240x128xf32, #tpu.memory_space<hbm>> -> memref<1x640x128xf32, #tpu.memory_space<hbm>>
      %dma_wait3A_39 = tpu.memref_squeeze %dma_wait3A_38 : memref<1x640x128xf32, #tpu.memory_space<hbm>> -> memref<640x128xf32, #tpu.memory_space<hbm>>
      %dma_wait3A_40 = arith.constant 0 : i32
      %dma_wait3A_41 = tpu.memref_slice %arg18[%mul3A_0, %dma_wait3A_40] : memref<10240x128xf32, #tpu.memory_space<vmem_shared>> -> memref<640x128xf32, #tpu.memory_space<vmem_shared>>
      tpu.wait_dma2 semaphore(%run_scoped3A : memref<!tpu.dma_semaphore, #tpu.memory_space<semaphore_mem>>) src(%dma_wait3A_41 : memref<640x128xf32, #tpu.memory_space<vmem_shared>>) dst(%dma_wait3A_39 : memref<640x128xf32, #tpu.memory_space<hbm>>)
      tpu.yield
    }) : () -> ()
    return
  }
}

#map = affine_map<(d0, d1) -> (0, 0)>
#map1 = affine_map<(d0, d1) -> (0)>
module attributes {stable_mosaic.version = 14 : i64} {
  func.func @body(%arg0: i32, %arg1: i32, %arg2: memref<10000x128xf32, #tpu.memory_space<hbm>>, %arg3: memref<320000xi32, #tpu.memory_space<hbm>>, %arg4: memref<153600x128xf32, #tpu.memory_space<hbm>>, %arg5: memref<4800xi32, #tpu.memory_space<vmem>>, %arg6: memref<80x128xf32, #tpu.memory_space<vmem>>, %arg7: memref<80x128xf32, #tpu.memory_space<vmem>>, %arg8: memref<80x128xf32, #tpu.memory_space<vmem>>, %arg9: memref<80x128xf32, #tpu.memory_space<vmem>>, %arg10: memref<80x128xf32, #tpu.memory_space<vmem>>, %arg11: memref<!tpu.dma_semaphore, #tpu.memory_space<semaphore_mem>>, %arg12: memref<!tpu.dma_semaphore, #tpu.memory_space<semaphore_mem>>, %arg13: memref<!tpu.dma_semaphore, #tpu.memory_space<semaphore_mem>>, %arg14: memref<!tpu.dma_semaphore, #tpu.memory_space<semaphore_mem>>, %arg15: memref<!tpu.dma_semaphore, #tpu.memory_space<semaphore_mem>>, %arg16: memref<!tpu.dma_semaphore, #tpu.memory_space<semaphore_mem>>, %arg17: memref<!tpu.dma_semaphore, #tpu.memory_space<semaphore_mem>>, %arg18: memref<!tpu.dma_semaphore, #tpu.memory_space<semaphore_mem>>, %arg19: memref<!tpu.dma_semaphore, #tpu.memory_space<semaphore_mem>>, %arg20: memref<!tpu.dma_semaphore, #tpu.memory_space<semaphore_mem>>) attributes {dimension_semantics = [#tpu.dimension_semantics<core_parallel>, #tpu.dimension_semantics<subcore_parallel>], iteration_bounds = array<i64: 2, 16>, scalar_prefetch = 0 : i64, scratch_operands = 16 : i64, tpu.core_type = #tpu.core_type<sc_vector_subcore>, window_params = [{transform_indices = #map}, {transform_indices = #map1}, {transform_indices = #map}]} {
    %mul3A = arith.constant 16 : i32
    %mul3A_0 = arith.muli %arg0, %mul3A : i32
    %add3A = arith.addi %mul3A_0, %arg1 : i32
    %mul3A_1 = arith.constant 4800 : i32
    %mul3A_2 = arith.muli %add3A, %mul3A_1 : i32
    %add3A_3 = arith.constant 0 : i32
    %add3A_4 = arith.addi %add3A_3, %mul3A_2 : i32
    "tpu.region"() ({
      %run_scoped3A = tpu.sem_alloc : memref<!tpu.dma_semaphore, #tpu.memory_space<semaphore_mem>>
      %dma_start3A = tpu.memref_slice %arg3[%add3A_4] : memref<320000xi32, #tpu.memory_space<hbm>> -> memref<4800xi32, #tpu.memory_space<hbm>>
      %dma_start3A_10 = tpu.memref_slice %arg3[%add3A_4] : memref<320000xi32, #tpu.memory_space<hbm>> -> memref<4800xi32, #tpu.memory_space<hbm>>
      tpu.enqueue_dma source(%dma_start3A_10 : memref<4800xi32, #tpu.memory_space<hbm>>) target(%arg5 : memref<4800xi32, #tpu.memory_space<vmem>>) target_semaphore(%run_scoped3A : memref<!tpu.dma_semaphore, #tpu.memory_space<semaphore_mem>>)
      %dma_wait3A = tpu.memref_slice %arg3[%add3A_4] : memref<320000xi32, #tpu.memory_space<hbm>> -> memref<4800xi32, #tpu.memory_space<hbm>>
      %dma_wait3A_11 = tpu.memref_slice %arg3[%add3A_4] : memref<320000xi32, #tpu.memory_space<hbm>> -> memref<4800xi32, #tpu.memory_space<hbm>>
      tpu.wait_dma2 semaphore(%run_scoped3A : memref<!tpu.dma_semaphore, #tpu.memory_space<semaphore_mem>>) src(%dma_wait3A_11 : memref<4800xi32, #tpu.memory_space<hbm>>) dst(%arg5 : memref<4800xi32, #tpu.memory_space<vmem>>)
      tpu.yield
    }) : () -> ()
    %scan3A = arith.constant 0 : i32
    %scan3A_5 = arith.constant 0 : i32
    %scan3A_6 = arith.constant 12 : i32
    %scan3A_7 = arith.addi %scan3A_5, %scan3A_6 : i32
    %scan3A_8 = arith.constant 1 : i32
    scf.for %scan3A_10 = %scan3A_5 to %scan3A_7 step %scan3A_8  : i32 {
      %mul3A_11 = arith.constant 5 : i32
      %mul3A_12 = arith.muli %scan3A_10, %mul3A_11 : i32
      %add3A_13 = arith.constant 0 : i32
      %add3A_14 = arith.addi %mul3A_12, %add3A_13 : i32
      %mul3A_15 = arith.constant 80 : i32
      %mul3A_16 = arith.muli %add3A_14, %mul3A_15 : i32
      %dma_start3A = tpu.memref_slice %arg5[%mul3A_16] : memref<4800xi32, #tpu.memory_space<vmem>> -> memref<80xi32, #tpu.memory_space<vmem>>
      %dma_start3A_17 = arith.constant 0 : i32
      %dma_start3A_18 = arith.constant 0 : i32
      %dma_start3A_19 = tpu.memref_slice %arg2[%dma_start3A_17, %dma_start3A_18] : memref<10000x128xf32, #tpu.memory_space<hbm>> -> memref<10000x128xf32, #tpu.memory_space<hbm>>
      tpu.enqueue_indirect_dma source(%dma_start3A_19 : memref<10000x128xf32, #tpu.memory_space<hbm>>) target(%arg6 : memref<80x128xf32, #tpu.memory_space<vmem>>) offsets(%dma_start3A : memref<80xi32, #tpu.memory_space<vmem>>) semaphore(%arg11 : memref<!tpu.dma_semaphore, #tpu.memory_space<semaphore_mem>>)
      %add3A_20 = arith.constant 1 : i32
      %add3A_21 = arith.addi %mul3A_12, %add3A_20 : i32
      %mul3A_22 = arith.constant 80 : i32
      %mul3A_23 = arith.muli %add3A_21, %mul3A_22 : i32
      %dma_start3A_24 = tpu.memref_slice %arg5[%mul3A_23] : memref<4800xi32, #tpu.memory_space<vmem>> -> memref<80xi32, #tpu.memory_space<vmem>>
      %dma_start3A_25 = arith.constant 0 : i32
      %dma_start3A_26 = arith.constant 0 : i32
      %dma_start3A_27 = tpu.memref_slice %arg2[%dma_start3A_25, %dma_start3A_26] : memref<10000x128xf32, #tpu.memory_space<hbm>> -> memref<10000x128xf32, #tpu.memory_space<hbm>>
      tpu.enqueue_indirect_dma source(%dma_start3A_27 : memref<10000x128xf32, #tpu.memory_space<hbm>>) target(%arg7 : memref<80x128xf32, #tpu.memory_space<vmem>>) offsets(%dma_start3A_24 : memref<80xi32, #tpu.memory_space<vmem>>) semaphore(%arg12 : memref<!tpu.dma_semaphore, #tpu.memory_space<semaphore_mem>>)
      %add3A_28 = arith.constant 2 : i32
      %add3A_29 = arith.addi %mul3A_12, %add3A_28 : i32
      %mul3A_30 = arith.constant 80 : i32
      %mul3A_31 = arith.muli %add3A_29, %mul3A_30 : i32
      %dma_start3A_32 = tpu.memref_slice %arg5[%mul3A_31] : memref<4800xi32, #tpu.memory_space<vmem>> -> memref<80xi32, #tpu.memory_space<vmem>>
      %dma_start3A_33 = arith.constant 0 : i32
      %dma_start3A_34 = arith.constant 0 : i32
      %dma_start3A_35 = tpu.memref_slice %arg2[%dma_start3A_33, %dma_start3A_34] : memref<10000x128xf32, #tpu.memory_space<hbm>> -> memref<10000x128xf32, #tpu.memory_space<hbm>>
      tpu.enqueue_indirect_dma source(%dma_start3A_35 : memref<10000x128xf32, #tpu.memory_space<hbm>>) target(%arg8 : memref<80x128xf32, #tpu.memory_space<vmem>>) offsets(%dma_start3A_32 : memref<80xi32, #tpu.memory_space<vmem>>) semaphore(%arg13 : memref<!tpu.dma_semaphore, #tpu.memory_space<semaphore_mem>>)
      %add3A_36 = arith.constant 3 : i32
      %add3A_37 = arith.addi %mul3A_12, %add3A_36 : i32
      %mul3A_38 = arith.constant 80 : i32
      %mul3A_39 = arith.muli %add3A_37, %mul3A_38 : i32
      %dma_start3A_40 = tpu.memref_slice %arg5[%mul3A_39] : memref<4800xi32, #tpu.memory_space<vmem>> -> memref<80xi32, #tpu.memory_space<vmem>>
      %dma_start3A_41 = arith.constant 0 : i32
      %dma_start3A_42 = arith.constant 0 : i32
      %dma_start3A_43 = tpu.memref_slice %arg2[%dma_start3A_41, %dma_start3A_42] : memref<10000x128xf32, #tpu.memory_space<hbm>> -> memref<10000x128xf32, #tpu.memory_space<hbm>>
      tpu.enqueue_indirect_dma source(%dma_start3A_43 : memref<10000x128xf32, #tpu.memory_space<hbm>>) target(%arg9 : memref<80x128xf32, #tpu.memory_space<vmem>>) offsets(%dma_start3A_40 : memref<80xi32, #tpu.memory_space<vmem>>) semaphore(%arg14 : memref<!tpu.dma_semaphore, #tpu.memory_space<semaphore_mem>>)
      %add3A_44 = arith.constant 4 : i32
      %add3A_45 = arith.addi %mul3A_12, %add3A_44 : i32
      %mul3A_46 = arith.constant 80 : i32
      %mul3A_47 = arith.muli %add3A_45, %mul3A_46 : i32
      %dma_start3A_48 = tpu.memref_slice %arg5[%mul3A_47] : memref<4800xi32, #tpu.memory_space<vmem>> -> memref<80xi32, #tpu.memory_space<vmem>>
      %dma_start3A_49 = arith.constant 0 : i32
      %dma_start3A_50 = arith.constant 0 : i32
      %dma_start3A_51 = tpu.memref_slice %arg2[%dma_start3A_49, %dma_start3A_50] : memref<10000x128xf32, #tpu.memory_space<hbm>> -> memref<10000x128xf32, #tpu.memory_space<hbm>>
      tpu.enqueue_indirect_dma source(%dma_start3A_51 : memref<10000x128xf32, #tpu.memory_space<hbm>>) target(%arg10 : memref<80x128xf32, #tpu.memory_space<vmem>>) offsets(%dma_start3A_48 : memref<80xi32, #tpu.memory_space<vmem>>) semaphore(%arg15 : memref<!tpu.dma_semaphore, #tpu.memory_space<semaphore_mem>>)
      %add3A_52 = arith.constant 0 : i32
      %add3A_53 = arith.addi %mul3A_12, %add3A_52 : i32
      %dma_wait3A = tpu.memref_slice %arg5[%mul3A_16] : memref<4800xi32, #tpu.memory_space<vmem>> -> memref<80xi32, #tpu.memory_space<vmem>>
      %dma_wait3A_54 = arith.constant 0 : i32
      %dma_wait3A_55 = arith.constant 0 : i32
      %dma_wait3A_56 = tpu.memref_slice %arg2[%dma_wait3A_54, %dma_wait3A_55] : memref<10000x128xf32, #tpu.memory_space<hbm>> -> memref<10000x128xf32, #tpu.memory_space<hbm>>
      tpu.wait_indirect_dma semaphore(%arg11 : memref<!tpu.dma_semaphore, #tpu.memory_space<semaphore_mem>>) src(%dma_wait3A_56 : memref<10000x128xf32, #tpu.memory_space<hbm>>) dst(%arg6 : memref<80x128xf32, #tpu.memory_space<vmem>>)
      %mul3A_57 = arith.constant 80 : i32
      %mul3A_58 = arith.muli %add3A_53, %mul3A_57 : i32
      %add3A_59 = arith.addi %mul3A_2, %mul3A_58 : i32
      %dma_start3A_60 = arith.constant 0 : i32
      %dma_start3A_61 = tpu.memref_slice %arg4[%add3A_59, %dma_start3A_60] : memref<153600x128xf32, #tpu.memory_space<hbm>> -> memref<80x128xf32, #tpu.memory_space<hbm>>
      %dma_start3A_62 = arith.constant 0 : i32
      %dma_start3A_63 = tpu.memref_slice %arg4[%add3A_59, %dma_start3A_62] : memref<153600x128xf32, #tpu.memory_space<hbm>> -> memref<80x128xf32, #tpu.memory_space<hbm>>
      tpu.enqueue_dma source(%arg6 : memref<80x128xf32, #tpu.memory_space<vmem>>) target(%dma_start3A_63 : memref<80x128xf32, #tpu.memory_space<hbm>>) target_semaphore(%arg16 : memref<!tpu.dma_semaphore, #tpu.memory_space<semaphore_mem>>)
      %add3A_64 = arith.constant 1 : i32
      %add3A_65 = arith.addi %mul3A_12, %add3A_64 : i32
      %dma_wait3A_66 = tpu.memref_slice %arg5[%mul3A_23] : memref<4800xi32, #tpu.memory_space<vmem>> -> memref<80xi32, #tpu.memory_space<vmem>>
      %dma_wait3A_67 = arith.constant 0 : i32
      %dma_wait3A_68 = arith.constant 0 : i32
      %dma_wait3A_69 = tpu.memref_slice %arg2[%dma_wait3A_67, %dma_wait3A_68] : memref<10000x128xf32, #tpu.memory_space<hbm>> -> memref<10000x128xf32, #tpu.memory_space<hbm>>
      tpu.wait_indirect_dma semaphore(%arg12 : memref<!tpu.dma_semaphore, #tpu.memory_space<semaphore_mem>>) src(%dma_wait3A_69 : memref<10000x128xf32, #tpu.memory_space<hbm>>) dst(%arg7 : memref<80x128xf32, #tpu.memory_space<vmem>>)
      %mul3A_70 = arith.constant 80 : i32
      %mul3A_71 = arith.muli %add3A_65, %mul3A_70 : i32
      %add3A_72 = arith.addi %mul3A_2, %mul3A_71 : i32
      %dma_start3A_73 = arith.constant 0 : i32
      %dma_start3A_74 = tpu.memref_slice %arg4[%add3A_72, %dma_start3A_73] : memref<153600x128xf32, #tpu.memory_space<hbm>> -> memref<80x128xf32, #tpu.memory_space<hbm>>
      %dma_start3A_75 = arith.constant 0 : i32
      %dma_start3A_76 = tpu.memref_slice %arg4[%add3A_72, %dma_start3A_75] : memref<153600x128xf32, #tpu.memory_space<hbm>> -> memref<80x128xf32, #tpu.memory_space<hbm>>
      tpu.enqueue_dma source(%arg7 : memref<80x128xf32, #tpu.memory_space<vmem>>) target(%dma_start3A_76 : memref<80x128xf32, #tpu.memory_space<hbm>>) target_semaphore(%arg17 : memref<!tpu.dma_semaphore, #tpu.memory_space<semaphore_mem>>)
      %add3A_77 = arith.constant 2 : i32
      %add3A_78 = arith.addi %mul3A_12, %add3A_77 : i32
      %dma_wait3A_79 = tpu.memref_slice %arg5[%mul3A_31] : memref<4800xi32, #tpu.memory_space<vmem>> -> memref<80xi32, #tpu.memory_space<vmem>>
      %dma_wait3A_80 = arith.constant 0 : i32
      %dma_wait3A_81 = arith.constant 0 : i32
      %dma_wait3A_82 = tpu.memref_slice %arg2[%dma_wait3A_80, %dma_wait3A_81] : memref<10000x128xf32, #tpu.memory_space<hbm>> -> memref<10000x128xf32, #tpu.memory_space<hbm>>
      tpu.wait_indirect_dma semaphore(%arg13 : memref<!tpu.dma_semaphore, #tpu.memory_space<semaphore_mem>>) src(%dma_wait3A_82 : memref<10000x128xf32, #tpu.memory_space<hbm>>) dst(%arg8 : memref<80x128xf32, #tpu.memory_space<vmem>>)
      %mul3A_83 = arith.constant 80 : i32
      %mul3A_84 = arith.muli %add3A_78, %mul3A_83 : i32
      %add3A_85 = arith.addi %mul3A_2, %mul3A_84 : i32
      %dma_start3A_86 = arith.constant 0 : i32
      %dma_start3A_87 = tpu.memref_slice %arg4[%add3A_85, %dma_start3A_86] : memref<153600x128xf32, #tpu.memory_space<hbm>> -> memref<80x128xf32, #tpu.memory_space<hbm>>
      %dma_start3A_88 = arith.constant 0 : i32
      %dma_start3A_89 = tpu.memref_slice %arg4[%add3A_85, %dma_start3A_88] : memref<153600x128xf32, #tpu.memory_space<hbm>> -> memref<80x128xf32, #tpu.memory_space<hbm>>
      tpu.enqueue_dma source(%arg8 : memref<80x128xf32, #tpu.memory_space<vmem>>) target(%dma_start3A_89 : memref<80x128xf32, #tpu.memory_space<hbm>>) target_semaphore(%arg18 : memref<!tpu.dma_semaphore, #tpu.memory_space<semaphore_mem>>)
      %add3A_90 = arith.constant 3 : i32
      %add3A_91 = arith.addi %mul3A_12, %add3A_90 : i32
      %dma_wait3A_92 = tpu.memref_slice %arg5[%mul3A_39] : memref<4800xi32, #tpu.memory_space<vmem>> -> memref<80xi32, #tpu.memory_space<vmem>>
      %dma_wait3A_93 = arith.constant 0 : i32
      %dma_wait3A_94 = arith.constant 0 : i32
      %dma_wait3A_95 = tpu.memref_slice %arg2[%dma_wait3A_93, %dma_wait3A_94] : memref<10000x128xf32, #tpu.memory_space<hbm>> -> memref<10000x128xf32, #tpu.memory_space<hbm>>
      tpu.wait_indirect_dma semaphore(%arg14 : memref<!tpu.dma_semaphore, #tpu.memory_space<semaphore_mem>>) src(%dma_wait3A_95 : memref<10000x128xf32, #tpu.memory_space<hbm>>) dst(%arg9 : memref<80x128xf32, #tpu.memory_space<vmem>>)
      %mul3A_96 = arith.constant 80 : i32
      %mul3A_97 = arith.muli %add3A_91, %mul3A_96 : i32
      %add3A_98 = arith.addi %mul3A_2, %mul3A_97 : i32
      %dma_start3A_99 = arith.constant 0 : i32
      %dma_start3A_100 = tpu.memref_slice %arg4[%add3A_98, %dma_start3A_99] : memref<153600x128xf32, #tpu.memory_space<hbm>> -> memref<80x128xf32, #tpu.memory_space<hbm>>
      %dma_start3A_101 = arith.constant 0 : i32
      %dma_start3A_102 = tpu.memref_slice %arg4[%add3A_98, %dma_start3A_101] : memref<153600x128xf32, #tpu.memory_space<hbm>> -> memref<80x128xf32, #tpu.memory_space<hbm>>
      tpu.enqueue_dma source(%arg9 : memref<80x128xf32, #tpu.memory_space<vmem>>) target(%dma_start3A_102 : memref<80x128xf32, #tpu.memory_space<hbm>>) target_semaphore(%arg19 : memref<!tpu.dma_semaphore, #tpu.memory_space<semaphore_mem>>)
      %add3A_103 = arith.constant 4 : i32
      %add3A_104 = arith.addi %mul3A_12, %add3A_103 : i32
      %dma_wait3A_105 = tpu.memref_slice %arg5[%mul3A_47] : memref<4800xi32, #tpu.memory_space<vmem>> -> memref<80xi32, #tpu.memory_space<vmem>>
      %dma_wait3A_106 = arith.constant 0 : i32
      %dma_wait3A_107 = arith.constant 0 : i32
      %dma_wait3A_108 = tpu.memref_slice %arg2[%dma_wait3A_106, %dma_wait3A_107] : memref<10000x128xf32, #tpu.memory_space<hbm>> -> memref<10000x128xf32, #tpu.memory_space<hbm>>
      tpu.wait_indirect_dma semaphore(%arg15 : memref<!tpu.dma_semaphore, #tpu.memory_space<semaphore_mem>>) src(%dma_wait3A_108 : memref<10000x128xf32, #tpu.memory_space<hbm>>) dst(%arg10 : memref<80x128xf32, #tpu.memory_space<vmem>>)
      %mul3A_109 = arith.constant 80 : i32
      %mul3A_110 = arith.muli %add3A_104, %mul3A_109 : i32
      %add3A_111 = arith.addi %mul3A_2, %mul3A_110 : i32
      %dma_start3A_112 = arith.constant 0 : i32
      %dma_start3A_113 = tpu.memref_slice %arg4[%add3A_111, %dma_start3A_112] : memref<153600x128xf32, #tpu.memory_space<hbm>> -> memref<80x128xf32, #tpu.memory_space<hbm>>
      %dma_start3A_114 = arith.constant 0 : i32
      %dma_start3A_115 = tpu.memref_slice %arg4[%add3A_111, %dma_start3A_114] : memref<153600x128xf32, #tpu.memory_space<hbm>> -> memref<80x128xf32, #tpu.memory_space<hbm>>
      tpu.enqueue_dma source(%arg10 : memref<80x128xf32, #tpu.memory_space<vmem>>) target(%dma_start3A_115 : memref<80x128xf32, #tpu.memory_space<hbm>>) target_semaphore(%arg20 : memref<!tpu.dma_semaphore, #tpu.memory_space<semaphore_mem>>)
      %dma_wait3A_116 = arith.constant 0 : i32
      %dma_wait3A_117 = tpu.memref_slice %arg4[%add3A_59, %dma_wait3A_116] : memref<153600x128xf32, #tpu.memory_space<hbm>> -> memref<80x128xf32, #tpu.memory_space<hbm>>
      %dma_wait3A_118 = arith.constant 0 : i32
      %dma_wait3A_119 = tpu.memref_slice %arg4[%add3A_59, %dma_wait3A_118] : memref<153600x128xf32, #tpu.memory_space<hbm>> -> memref<80x128xf32, #tpu.memory_space<hbm>>
      tpu.wait_dma2 semaphore(%arg16 : memref<!tpu.dma_semaphore, #tpu.memory_space<semaphore_mem>>) src(%arg6 : memref<80x128xf32, #tpu.memory_space<vmem>>) dst(%dma_wait3A_119 : memref<80x128xf32, #tpu.memory_space<hbm>>)
      %dma_wait3A_120 = arith.constant 0 : i32
      %dma_wait3A_121 = tpu.memref_slice %arg4[%add3A_72, %dma_wait3A_120] : memref<153600x128xf32, #tpu.memory_space<hbm>> -> memref<80x128xf32, #tpu.memory_space<hbm>>
      %dma_wait3A_122 = arith.constant 0 : i32
      %dma_wait3A_123 = tpu.memref_slice %arg4[%add3A_72, %dma_wait3A_122] : memref<153600x128xf32, #tpu.memory_space<hbm>> -> memref<80x128xf32, #tpu.memory_space<hbm>>
      tpu.wait_dma2 semaphore(%arg17 : memref<!tpu.dma_semaphore, #tpu.memory_space<semaphore_mem>>) src(%arg7 : memref<80x128xf32, #tpu.memory_space<vmem>>) dst(%dma_wait3A_123 : memref<80x128xf32, #tpu.memory_space<hbm>>)
      %dma_wait3A_124 = arith.constant 0 : i32
      %dma_wait3A_125 = tpu.memref_slice %arg4[%add3A_85, %dma_wait3A_124] : memref<153600x128xf32, #tpu.memory_space<hbm>> -> memref<80x128xf32, #tpu.memory_space<hbm>>
      %dma_wait3A_126 = arith.constant 0 : i32
      %dma_wait3A_127 = tpu.memref_slice %arg4[%add3A_85, %dma_wait3A_126] : memref<153600x128xf32, #tpu.memory_space<hbm>> -> memref<80x128xf32, #tpu.memory_space<hbm>>
      tpu.wait_dma2 semaphore(%arg18 : memref<!tpu.dma_semaphore, #tpu.memory_space<semaphore_mem>>) src(%arg8 : memref<80x128xf32, #tpu.memory_space<vmem>>) dst(%dma_wait3A_127 : memref<80x128xf32, #tpu.memory_space<hbm>>)
      %dma_wait3A_128 = arith.constant 0 : i32
      %dma_wait3A_129 = tpu.memref_slice %arg4[%add3A_98, %dma_wait3A_128] : memref<153600x128xf32, #tpu.memory_space<hbm>> -> memref<80x128xf32, #tpu.memory_space<hbm>>
      %dma_wait3A_130 = arith.constant 0 : i32
      %dma_wait3A_131 = tpu.memref_slice %arg4[%add3A_98, %dma_wait3A_130] : memref<153600x128xf32, #tpu.memory_space<hbm>> -> memref<80x128xf32, #tpu.memory_space<hbm>>
      tpu.wait_dma2 semaphore(%arg19 : memref<!tpu.dma_semaphore, #tpu.memory_space<semaphore_mem>>) src(%arg9 : memref<80x128xf32, #tpu.memory_space<vmem>>) dst(%dma_wait3A_131 : memref<80x128xf32, #tpu.memory_space<hbm>>)
      %dma_wait3A_132 = arith.constant 0 : i32
      %dma_wait3A_133 = tpu.memref_slice %arg4[%add3A_111, %dma_wait3A_132] : memref<153600x128xf32, #tpu.memory_space<hbm>> -> memref<80x128xf32, #tpu.memory_space<hbm>>
      %dma_wait3A_134 = arith.constant 0 : i32
      %dma_wait3A_135 = tpu.memref_slice %arg4[%add3A_111, %dma_wait3A_134] : memref<153600x128xf32, #tpu.memory_space<hbm>> -> memref<80x128xf32, #tpu.memory_space<hbm>>
      tpu.wait_dma2 semaphore(%arg20 : memref<!tpu.dma_semaphore, #tpu.memory_space<semaphore_mem>>) src(%arg10 : memref<80x128xf32, #tpu.memory_space<vmem>>) dst(%dma_wait3A_135 : memref<80x128xf32, #tpu.memory_space<hbm>>)
    }
    %scan3A_9 = arith.constant 12 : i32
    return
  }
}

#map = affine_map<(d0, d1) -> (0, 0)>
#map1 = affine_map<(d0, d1) -> (0)>
#map2 = affine_map<(d0, d1) -> (0, 0, 0)>
module attributes {stable_mosaic.version = 14 : i64} {
  func.func @body(%arg0: i32, %arg1: i32, %arg2: memref<153600x256xf32, #tpu.memory_space<hbm>>, %arg3: memref<320000xi32, #tpu.memory_space<hbm>>, %arg4: memref<640x128xf32, #tpu.memory_space<hbm>>, %arg5: memref<2x10240x128xf32, #tpu.memory_space<hbm>>, %arg6: memref<128xi32, #tpu.memory_space<vmem>>, %arg7: memref<128xi32, #tpu.memory_space<vmem>>, %arg8: memref<128x128xf32, #tpu.memory_space<vmem>>, %arg9: memref<128x128xf32, #tpu.memory_space<vmem>>, %arg10: memref<!tpu.dma_semaphore, #tpu.memory_space<semaphore_mem>>, %arg11: memref<!tpu.dma_semaphore, #tpu.memory_space<semaphore_mem>>, %arg12: memref<!tpu.dma_semaphore, #tpu.memory_space<semaphore_mem>>, %arg13: memref<!tpu.dma_semaphore, #tpu.memory_space<semaphore_mem>>, %arg14: memref<!tpu.dma_semaphore, #tpu.memory_space<semaphore_mem>>, %arg15: memref<!tpu.dma_semaphore, #tpu.memory_space<semaphore_mem>>, %arg16: memref<10240x128xf32, #tpu.memory_space<vmem_shared>>) attributes {dimension_semantics = [#tpu.dimension_semantics<core_parallel>, #tpu.dimension_semantics<subcore_parallel>], iteration_bounds = array<i64: 2, 16>, scalar_prefetch = 0 : i64, scratch_operands = 11 : i64, tpu.core_type = #tpu.core_type<sc_vector_subcore>, window_params = [{transform_indices = #map}, {transform_indices = #map1}, {transform_indices = #map}, {transform_indices = #map2}]} {
    %mul3A = arith.constant 640 : i32
    %mul3A_0 = arith.muli %arg1, %mul3A : i32
    "tpu.region"() ({
      %run_scoped3A = tpu.sem_alloc : memref<!tpu.dma_semaphore, #tpu.memory_space<semaphore_mem>>
      %dma_start3A_20 = arith.constant 0 : i32
      %dma_start3A_21 = tpu.memref_slice %arg16[%mul3A_0, %dma_start3A_20] : memref<10240x128xf32, #tpu.memory_space<vmem_shared>> -> memref<640x128xf32, #tpu.memory_space<vmem_shared>>
      tpu.enqueue_dma source(%arg4 : memref<640x128xf32, #tpu.memory_space<hbm>>) target(%dma_start3A_21 : memref<640x128xf32, #tpu.memory_space<vmem_shared>>) target_semaphore(%run_scoped3A : memref<!tpu.dma_semaphore, #tpu.memory_space<semaphore_mem>>)
      %dma_wait3A_22 = arith.constant 0 : i32
      %dma_wait3A_23 = tpu.memref_slice %arg16[%mul3A_0, %dma_wait3A_22] : memref<10240x128xf32, #tpu.memory_space<vmem_shared>> -> memref<640x128xf32, #tpu.memory_space<vmem_shared>>
      tpu.wait_dma2 semaphore(%run_scoped3A : memref<!tpu.dma_semaphore, #tpu.memory_space<semaphore_mem>>) src(%arg4 : memref<640x128xf32, #tpu.memory_space<hbm>>) dst(%dma_wait3A_23 : memref<640x128xf32, #tpu.memory_space<vmem_shared>>)
      tpu.yield
    }) : () -> ()
    %barrier3A = arith.constant 0 : index
    tpu.barrier barrier_id(%barrier3A)
    %mul3A_1 = arith.constant 9600 : i32
    %mul3A_2 = arith.muli %arg1, %mul3A_1 : i32
    %mul3A_3 = arith.constant 128 : i32
    %mul3A_4 = arith.muli %arg0, %mul3A_3 : i32
    %scan3A = arith.constant 0 : i32
    %scan3A_5 = arith.constant 0 : i32
    %scan3A_6 = arith.constant 37 : i32
    %scan3A_7 = arith.addi %scan3A_5, %scan3A_6 : i32
    %scan3A_8 = arith.constant 1 : i32
    scf.for %scan3A_20 = %scan3A_5 to %scan3A_7 step %scan3A_8  : i32 {
      %mul3A_21 = arith.constant 2 : i32
      %mul3A_22 = arith.muli %scan3A_20, %mul3A_21 : i32
      %add3A_23 = arith.constant 0 : i32
      %add3A_24 = arith.addi %mul3A_22, %add3A_23 : i32
      %mul3A_25 = arith.constant 128 : i32
      %mul3A_26 = arith.muli %add3A_24, %mul3A_25 : i32
      %add3A_27 = arith.addi %mul3A_2, %mul3A_26 : i32
      %add3A_28 = arith.constant 0 : i32
      %add3A_29 = arith.addi %add3A_28, %add3A_27 : i32
      %dma_start3A_30 = tpu.memref_slice %arg3[%add3A_29] : memref<320000xi32, #tpu.memory_space<hbm>> -> memref<128xi32, #tpu.memory_space<hbm>>
      %dma_start3A_31 = tpu.memref_slice %arg3[%add3A_29] : memref<320000xi32, #tpu.memory_space<hbm>> -> memref<128xi32, #tpu.memory_space<hbm>>
      tpu.enqueue_dma source(%dma_start3A_31 : memref<128xi32, #tpu.memory_space<hbm>>) target(%arg6 : memref<128xi32, #tpu.memory_space<vmem>>) target_semaphore(%arg10 : memref<!tpu.dma_semaphore, #tpu.memory_space<semaphore_mem>>)
      %dma_start3A_32 = tpu.memref_slice %arg2[%add3A_27, %mul3A_4] : memref<153600x256xf32, #tpu.memory_space<hbm>> -> memref<128x128xf32, #tpu.memory_space<hbm>>
      %dma_start3A_33 = tpu.memref_slice %arg2[%add3A_27, %mul3A_4] : memref<153600x256xf32, #tpu.memory_space<hbm>> -> memref<128x128xf32, #tpu.memory_space<hbm>>
      tpu.enqueue_dma source(%dma_start3A_33 : memref<128x128xf32, #tpu.memory_space<hbm>>) target(%arg8 : memref<128x128xf32, #tpu.memory_space<vmem>>) target_semaphore(%arg12 : memref<!tpu.dma_semaphore, #tpu.memory_space<semaphore_mem>>)
      %add3A_34 = arith.constant 1 : i32
      %add3A_35 = arith.addi %mul3A_22, %add3A_34 : i32
      %mul3A_36 = arith.constant 128 : i32
      %mul3A_37 = arith.muli %add3A_35, %mul3A_36 : i32
      %add3A_38 = arith.addi %mul3A_2, %mul3A_37 : i32
      %add3A_39 = arith.constant 0 : i32
      %add3A_40 = arith.addi %add3A_39, %add3A_38 : i32
      %dma_start3A_41 = tpu.memref_slice %arg3[%add3A_40] : memref<320000xi32, #tpu.memory_space<hbm>> -> memref<128xi32, #tpu.memory_space<hbm>>
      %dma_start3A_42 = tpu.memref_slice %arg3[%add3A_40] : memref<320000xi32, #tpu.memory_space<hbm>> -> memref<128xi32, #tpu.memory_space<hbm>>
      tpu.enqueue_dma source(%dma_start3A_42 : memref<128xi32, #tpu.memory_space<hbm>>) target(%arg7 : memref<128xi32, #tpu.memory_space<vmem>>) target_semaphore(%arg11 : memref<!tpu.dma_semaphore, #tpu.memory_space<semaphore_mem>>)
      %dma_start3A_43 = tpu.memref_slice %arg2[%add3A_38, %mul3A_4] : memref<153600x256xf32, #tpu.memory_space<hbm>> -> memref<128x128xf32, #tpu.memory_space<hbm>>
      %dma_start3A_44 = tpu.memref_slice %arg2[%add3A_38, %mul3A_4] : memref<153600x256xf32, #tpu.memory_space<hbm>> -> memref<128x128xf32, #tpu.memory_space<hbm>>
      tpu.enqueue_dma source(%dma_start3A_44 : memref<128x128xf32, #tpu.memory_space<hbm>>) target(%arg9 : memref<128x128xf32, #tpu.memory_space<vmem>>) target_semaphore(%arg13 : memref<!tpu.dma_semaphore, #tpu.memory_space<semaphore_mem>>)
      %dma_wait3A_45 = tpu.memref_slice %arg3[%add3A_29] : memref<320000xi32, #tpu.memory_space<hbm>> -> memref<128xi32, #tpu.memory_space<hbm>>
      %dma_wait3A_46 = tpu.memref_slice %arg3[%add3A_29] : memref<320000xi32, #tpu.memory_space<hbm>> -> memref<128xi32, #tpu.memory_space<hbm>>
      tpu.wait_dma2 semaphore(%arg10 : memref<!tpu.dma_semaphore, #tpu.memory_space<semaphore_mem>>) src(%dma_wait3A_46 : memref<128xi32, #tpu.memory_space<hbm>>) dst(%arg6 : memref<128xi32, #tpu.memory_space<vmem>>)
      %dma_wait3A_47 = tpu.memref_slice %arg2[%add3A_27, %mul3A_4] : memref<153600x256xf32, #tpu.memory_space<hbm>> -> memref<128x128xf32, #tpu.memory_space<hbm>>
      %dma_wait3A_48 = tpu.memref_slice %arg2[%add3A_27, %mul3A_4] : memref<153600x256xf32, #tpu.memory_space<hbm>> -> memref<128x128xf32, #tpu.memory_space<hbm>>
      tpu.wait_dma2 semaphore(%arg12 : memref<!tpu.dma_semaphore, #tpu.memory_space<semaphore_mem>>) src(%dma_wait3A_48 : memref<128x128xf32, #tpu.memory_space<hbm>>) dst(%arg8 : memref<128x128xf32, #tpu.memory_space<vmem>>)
      %dma_start3A_49 = arith.constant 0 : i32
      %dma_start3A_50 = arith.constant 0 : i32
      %dma_start3A_51 = tpu.memref_slice %arg16[%dma_start3A_49, %dma_start3A_50] : memref<10240x128xf32, #tpu.memory_space<vmem_shared>> -> memref<10240x128xf32, #tpu.memory_space<vmem_shared>>
      tpu.enqueue_indirect_dma source(%arg8 : memref<128x128xf32, #tpu.memory_space<vmem>>) target(%dma_start3A_51 : memref<10240x128xf32, #tpu.memory_space<vmem_shared>>) offsets(%arg6 : memref<128xi32, #tpu.memory_space<vmem>>) semaphore(%arg14 : memref<!tpu.dma_semaphore, #tpu.memory_space<semaphore_mem>>) {add = true}
      %dma_wait3A_52 = tpu.memref_slice %arg3[%add3A_40] : memref<320000xi32, #tpu.memory_space<hbm>> -> memref<128xi32, #tpu.memory_space<hbm>>
      %dma_wait3A_53 = tpu.memref_slice %arg3[%add3A_40] : memref<320000xi32, #tpu.memory_space<hbm>> -> memref<128xi32, #tpu.memory_space<hbm>>
      tpu.wait_dma2 semaphore(%arg11 : memref<!tpu.dma_semaphore, #tpu.memory_space<semaphore_mem>>) src(%dma_wait3A_53 : memref<128xi32, #tpu.memory_space<hbm>>) dst(%arg7 : memref<128xi32, #tpu.memory_space<vmem>>)
      %dma_wait3A_54 = tpu.memref_slice %arg2[%add3A_38, %mul3A_4] : memref<153600x256xf32, #tpu.memory_space<hbm>> -> memref<128x128xf32, #tpu.memory_space<hbm>>
      %dma_wait3A_55 = tpu.memref_slice %arg2[%add3A_38, %mul3A_4] : memref<153600x256xf32, #tpu.memory_space<hbm>> -> memref<128x128xf32, #tpu.memory_space<hbm>>
      tpu.wait_dma2 semaphore(%arg13 : memref<!tpu.dma_semaphore, #tpu.memory_space<semaphore_mem>>) src(%dma_wait3A_55 : memref<128x128xf32, #tpu.memory_space<hbm>>) dst(%arg9 : memref<128x128xf32, #tpu.memory_space<vmem>>)
      %dma_start3A_56 = arith.constant 0 : i32
      %dma_start3A_57 = arith.constant 0 : i32
      %dma_start3A_58 = tpu.memref_slice %arg16[%dma_start3A_56, %dma_start3A_57] : memref<10240x128xf32, #tpu.memory_space<vmem_shared>> -> memref<10240x128xf32, #tpu.memory_space<vmem_shared>>
      tpu.enqueue_indirect_dma source(%arg9 : memref<128x128xf32, #tpu.memory_space<vmem>>) target(%dma_start3A_58 : memref<10240x128xf32, #tpu.memory_space<vmem_shared>>) offsets(%arg7 : memref<128xi32, #tpu.memory_space<vmem>>) semaphore(%arg15 : memref<!tpu.dma_semaphore, #tpu.memory_space<semaphore_mem>>) {add = true}
      %dma_wait3A_59 = arith.constant 0 : i32
      %dma_wait3A_60 = arith.constant 0 : i32
      %dma_wait3A_61 = tpu.memref_slice %arg16[%dma_wait3A_59, %dma_wait3A_60] : memref<10240x128xf32, #tpu.memory_space<vmem_shared>> -> memref<10240x128xf32, #tpu.memory_space<vmem_shared>>
      tpu.wait_indirect_dma semaphore(%arg14 : memref<!tpu.dma_semaphore, #tpu.memory_space<semaphore_mem>>) src(%arg8 : memref<128x128xf32, #tpu.memory_space<vmem>>) dst(%dma_wait3A_61 : memref<10240x128xf32, #tpu.memory_space<vmem_shared>>)
      %dma_wait3A_62 = arith.constant 0 : i32
      %dma_wait3A_63 = arith.constant 0 : i32
      %dma_wait3A_64 = tpu.memref_slice %arg16[%dma_wait3A_62, %dma_wait3A_63] : memref<10240x128xf32, #tpu.memory_space<vmem_shared>> -> memref<10240x128xf32, #tpu.memory_space<vmem_shared>>
      tpu.wait_indirect_dma semaphore(%arg15 : memref<!tpu.dma_semaphore, #tpu.memory_space<semaphore_mem>>) src(%arg9 : memref<128x128xf32, #tpu.memory_space<vmem>>) dst(%dma_wait3A_64 : memref<10240x128xf32, #tpu.memory_space<vmem_shared>>)
    }
    %scan3A_9 = arith.constant 37 : i32
    %add3A = arith.constant 9472 : i32
    %add3A_10 = arith.addi %mul3A_2, %add3A : i32
    %add3A_11 = arith.constant 0 : i32
    %add3A_12 = arith.addi %add3A_11, %add3A_10 : i32
    %dma_start3A = tpu.memref_slice %arg3[%add3A_12] : memref<320000xi32, #tpu.memory_space<hbm>> -> memref<128xi32, #tpu.memory_space<hbm>>
    %dma_start3A_13 = tpu.memref_slice %arg3[%add3A_12] : memref<320000xi32, #tpu.memory_space<hbm>> -> memref<128xi32, #tpu.memory_space<hbm>>
    tpu.enqueue_dma source(%dma_start3A_13 : memref<128xi32, #tpu.memory_space<hbm>>) target(%arg6 : memref<128xi32, #tpu.memory_space<vmem>>) target_semaphore(%arg10 : memref<!tpu.dma_semaphore, #tpu.memory_space<semaphore_mem>>)
    %dma_start3A_14 = tpu.memref_slice %arg2[%add3A_10, %mul3A_4] : memref<153600x256xf32, #tpu.memory_space<hbm>> -> memref<128x128xf32, #tpu.memory_space<hbm>>
    %dma_start3A_15 = tpu.memref_slice %arg2[%add3A_10, %mul3A_4] : memref<153600x256xf32, #tpu.memory_space<hbm>> -> memref<128x128xf32, #tpu.memory_space<hbm>>
    tpu.enqueue_dma source(%dma_start3A_15 : memref<128x128xf32, #tpu.memory_space<hbm>>) target(%arg8 : memref<128x128xf32, #tpu.memory_space<vmem>>) target_semaphore(%arg12 : memref<!tpu.dma_semaphore, #tpu.memory_space<semaphore_mem>>)
    %dma_wait3A = tpu.memref_slice %arg3[%add3A_12] : memref<320000xi32, #tpu.memory_space<hbm>> -> memref<128xi32, #tpu.memory_space<hbm>>
    %dma_wait3A_16 = tpu.memref_slice %arg3[%add3A_12] : memref<320000xi32, #tpu.memory_space<hbm>> -> memref<128xi32, #tpu.memory_space<hbm>>
    tpu.wait_dma2 semaphore(%arg10 : memref<!tpu.dma_semaphore, #tpu.memory_space<semaphore_mem>>) src(%dma_wait3A_16 : memref<128xi32, #tpu.memory_space<hbm>>) dst(%arg6 : memref<128xi32, #tpu.memory_space<vmem>>)
    %dma_wait3A_17 = tpu.memref_slice %arg2[%add3A_10, %mul3A_4] : memref<153600x256xf32, #tpu.memory_space<hbm>> -> memref<128x128xf32, #tpu.memory_space<hbm>>
    %dma_wait3A_18 = tpu.memref_slice %arg2[%add3A_10, %mul3A_4] : memref<153600x256xf32, #tpu.memory_space<hbm>> -> memref<128x128xf32, #tpu.memory_space<hbm>>
    tpu.wait_dma2 semaphore(%arg12 : memref<!tpu.dma_semaphore, #tpu.memory_space<semaphore_mem>>) src(%dma_wait3A_18 : memref<128x128xf32, #tpu.memory_space<hbm>>) dst(%arg8 : memref<128x128xf32, #tpu.memory_space<vmem>>)
    "tpu.region"() ({
      %run_scoped3A = tpu.sem_alloc : memref<!tpu.dma_semaphore, #tpu.memory_space<semaphore_mem>>
      %dma_start3A_20 = arith.constant 0 : i32
      %dma_start3A_21 = arith.constant 0 : i32
      %dma_start3A_22 = tpu.memref_slice %arg16[%dma_start3A_20, %dma_start3A_21] : memref<10240x128xf32, #tpu.memory_space<vmem_shared>> -> memref<10240x128xf32, #tpu.memory_space<vmem_shared>>
      tpu.enqueue_indirect_dma source(%arg8 : memref<128x128xf32, #tpu.memory_space<vmem>>) target(%dma_start3A_22 : memref<10240x128xf32, #tpu.memory_space<vmem_shared>>) offsets(%arg6 : memref<128xi32, #tpu.memory_space<vmem>>) semaphore(%run_scoped3A : memref<!tpu.dma_semaphore, #tpu.memory_space<semaphore_mem>>) {add = true}
      %dma_wait3A_23 = arith.constant 0 : i32
      %dma_wait3A_24 = arith.constant 0 : i32
      %dma_wait3A_25 = tpu.memref_slice %arg16[%dma_wait3A_23, %dma_wait3A_24] : memref<10240x128xf32, #tpu.memory_space<vmem_shared>> -> memref<10240x128xf32, #tpu.memory_space<vmem_shared>>
      tpu.wait_indirect_dma semaphore(%run_scoped3A : memref<!tpu.dma_semaphore, #tpu.memory_space<semaphore_mem>>) src(%arg8 : memref<128x128xf32, #tpu.memory_space<vmem>>) dst(%dma_wait3A_25 : memref<10240x128xf32, #tpu.memory_space<vmem_shared>>)
      tpu.yield
    }) : () -> ()
    %barrier3A_19 = arith.constant 0 : index
    tpu.barrier barrier_id(%barrier3A_19)
    "tpu.region"() ({
      %run_scoped3A = tpu.sem_alloc : memref<!tpu.dma_semaphore, #tpu.memory_space<semaphore_mem>>
      %dma_start3A_20 = arith.constant 0 : i32
      %dma_start3A_21 = tpu.memref_slice %arg5[%arg0, %mul3A_0, %dma_start3A_20] : memref<2x10240x128xf32, #tpu.memory_space<hbm>> -> memref<1x640x128xf32, #tpu.memory_space<hbm>>
      %dma_start3A_22 = tpu.memref_squeeze %dma_start3A_21 : memref<1x640x128xf32, #tpu.memory_space<hbm>> -> memref<640x128xf32, #tpu.memory_space<hbm>>
      %dma_start3A_23 = arith.constant 0 : i32
      %dma_start3A_24 = tpu.memref_slice %arg16[%mul3A_0, %dma_start3A_23] : memref<10240x128xf32, #tpu.memory_space<vmem_shared>> -> memref<640x128xf32, #tpu.memory_space<vmem_shared>>
      tpu.enqueue_dma source(%dma_start3A_24 : memref<640x128xf32, #tpu.memory_space<vmem_shared>>) target(%dma_start3A_22 : memref<640x128xf32, #tpu.memory_space<hbm>>) target_semaphore(%run_scoped3A : memref<!tpu.dma_semaphore, #tpu.memory_space<semaphore_mem>>)
      %dma_wait3A_25 = arith.constant 0 : i32
      %dma_wait3A_26 = tpu.memref_slice %arg5[%arg0, %mul3A_0, %dma_wait3A_25] : memref<2x10240x128xf32, #tpu.memory_space<hbm>> -> memref<1x640x128xf32, #tpu.memory_space<hbm>>
      %dma_wait3A_27 = tpu.memref_squeeze %dma_wait3A_26 : memref<1x640x128xf32, #tpu.memory_space<hbm>> -> memref<640x128xf32, #tpu.memory_space<hbm>>
      %dma_wait3A_28 = arith.constant 0 : i32
      %dma_wait3A_29 = tpu.memref_slice %arg16[%mul3A_0, %dma_wait3A_28] : memref<10240x128xf32, #tpu.memory_space<vmem_shared>> -> memref<640x128xf32, #tpu.memory_space<vmem_shared>>
      tpu.wait_dma2 semaphore(%run_scoped3A : memref<!tpu.dma_semaphore, #tpu.memory_space<semaphore_mem>>) src(%dma_wait3A_29 : memref<640x128xf32, #tpu.memory_space<vmem_shared>>) dst(%dma_wait3A_27 : memref<640x128xf32, #tpu.memory_space<hbm>>)
      tpu.yield
    }) : () -> ()
    return
  }
}

#map = affine_map<(d0, d1) -> (0, 0)>
#map1 = affine_map<(d0, d1) -> (0)>
module attributes {stable_mosaic.version = 14 : i64} {
  func.func @body(%arg0: i32, %arg1: i32, %arg2: memref<10000x128xf32, #tpu.memory_space<hbm>>, %arg3: memref<320000xi32, #tpu.memory_space<hbm>>, %arg4: memref<166400x128xf32, #tpu.memory_space<hbm>>, %arg5: memref<5200xi32, #tpu.memory_space<vmem>>, %arg6: memref<80x128xf32, #tpu.memory_space<vmem>>, %arg7: memref<80x128xf32, #tpu.memory_space<vmem>>, %arg8: memref<80x128xf32, #tpu.memory_space<vmem>>, %arg9: memref<80x128xf32, #tpu.memory_space<vmem>>, %arg10: memref<80x128xf32, #tpu.memory_space<vmem>>, %arg11: memref<!tpu.dma_semaphore, #tpu.memory_space<semaphore_mem>>, %arg12: memref<!tpu.dma_semaphore, #tpu.memory_space<semaphore_mem>>, %arg13: memref<!tpu.dma_semaphore, #tpu.memory_space<semaphore_mem>>, %arg14: memref<!tpu.dma_semaphore, #tpu.memory_space<semaphore_mem>>, %arg15: memref<!tpu.dma_semaphore, #tpu.memory_space<semaphore_mem>>, %arg16: memref<!tpu.dma_semaphore, #tpu.memory_space<semaphore_mem>>, %arg17: memref<!tpu.dma_semaphore, #tpu.memory_space<semaphore_mem>>, %arg18: memref<!tpu.dma_semaphore, #tpu.memory_space<semaphore_mem>>, %arg19: memref<!tpu.dma_semaphore, #tpu.memory_space<semaphore_mem>>, %arg20: memref<!tpu.dma_semaphore, #tpu.memory_space<semaphore_mem>>) attributes {dimension_semantics = [#tpu.dimension_semantics<core_parallel>, #tpu.dimension_semantics<subcore_parallel>], iteration_bounds = array<i64: 2, 16>, scalar_prefetch = 0 : i64, scratch_operands = 16 : i64, tpu.core_type = #tpu.core_type<sc_vector_subcore>, window_params = [{transform_indices = #map}, {transform_indices = #map1}, {transform_indices = #map}]} {
    %mul3A = arith.constant 16 : i32
    %mul3A_0 = arith.muli %arg0, %mul3A : i32
    %add3A = arith.addi %mul3A_0, %arg1 : i32
    %mul3A_1 = arith.constant 5200 : i32
    %mul3A_2 = arith.muli %add3A, %mul3A_1 : i32
    %add3A_3 = arith.constant 153600 : i32
    %add3A_4 = arith.addi %add3A_3, %mul3A_2 : i32
    "tpu.region"() ({
      %run_scoped3A = tpu.sem_alloc : memref<!tpu.dma_semaphore, #tpu.memory_space<semaphore_mem>>
      %dma_start3A = tpu.memref_slice %arg3[%add3A_4] : memref<320000xi32, #tpu.memory_space<hbm>> -> memref<5200xi32, #tpu.memory_space<hbm>>
      %dma_start3A_10 = tpu.memref_slice %arg3[%add3A_4] : memref<320000xi32, #tpu.memory_space<hbm>> -> memref<5200xi32, #tpu.memory_space<hbm>>
      tpu.enqueue_dma source(%dma_start3A_10 : memref<5200xi32, #tpu.memory_space<hbm>>) target(%arg5 : memref<5200xi32, #tpu.memory_space<vmem>>) target_semaphore(%run_scoped3A : memref<!tpu.dma_semaphore, #tpu.memory_space<semaphore_mem>>)
      %dma_wait3A = tpu.memref_slice %arg3[%add3A_4] : memref<320000xi32, #tpu.memory_space<hbm>> -> memref<5200xi32, #tpu.memory_space<hbm>>
      %dma_wait3A_11 = tpu.memref_slice %arg3[%add3A_4] : memref<320000xi32, #tpu.memory_space<hbm>> -> memref<5200xi32, #tpu.memory_space<hbm>>
      tpu.wait_dma2 semaphore(%run_scoped3A : memref<!tpu.dma_semaphore, #tpu.memory_space<semaphore_mem>>) src(%dma_wait3A_11 : memref<5200xi32, #tpu.memory_space<hbm>>) dst(%arg5 : memref<5200xi32, #tpu.memory_space<vmem>>)
      tpu.yield
    }) : () -> ()
    %scan3A = arith.constant 0 : i32
    %scan3A_5 = arith.constant 0 : i32
    %scan3A_6 = arith.constant 13 : i32
    %scan3A_7 = arith.addi %scan3A_5, %scan3A_6 : i32
    %scan3A_8 = arith.constant 1 : i32
    scf.for %scan3A_10 = %scan3A_5 to %scan3A_7 step %scan3A_8  : i32 {
      %mul3A_11 = arith.constant 5 : i32
      %mul3A_12 = arith.muli %scan3A_10, %mul3A_11 : i32
      %add3A_13 = arith.constant 0 : i32
      %add3A_14 = arith.addi %mul3A_12, %add3A_13 : i32
      %mul3A_15 = arith.constant 80 : i32
      %mul3A_16 = arith.muli %add3A_14, %mul3A_15 : i32
      %dma_start3A = tpu.memref_slice %arg5[%mul3A_16] : memref<5200xi32, #tpu.memory_space<vmem>> -> memref<80xi32, #tpu.memory_space<vmem>>
      %dma_start3A_17 = arith.constant 0 : i32
      %dma_start3A_18 = arith.constant 0 : i32
      %dma_start3A_19 = tpu.memref_slice %arg2[%dma_start3A_17, %dma_start3A_18] : memref<10000x128xf32, #tpu.memory_space<hbm>> -> memref<10000x128xf32, #tpu.memory_space<hbm>>
      tpu.enqueue_indirect_dma source(%dma_start3A_19 : memref<10000x128xf32, #tpu.memory_space<hbm>>) target(%arg6 : memref<80x128xf32, #tpu.memory_space<vmem>>) offsets(%dma_start3A : memref<80xi32, #tpu.memory_space<vmem>>) semaphore(%arg11 : memref<!tpu.dma_semaphore, #tpu.memory_space<semaphore_mem>>)
      %add3A_20 = arith.constant 1 : i32
      %add3A_21 = arith.addi %mul3A_12, %add3A_20 : i32
      %mul3A_22 = arith.constant 80 : i32
      %mul3A_23 = arith.muli %add3A_21, %mul3A_22 : i32
      %dma_start3A_24 = tpu.memref_slice %arg5[%mul3A_23] : memref<5200xi32, #tpu.memory_space<vmem>> -> memref<80xi32, #tpu.memory_space<vmem>>
      %dma_start3A_25 = arith.constant 0 : i32
      %dma_start3A_26 = arith.constant 0 : i32
      %dma_start3A_27 = tpu.memref_slice %arg2[%dma_start3A_25, %dma_start3A_26] : memref<10000x128xf32, #tpu.memory_space<hbm>> -> memref<10000x128xf32, #tpu.memory_space<hbm>>
      tpu.enqueue_indirect_dma source(%dma_start3A_27 : memref<10000x128xf32, #tpu.memory_space<hbm>>) target(%arg7 : memref<80x128xf32, #tpu.memory_space<vmem>>) offsets(%dma_start3A_24 : memref<80xi32, #tpu.memory_space<vmem>>) semaphore(%arg12 : memref<!tpu.dma_semaphore, #tpu.memory_space<semaphore_mem>>)
      %add3A_28 = arith.constant 2 : i32
      %add3A_29 = arith.addi %mul3A_12, %add3A_28 : i32
      %mul3A_30 = arith.constant 80 : i32
      %mul3A_31 = arith.muli %add3A_29, %mul3A_30 : i32
      %dma_start3A_32 = tpu.memref_slice %arg5[%mul3A_31] : memref<5200xi32, #tpu.memory_space<vmem>> -> memref<80xi32, #tpu.memory_space<vmem>>
      %dma_start3A_33 = arith.constant 0 : i32
      %dma_start3A_34 = arith.constant 0 : i32
      %dma_start3A_35 = tpu.memref_slice %arg2[%dma_start3A_33, %dma_start3A_34] : memref<10000x128xf32, #tpu.memory_space<hbm>> -> memref<10000x128xf32, #tpu.memory_space<hbm>>
      tpu.enqueue_indirect_dma source(%dma_start3A_35 : memref<10000x128xf32, #tpu.memory_space<hbm>>) target(%arg8 : memref<80x128xf32, #tpu.memory_space<vmem>>) offsets(%dma_start3A_32 : memref<80xi32, #tpu.memory_space<vmem>>) semaphore(%arg13 : memref<!tpu.dma_semaphore, #tpu.memory_space<semaphore_mem>>)
      %add3A_36 = arith.constant 3 : i32
      %add3A_37 = arith.addi %mul3A_12, %add3A_36 : i32
      %mul3A_38 = arith.constant 80 : i32
      %mul3A_39 = arith.muli %add3A_37, %mul3A_38 : i32
      %dma_start3A_40 = tpu.memref_slice %arg5[%mul3A_39] : memref<5200xi32, #tpu.memory_space<vmem>> -> memref<80xi32, #tpu.memory_space<vmem>>
      %dma_start3A_41 = arith.constant 0 : i32
      %dma_start3A_42 = arith.constant 0 : i32
      %dma_start3A_43 = tpu.memref_slice %arg2[%dma_start3A_41, %dma_start3A_42] : memref<10000x128xf32, #tpu.memory_space<hbm>> -> memref<10000x128xf32, #tpu.memory_space<hbm>>
      tpu.enqueue_indirect_dma source(%dma_start3A_43 : memref<10000x128xf32, #tpu.memory_space<hbm>>) target(%arg9 : memref<80x128xf32, #tpu.memory_space<vmem>>) offsets(%dma_start3A_40 : memref<80xi32, #tpu.memory_space<vmem>>) semaphore(%arg14 : memref<!tpu.dma_semaphore, #tpu.memory_space<semaphore_mem>>)
      %add3A_44 = arith.constant 4 : i32
      %add3A_45 = arith.addi %mul3A_12, %add3A_44 : i32
      %mul3A_46 = arith.constant 80 : i32
      %mul3A_47 = arith.muli %add3A_45, %mul3A_46 : i32
      %dma_start3A_48 = tpu.memref_slice %arg5[%mul3A_47] : memref<5200xi32, #tpu.memory_space<vmem>> -> memref<80xi32, #tpu.memory_space<vmem>>
      %dma_start3A_49 = arith.constant 0 : i32
      %dma_start3A_50 = arith.constant 0 : i32
      %dma_start3A_51 = tpu.memref_slice %arg2[%dma_start3A_49, %dma_start3A_50] : memref<10000x128xf32, #tpu.memory_space<hbm>> -> memref<10000x128xf32, #tpu.memory_space<hbm>>
      tpu.enqueue_indirect_dma source(%dma_start3A_51 : memref<10000x128xf32, #tpu.memory_space<hbm>>) target(%arg10 : memref<80x128xf32, #tpu.memory_space<vmem>>) offsets(%dma_start3A_48 : memref<80xi32, #tpu.memory_space<vmem>>) semaphore(%arg15 : memref<!tpu.dma_semaphore, #tpu.memory_space<semaphore_mem>>)
      %add3A_52 = arith.constant 0 : i32
      %add3A_53 = arith.addi %mul3A_12, %add3A_52 : i32
      %dma_wait3A = tpu.memref_slice %arg5[%mul3A_16] : memref<5200xi32, #tpu.memory_space<vmem>> -> memref<80xi32, #tpu.memory_space<vmem>>
      %dma_wait3A_54 = arith.constant 0 : i32
      %dma_wait3A_55 = arith.constant 0 : i32
      %dma_wait3A_56 = tpu.memref_slice %arg2[%dma_wait3A_54, %dma_wait3A_55] : memref<10000x128xf32, #tpu.memory_space<hbm>> -> memref<10000x128xf32, #tpu.memory_space<hbm>>
      tpu.wait_indirect_dma semaphore(%arg11 : memref<!tpu.dma_semaphore, #tpu.memory_space<semaphore_mem>>) src(%dma_wait3A_56 : memref<10000x128xf32, #tpu.memory_space<hbm>>) dst(%arg6 : memref<80x128xf32, #tpu.memory_space<vmem>>)
      %mul3A_57 = arith.constant 80 : i32
      %mul3A_58 = arith.muli %add3A_53, %mul3A_57 : i32
      %add3A_59 = arith.addi %mul3A_2, %mul3A_58 : i32
      %dma_start3A_60 = arith.constant 0 : i32
      %dma_start3A_61 = tpu.memref_slice %arg4[%add3A_59, %dma_start3A_60] : memref<166400x128xf32, #tpu.memory_space<hbm>> -> memref<80x128xf32, #tpu.memory_space<hbm>>
      %dma_start3A_62 = arith.constant 0 : i32
      %dma_start3A_63 = tpu.memref_slice %arg4[%add3A_59, %dma_start3A_62] : memref<166400x128xf32, #tpu.memory_space<hbm>> -> memref<80x128xf32, #tpu.memory_space<hbm>>
      tpu.enqueue_dma source(%arg6 : memref<80x128xf32, #tpu.memory_space<vmem>>) target(%dma_start3A_63 : memref<80x128xf32, #tpu.memory_space<hbm>>) target_semaphore(%arg16 : memref<!tpu.dma_semaphore, #tpu.memory_space<semaphore_mem>>)
      %add3A_64 = arith.constant 1 : i32
      %add3A_65 = arith.addi %mul3A_12, %add3A_64 : i32
      %dma_wait3A_66 = tpu.memref_slice %arg5[%mul3A_23] : memref<5200xi32, #tpu.memory_space<vmem>> -> memref<80xi32, #tpu.memory_space<vmem>>
      %dma_wait3A_67 = arith.constant 0 : i32
      %dma_wait3A_68 = arith.constant 0 : i32
      %dma_wait3A_69 = tpu.memref_slice %arg2[%dma_wait3A_67, %dma_wait3A_68] : memref<10000x128xf32, #tpu.memory_space<hbm>> -> memref<10000x128xf32, #tpu.memory_space<hbm>>
      tpu.wait_indirect_dma semaphore(%arg12 : memref<!tpu.dma_semaphore, #tpu.memory_space<semaphore_mem>>) src(%dma_wait3A_69 : memref<10000x128xf32, #tpu.memory_space<hbm>>) dst(%arg7 : memref<80x128xf32, #tpu.memory_space<vmem>>)
      %mul3A_70 = arith.constant 80 : i32
      %mul3A_71 = arith.muli %add3A_65, %mul3A_70 : i32
      %add3A_72 = arith.addi %mul3A_2, %mul3A_71 : i32
      %dma_start3A_73 = arith.constant 0 : i32
      %dma_start3A_74 = tpu.memref_slice %arg4[%add3A_72, %dma_start3A_73] : memref<166400x128xf32, #tpu.memory_space<hbm>> -> memref<80x128xf32, #tpu.memory_space<hbm>>
      %dma_start3A_75 = arith.constant 0 : i32
      %dma_start3A_76 = tpu.memref_slice %arg4[%add3A_72, %dma_start3A_75] : memref<166400x128xf32, #tpu.memory_space<hbm>> -> memref<80x128xf32, #tpu.memory_space<hbm>>
      tpu.enqueue_dma source(%arg7 : memref<80x128xf32, #tpu.memory_space<vmem>>) target(%dma_start3A_76 : memref<80x128xf32, #tpu.memory_space<hbm>>) target_semaphore(%arg17 : memref<!tpu.dma_semaphore, #tpu.memory_space<semaphore_mem>>)
      %add3A_77 = arith.constant 2 : i32
      %add3A_78 = arith.addi %mul3A_12, %add3A_77 : i32
      %dma_wait3A_79 = tpu.memref_slice %arg5[%mul3A_31] : memref<5200xi32, #tpu.memory_space<vmem>> -> memref<80xi32, #tpu.memory_space<vmem>>
      %dma_wait3A_80 = arith.constant 0 : i32
      %dma_wait3A_81 = arith.constant 0 : i32
      %dma_wait3A_82 = tpu.memref_slice %arg2[%dma_wait3A_80, %dma_wait3A_81] : memref<10000x128xf32, #tpu.memory_space<hbm>> -> memref<10000x128xf32, #tpu.memory_space<hbm>>
      tpu.wait_indirect_dma semaphore(%arg13 : memref<!tpu.dma_semaphore, #tpu.memory_space<semaphore_mem>>) src(%dma_wait3A_82 : memref<10000x128xf32, #tpu.memory_space<hbm>>) dst(%arg8 : memref<80x128xf32, #tpu.memory_space<vmem>>)
      %mul3A_83 = arith.constant 80 : i32
      %mul3A_84 = arith.muli %add3A_78, %mul3A_83 : i32
      %add3A_85 = arith.addi %mul3A_2, %mul3A_84 : i32
      %dma_start3A_86 = arith.constant 0 : i32
      %dma_start3A_87 = tpu.memref_slice %arg4[%add3A_85, %dma_start3A_86] : memref<166400x128xf32, #tpu.memory_space<hbm>> -> memref<80x128xf32, #tpu.memory_space<hbm>>
      %dma_start3A_88 = arith.constant 0 : i32
      %dma_start3A_89 = tpu.memref_slice %arg4[%add3A_85, %dma_start3A_88] : memref<166400x128xf32, #tpu.memory_space<hbm>> -> memref<80x128xf32, #tpu.memory_space<hbm>>
      tpu.enqueue_dma source(%arg8 : memref<80x128xf32, #tpu.memory_space<vmem>>) target(%dma_start3A_89 : memref<80x128xf32, #tpu.memory_space<hbm>>) target_semaphore(%arg18 : memref<!tpu.dma_semaphore, #tpu.memory_space<semaphore_mem>>)
      %add3A_90 = arith.constant 3 : i32
      %add3A_91 = arith.addi %mul3A_12, %add3A_90 : i32
      %dma_wait3A_92 = tpu.memref_slice %arg5[%mul3A_39] : memref<5200xi32, #tpu.memory_space<vmem>> -> memref<80xi32, #tpu.memory_space<vmem>>
      %dma_wait3A_93 = arith.constant 0 : i32
      %dma_wait3A_94 = arith.constant 0 : i32
      %dma_wait3A_95 = tpu.memref_slice %arg2[%dma_wait3A_93, %dma_wait3A_94] : memref<10000x128xf32, #tpu.memory_space<hbm>> -> memref<10000x128xf32, #tpu.memory_space<hbm>>
      tpu.wait_indirect_dma semaphore(%arg14 : memref<!tpu.dma_semaphore, #tpu.memory_space<semaphore_mem>>) src(%dma_wait3A_95 : memref<10000x128xf32, #tpu.memory_space<hbm>>) dst(%arg9 : memref<80x128xf32, #tpu.memory_space<vmem>>)
      %mul3A_96 = arith.constant 80 : i32
      %mul3A_97 = arith.muli %add3A_91, %mul3A_96 : i32
      %add3A_98 = arith.addi %mul3A_2, %mul3A_97 : i32
      %dma_start3A_99 = arith.constant 0 : i32
      %dma_start3A_100 = tpu.memref_slice %arg4[%add3A_98, %dma_start3A_99] : memref<166400x128xf32, #tpu.memory_space<hbm>> -> memref<80x128xf32, #tpu.memory_space<hbm>>
      %dma_start3A_101 = arith.constant 0 : i32
      %dma_start3A_102 = tpu.memref_slice %arg4[%add3A_98, %dma_start3A_101] : memref<166400x128xf32, #tpu.memory_space<hbm>> -> memref<80x128xf32, #tpu.memory_space<hbm>>
      tpu.enqueue_dma source(%arg9 : memref<80x128xf32, #tpu.memory_space<vmem>>) target(%dma_start3A_102 : memref<80x128xf32, #tpu.memory_space<hbm>>) target_semaphore(%arg19 : memref<!tpu.dma_semaphore, #tpu.memory_space<semaphore_mem>>)
      %add3A_103 = arith.constant 4 : i32
      %add3A_104 = arith.addi %mul3A_12, %add3A_103 : i32
      %dma_wait3A_105 = tpu.memref_slice %arg5[%mul3A_47] : memref<5200xi32, #tpu.memory_space<vmem>> -> memref<80xi32, #tpu.memory_space<vmem>>
      %dma_wait3A_106 = arith.constant 0 : i32
      %dma_wait3A_107 = arith.constant 0 : i32
      %dma_wait3A_108 = tpu.memref_slice %arg2[%dma_wait3A_106, %dma_wait3A_107] : memref<10000x128xf32, #tpu.memory_space<hbm>> -> memref<10000x128xf32, #tpu.memory_space<hbm>>
      tpu.wait_indirect_dma semaphore(%arg15 : memref<!tpu.dma_semaphore, #tpu.memory_space<semaphore_mem>>) src(%dma_wait3A_108 : memref<10000x128xf32, #tpu.memory_space<hbm>>) dst(%arg10 : memref<80x128xf32, #tpu.memory_space<vmem>>)
      %mul3A_109 = arith.constant 80 : i32
      %mul3A_110 = arith.muli %add3A_104, %mul3A_109 : i32
      %add3A_111 = arith.addi %mul3A_2, %mul3A_110 : i32
      %dma_start3A_112 = arith.constant 0 : i32
      %dma_start3A_113 = tpu.memref_slice %arg4[%add3A_111, %dma_start3A_112] : memref<166400x128xf32, #tpu.memory_space<hbm>> -> memref<80x128xf32, #tpu.memory_space<hbm>>
      %dma_start3A_114 = arith.constant 0 : i32
      %dma_start3A_115 = tpu.memref_slice %arg4[%add3A_111, %dma_start3A_114] : memref<166400x128xf32, #tpu.memory_space<hbm>> -> memref<80x128xf32, #tpu.memory_space<hbm>>
      tpu.enqueue_dma source(%arg10 : memref<80x128xf32, #tpu.memory_space<vmem>>) target(%dma_start3A_115 : memref<80x128xf32, #tpu.memory_space<hbm>>) target_semaphore(%arg20 : memref<!tpu.dma_semaphore, #tpu.memory_space<semaphore_mem>>)
      %dma_wait3A_116 = arith.constant 0 : i32
      %dma_wait3A_117 = tpu.memref_slice %arg4[%add3A_59, %dma_wait3A_116] : memref<166400x128xf32, #tpu.memory_space<hbm>> -> memref<80x128xf32, #tpu.memory_space<hbm>>
      %dma_wait3A_118 = arith.constant 0 : i32
      %dma_wait3A_119 = tpu.memref_slice %arg4[%add3A_59, %dma_wait3A_118] : memref<166400x128xf32, #tpu.memory_space<hbm>> -> memref<80x128xf32, #tpu.memory_space<hbm>>
      tpu.wait_dma2 semaphore(%arg16 : memref<!tpu.dma_semaphore, #tpu.memory_space<semaphore_mem>>) src(%arg6 : memref<80x128xf32, #tpu.memory_space<vmem>>) dst(%dma_wait3A_119 : memref<80x128xf32, #tpu.memory_space<hbm>>)
      %dma_wait3A_120 = arith.constant 0 : i32
      %dma_wait3A_121 = tpu.memref_slice %arg4[%add3A_72, %dma_wait3A_120] : memref<166400x128xf32, #tpu.memory_space<hbm>> -> memref<80x128xf32, #tpu.memory_space<hbm>>
      %dma_wait3A_122 = arith.constant 0 : i32
      %dma_wait3A_123 = tpu.memref_slice %arg4[%add3A_72, %dma_wait3A_122] : memref<166400x128xf32, #tpu.memory_space<hbm>> -> memref<80x128xf32, #tpu.memory_space<hbm>>
      tpu.wait_dma2 semaphore(%arg17 : memref<!tpu.dma_semaphore, #tpu.memory_space<semaphore_mem>>) src(%arg7 : memref<80x128xf32, #tpu.memory_space<vmem>>) dst(%dma_wait3A_123 : memref<80x128xf32, #tpu.memory_space<hbm>>)
      %dma_wait3A_124 = arith.constant 0 : i32
      %dma_wait3A_125 = tpu.memref_slice %arg4[%add3A_85, %dma_wait3A_124] : memref<166400x128xf32, #tpu.memory_space<hbm>> -> memref<80x128xf32, #tpu.memory_space<hbm>>
      %dma_wait3A_126 = arith.constant 0 : i32
      %dma_wait3A_127 = tpu.memref_slice %arg4[%add3A_85, %dma_wait3A_126] : memref<166400x128xf32, #tpu.memory_space<hbm>> -> memref<80x128xf32, #tpu.memory_space<hbm>>
      tpu.wait_dma2 semaphore(%arg18 : memref<!tpu.dma_semaphore, #tpu.memory_space<semaphore_mem>>) src(%arg8 : memref<80x128xf32, #tpu.memory_space<vmem>>) dst(%dma_wait3A_127 : memref<80x128xf32, #tpu.memory_space<hbm>>)
      %dma_wait3A_128 = arith.constant 0 : i32
      %dma_wait3A_129 = tpu.memref_slice %arg4[%add3A_98, %dma_wait3A_128] : memref<166400x128xf32, #tpu.memory_space<hbm>> -> memref<80x128xf32, #tpu.memory_space<hbm>>
      %dma_wait3A_130 = arith.constant 0 : i32
      %dma_wait3A_131 = tpu.memref_slice %arg4[%add3A_98, %dma_wait3A_130] : memref<166400x128xf32, #tpu.memory_space<hbm>> -> memref<80x128xf32, #tpu.memory_space<hbm>>
      tpu.wait_dma2 semaphore(%arg19 : memref<!tpu.dma_semaphore, #tpu.memory_space<semaphore_mem>>) src(%arg9 : memref<80x128xf32, #tpu.memory_space<vmem>>) dst(%dma_wait3A_131 : memref<80x128xf32, #tpu.memory_space<hbm>>)
      %dma_wait3A_132 = arith.constant 0 : i32
      %dma_wait3A_133 = tpu.memref_slice %arg4[%add3A_111, %dma_wait3A_132] : memref<166400x128xf32, #tpu.memory_space<hbm>> -> memref<80x128xf32, #tpu.memory_space<hbm>>
      %dma_wait3A_134 = arith.constant 0 : i32
      %dma_wait3A_135 = tpu.memref_slice %arg4[%add3A_111, %dma_wait3A_134] : memref<166400x128xf32, #tpu.memory_space<hbm>> -> memref<80x128xf32, #tpu.memory_space<hbm>>
      tpu.wait_dma2 semaphore(%arg20 : memref<!tpu.dma_semaphore, #tpu.memory_space<semaphore_mem>>) src(%arg10 : memref<80x128xf32, #tpu.memory_space<vmem>>) dst(%dma_wait3A_135 : memref<80x128xf32, #tpu.memory_space<hbm>>)
    }
    %scan3A_9 = arith.constant 13 : i32
    return
  }
}

module attributes {stable_mosaic.version = 14 : i64} {
  func.func @_v_body(%arg0: i32, %arg1: memref<2560x128xf32, #tpu.memory_space<vmem>>, %arg2: memref<7x2560xf32, #tpu.memory_space<vmem>>, %arg3: memref<2560x256xf32, #tpu.memory_space<vmem>>, %arg4: memref<7x128xf32, #tpu.memory_space<vmem>>, %arg5: memref<1x128xf32, #tpu.memory_space<vmem>>, %arg6: memref<128x256xf32, #tpu.memory_space<vmem>>, %arg7: memref<1x256xf32, #tpu.memory_space<vmem>>, %arg8: memref<2560x256xf32, #tpu.memory_space<vmem>>) attributes {dimension_semantics = [#tpu.dimension_semantics<arbitrary>], iteration_bounds = array<i64: 60>, scalar_prefetch = 0 : i64, scratch_operands = 0 : i64, tpu.core_type = #tpu.core_type<tc>, window_params = [{transform_indices = @transform_0, window_bounds = array<i64: 2560, 128>}, {transform_indices = @transform_1, window_bounds = array<i64: 7, 2560>}, {transform_indices = @transform_2, window_bounds = array<i64: 2560, 256>}, {pipeline_mode = #tpu.pipeline_mode<synchronous>, transform_indices = @transform_3, window_bounds = array<i64: 7, 128>}, {pipeline_mode = #tpu.pipeline_mode<synchronous>, transform_indices = @transform_4, window_bounds = array<i64: 1, 128>}, {pipeline_mode = #tpu.pipeline_mode<synchronous>, transform_indices = @transform_5, window_bounds = array<i64: 128, 256>}, {pipeline_mode = #tpu.pipeline_mode<synchronous>, transform_indices = @transform_6, window_bounds = array<i64: 1, 256>}, {transform_indices = @transform_7, window_bounds = array<i64: 2560, 256>}]} {
    %get3A = arith.constant 0 : index
    %get3A_0 = arith.constant 0 : index
    %get3A_1 = vector.load %arg2[%get3A, %get3A_0] : memref<7x2560xf32, #tpu.memory_space<vmem>>, vector<7x2560xf32>
    %get3A_2 = arith.constant 0 : index
    %get3A_3 = arith.constant 0 : index
    %get3A_4 = vector.load %arg4[%get3A_2, %get3A_3] : memref<7x128xf32, #tpu.memory_space<vmem>>, vector<7x128xf32>
    %dot_general3A = arith.constant dense<0.000000e+00> : vector<2560x128xf32>
    %dot_general3A_5 = tpu.matmul %get3A_1, %get3A_4, %dot_general3A {dimension_numbers = #tpu.dot_dimension_numbers<[0], [0], [1], [1], [0, 1, 1, 1], [], []>, transpose_lhs_hint = false} : vector<7x2560xf32>, vector<7x128xf32>, vector<2560x128xf32> -> vector<2560x128xf32>
    %get3A_6 = arith.constant 0 : index
    %get3A_7 = arith.constant 0 : index
    %get3A_8 = vector.load %arg5[%get3A_6, %get3A_7] : memref<1x128xf32, #tpu.memory_space<vmem>>, vector<1x128xf32>
    %add3A = vector.broadcast %get3A_8 : vector<1x128xf32> to vector<2560x128xf32>
    %add3A_9 = arith.addf %dot_general3A_5, %add3A : vector<2560x128xf32>
    %get3A_10 = arith.constant 0 : index
    %get3A_11 = arith.constant 0 : index
    %get3A_12 = vector.load %arg1[%get3A_10, %get3A_11] : memref<2560x128xf32, #tpu.memory_space<vmem>>, vector<2560x128xf32>
    %add3A_13 = arith.addf %get3A_12, %add3A_9 : vector<2560x128xf32>
    %get3A_14 = arith.constant 0 : index
    %get3A_15 = arith.constant 0 : index
    %get3A_16 = vector.load %arg6[%get3A_14, %get3A_15] : memref<128x256xf32, #tpu.memory_space<vmem>>, vector<128x256xf32>
    %dot_general3A_17 = arith.constant dense<0.000000e+00> : vector<2560x256xf32>
    %dot_general3A_18 = tpu.matmul %add3A_13, %get3A_16, %dot_general3A_17 {dimension_numbers = #tpu.dot_dimension_numbers<[1], [0], [0], [1], [0, 0, 1, 1], [], []>, transpose_lhs_hint = false} : vector<2560x128xf32>, vector<128x256xf32>, vector<2560x256xf32> -> vector<2560x256xf32>
    %get3A_19 = arith.constant 0 : index
    %get3A_20 = arith.constant 0 : index
    %get3A_21 = vector.load %arg7[%get3A_19, %get3A_20] : memref<1x256xf32, #tpu.memory_space<vmem>>, vector<1x256xf32>
    %add3A_22 = vector.broadcast %get3A_21 : vector<1x256xf32> to vector<2560x256xf32>
    %add3A_23 = arith.addf %dot_general3A_18, %add3A_22 : vector<2560x256xf32>
    %max3A = arith.constant 0.000000e+00 : f32
    %max3A_24 = vector.broadcast %max3A : f32 to vector<2560x256xf32>
    %max3A_25 = arith.maximumf %add3A_23, %max3A_24 : vector<2560x256xf32>
    %get3A_26 = arith.constant 0 : index
    %get3A_27 = arith.constant 0 : index
    %get3A_28 = vector.load %arg3[%get3A_26, %get3A_27] : memref<2560x256xf32, #tpu.memory_space<vmem>>, vector<2560x256xf32>
    %mul3A = arith.mulf %max3A_25, %get3A_28 : vector<2560x256xf32>
    %swap3A = arith.constant 0 : index
    %swap3A_29 = arith.constant 0 : index
    %swap3A_30 = vector.load %arg8[%swap3A, %swap3A_29] : memref<2560x256xf32, #tpu.memory_space<vmem>>, vector<2560x256xf32>
    tpu.vector_store %arg8[%swap3A, %swap3A_29], %mul3A {strides = array<i32>} : memref<2560x256xf32, #tpu.memory_space<vmem>>, vector<2560x256xf32>,
    return
  }
  func.func @transform_0(%arg0: i32) -> (i32, i32) {
    %c0_i32 = arith.constant 0 : i32
    %c0_i32_0 = arith.constant 0 : i32
    return %arg0, %c0_i32 : i32, i32
  }
  func.func @transform_1(%arg0: i32) -> (i32, i32) {
    %add3A = arith.constant 0 : i32
    %add3A_0 = arith.addi %add3A, %arg0 : i32
    %c0_i32 = arith.constant 0 : i32
    %c0_i32_1 = arith.constant 0 : i32
    return %c0_i32, %add3A_0 : i32, i32
  }
  func.func @transform_2(%arg0: i32) -> (i32, i32) {
    %add3A = arith.constant 0 : i32
    %add3A_0 = arith.addi %add3A, %arg0 : i32
    %c0_i32 = arith.constant 0 : i32
    %c0_i32_1 = arith.constant 0 : i32
    return %add3A_0, %c0_i32 : i32, i32
  }
  func.func @transform_3(%arg0: i32) -> (i32, i32) {
    %c0_i32 = arith.constant 0 : i32
    %c0_i32_0 = arith.constant 0 : i32
    %c0_i32_1 = arith.constant 0 : i32
    return %c0_i32, %c0_i32_0 : i32, i32
  }
  func.func @transform_4(%arg0: i32) -> (i32, i32) {
    %c0_i32 = arith.constant 0 : i32
    %c0_i32_0 = arith.constant 0 : i32
    %c0_i32_1 = arith.constant 0 : i32
    return %c0_i32, %c0_i32_0 : i32, i32
  }
  func.func @transform_5(%arg0: i32) -> (i32, i32) {
    %c0_i32 = arith.constant 0 : i32
    %c0_i32_0 = arith.constant 0 : i32
    %c0_i32_1 = arith.constant 0 : i32
    return %c0_i32, %c0_i32_0 : i32, i32
  }
  func.func @transform_6(%arg0: i32) -> (i32, i32) {
    %c0_i32 = arith.constant 0 : i32
    %c0_i32_0 = arith.constant 0 : i32
    %c0_i32_1 = arith.constant 0 : i32
    return %c0_i32, %c0_i32_0 : i32, i32
  }
  func.func @transform_7(%arg0: i32) -> (i32, i32) {
    %c0_i32 = arith.constant 0 : i32
    %c0_i32_0 = arith.constant 0 : i32
    return %arg0, %c0_i32 : i32, i32
  }
}

module attributes {stable_mosaic.version = 14 : i64} {
  func.func @_v_body(%arg0: i32, %arg1: memref<2560x128xf32, #tpu.memory_space<vmem>>, %arg2: memref<7x2560xf32, #tpu.memory_space<vmem>>, %arg3: memref<2560x256xf32, #tpu.memory_space<vmem>>, %arg4: memref<7x128xf32, #tpu.memory_space<vmem>>, %arg5: memref<1x128xf32, #tpu.memory_space<vmem>>, %arg6: memref<128x256xf32, #tpu.memory_space<vmem>>, %arg7: memref<1x256xf32, #tpu.memory_space<vmem>>, %arg8: memref<2560x256xf32, #tpu.memory_space<vmem>>) attributes {dimension_semantics = [#tpu.dimension_semantics<arbitrary>], iteration_bounds = array<i64: 65>, scalar_prefetch = 0 : i64, scratch_operands = 0 : i64, tpu.core_type = #tpu.core_type<tc>, window_params = [{transform_indices = @transform_0, window_bounds = array<i64: 2560, 128>}, {transform_indices = @transform_1, window_bounds = array<i64: 7, 2560>}, {transform_indices = @transform_2, window_bounds = array<i64: 2560, 256>}, {pipeline_mode = #tpu.pipeline_mode<synchronous>, transform_indices = @transform_3, window_bounds = array<i64: 7, 128>}, {pipeline_mode = #tpu.pipeline_mode<synchronous>, transform_indices = @transform_4, window_bounds = array<i64: 1, 128>}, {pipeline_mode = #tpu.pipeline_mode<synchronous>, transform_indices = @transform_5, window_bounds = array<i64: 128, 256>}, {pipeline_mode = #tpu.pipeline_mode<synchronous>, transform_indices = @transform_6, window_bounds = array<i64: 1, 256>}, {transform_indices = @transform_7, window_bounds = array<i64: 2560, 256>}]} {
    %get3A = arith.constant 0 : index
    %get3A_0 = arith.constant 0 : index
    %get3A_1 = vector.load %arg2[%get3A, %get3A_0] : memref<7x2560xf32, #tpu.memory_space<vmem>>, vector<7x2560xf32>
    %get3A_2 = arith.constant 0 : index
    %get3A_3 = arith.constant 0 : index
    %get3A_4 = vector.load %arg4[%get3A_2, %get3A_3] : memref<7x128xf32, #tpu.memory_space<vmem>>, vector<7x128xf32>
    %dot_general3A = arith.constant dense<0.000000e+00> : vector<2560x128xf32>
    %dot_general3A_5 = tpu.matmul %get3A_1, %get3A_4, %dot_general3A {dimension_numbers = #tpu.dot_dimension_numbers<[0], [0], [1], [1], [0, 1, 1, 1], [], []>, transpose_lhs_hint = false} : vector<7x2560xf32>, vector<7x128xf32>, vector<2560x128xf32> -> vector<2560x128xf32>
    %get3A_6 = arith.constant 0 : index
    %get3A_7 = arith.constant 0 : index
    %get3A_8 = vector.load %arg5[%get3A_6, %get3A_7] : memref<1x128xf32, #tpu.memory_space<vmem>>, vector<1x128xf32>
    %add3A = vector.broadcast %get3A_8 : vector<1x128xf32> to vector<2560x128xf32>
    %add3A_9 = arith.addf %dot_general3A_5, %add3A : vector<2560x128xf32>
    %get3A_10 = arith.constant 0 : index
    %get3A_11 = arith.constant 0 : index
    %get3A_12 = vector.load %arg1[%get3A_10, %get3A_11] : memref<2560x128xf32, #tpu.memory_space<vmem>>, vector<2560x128xf32>
    %add3A_13 = arith.addf %get3A_12, %add3A_9 : vector<2560x128xf32>
    %get3A_14 = arith.constant 0 : index
    %get3A_15 = arith.constant 0 : index
    %get3A_16 = vector.load %arg6[%get3A_14, %get3A_15] : memref<128x256xf32, #tpu.memory_space<vmem>>, vector<128x256xf32>
    %dot_general3A_17 = arith.constant dense<0.000000e+00> : vector<2560x256xf32>
    %dot_general3A_18 = tpu.matmul %add3A_13, %get3A_16, %dot_general3A_17 {dimension_numbers = #tpu.dot_dimension_numbers<[1], [0], [0], [1], [0, 0, 1, 1], [], []>, transpose_lhs_hint = false} : vector<2560x128xf32>, vector<128x256xf32>, vector<2560x256xf32> -> vector<2560x256xf32>
    %get3A_19 = arith.constant 0 : index
    %get3A_20 = arith.constant 0 : index
    %get3A_21 = vector.load %arg7[%get3A_19, %get3A_20] : memref<1x256xf32, #tpu.memory_space<vmem>>, vector<1x256xf32>
    %add3A_22 = vector.broadcast %get3A_21 : vector<1x256xf32> to vector<2560x256xf32>
    %add3A_23 = arith.addf %dot_general3A_18, %add3A_22 : vector<2560x256xf32>
    %max3A = arith.constant 0.000000e+00 : f32
    %max3A_24 = vector.broadcast %max3A : f32 to vector<2560x256xf32>
    %max3A_25 = arith.maximumf %add3A_23, %max3A_24 : vector<2560x256xf32>
    %get3A_26 = arith.constant 0 : index
    %get3A_27 = arith.constant 0 : index
    %get3A_28 = vector.load %arg3[%get3A_26, %get3A_27] : memref<2560x256xf32, #tpu.memory_space<vmem>>, vector<2560x256xf32>
    %mul3A = arith.mulf %max3A_25, %get3A_28 : vector<2560x256xf32>
    %swap3A = arith.constant 0 : index
    %swap3A_29 = arith.constant 0 : index
    %swap3A_30 = vector.load %arg8[%swap3A, %swap3A_29] : memref<2560x256xf32, #tpu.memory_space<vmem>>, vector<2560x256xf32>
    tpu.vector_store %arg8[%swap3A, %swap3A_29], %mul3A {strides = array<i32>} : memref<2560x256xf32, #tpu.memory_space<vmem>>, vector<2560x256xf32>,
    return
  }
  func.func @transform_0(%arg0: i32) -> (i32, i32) {
    %c0_i32 = arith.constant 0 : i32
    %c0_i32_0 = arith.constant 0 : i32
    return %arg0, %c0_i32 : i32, i32
  }
  func.func @transform_1(%arg0: i32) -> (i32, i32) {
    %add3A = arith.constant 60 : i32
    %add3A_0 = arith.addi %add3A, %arg0 : i32
    %c0_i32 = arith.constant 0 : i32
    %c0_i32_1 = arith.constant 0 : i32
    return %c0_i32, %add3A_0 : i32, i32
  }
  func.func @transform_2(%arg0: i32) -> (i32, i32) {
    %add3A = arith.constant 60 : i32
    %add3A_0 = arith.addi %add3A, %arg0 : i32
    %c0_i32 = arith.constant 0 : i32
    %c0_i32_1 = arith.constant 0 : i32
    return %add3A_0, %c0_i32 : i32, i32
  }
  func.func @transform_3(%arg0: i32) -> (i32, i32) {
    %c0_i32 = arith.constant 0 : i32
    %c0_i32_0 = arith.constant 0 : i32
    %c0_i32_1 = arith.constant 0 : i32
    return %c0_i32, %c0_i32_0 : i32, i32
  }
  func.func @transform_4(%arg0: i32) -> (i32, i32) {
    %c0_i32 = arith.constant 0 : i32
    %c0_i32_0 = arith.constant 0 : i32
    %c0_i32_1 = arith.constant 0 : i32
    return %c0_i32, %c0_i32_0 : i32, i32
  }
  func.func @transform_5(%arg0: i32) -> (i32, i32) {
    %c0_i32 = arith.constant 0 : i32
    %c0_i32_0 = arith.constant 0 : i32
    %c0_i32_1 = arith.constant 0 : i32
    return %c0_i32, %c0_i32_0 : i32, i32
  }
  func.func @transform_6(%arg0: i32) -> (i32, i32) {
    %c0_i32 = arith.constant 0 : i32
    %c0_i32_0 = arith.constant 0 : i32
    %c0_i32_1 = arith.constant 0 : i32
    return %c0_i32, %c0_i32_0 : i32, i32
  }
  func.func @transform_7(%arg0: i32) -> (i32, i32) {
    %c0_i32 = arith.constant 0 : i32
    %c0_i32_0 = arith.constant 0 : i32
    return %arg0, %c0_i32 : i32, i32
  }
}

module attributes {stable_mosaic.version = 14 : i64} {
  func.func @_ffn_body(%arg0: i32, %arg1: memref<1x1000x128xf32, #tpu.memory_space<vmem>>, %arg2: memref<1x1000x128xf32, #tpu.memory_space<vmem>>, %arg3: memref<1x1000x128xf32, #tpu.memory_space<vmem>>, %arg4: memref<1x1000x128xf32, #tpu.memory_space<vmem>>, %arg5: memref<1000x128xf32, #tpu.memory_space<vmem>>, %arg6: memref<128x256xf32, #tpu.memory_space<vmem>>, %arg7: memref<1x256xf32, #tpu.memory_space<vmem>>, %arg8: memref<256x256xf32, #tpu.memory_space<vmem>>, %arg9: memref<1x256xf32, #tpu.memory_space<vmem>>, %arg10: memref<256x128xf32, #tpu.memory_space<vmem>>, %arg11: memref<1x128xf32, #tpu.memory_space<vmem>>, %arg12: memref<1000x128xf32, #tpu.memory_space<vmem>>, %arg13: memref<256x256xf32, #tpu.memory_space<vmem>>, %arg14: memref<1x128xf32, #tpu.memory_space<vmem>>, %arg15: memref<1x128xf32, #tpu.memory_space<vmem>>) attributes {dimension_semantics = [#tpu.dimension_semantics<arbitrary>], iteration_bounds = array<i64: 10>, scalar_prefetch = 0 : i64, scratch_operands = 0 : i64, tpu.core_type = #tpu.core_type<tc>, window_params = [{transform_indices = @transform_0, window_bounds = array<i64: 1, 1000, 128>}, {transform_indices = @transform_1, window_bounds = array<i64: 1, 1000, 128>}, {transform_indices = @transform_2, window_bounds = array<i64: 1, 1000, 128>}, {transform_indices = @transform_3, window_bounds = array<i64: 1, 1000, 128>}, {transform_indices = @transform_4, window_bounds = array<i64: 1000, 128>}, {pipeline_mode = #tpu.pipeline_mode<synchronous>, transform_indices = @transform_5, window_bounds = array<i64: 128, 256>}, {pipeline_mode = #tpu.pipeline_mode<synchronous>, transform_indices = @transform_6, window_bounds = array<i64: 1, 256>}, {pipeline_mode = #tpu.pipeline_mode<synchronous>, transform_indices = @transform_7, window_bounds = array<i64: 256, 256>}, {pipeline_mode = #tpu.pipeline_mode<synchronous>, transform_indices = @transform_8, window_bounds = array<i64: 1, 256>}, {pipeline_mode = #tpu.pipeline_mode<synchronous>, transform_indices = @transform_9, window_bounds = array<i64: 256, 128>}, {pipeline_mode = #tpu.pipeline_mode<synchronous>, transform_indices = @transform_10, window_bounds = array<i64: 1, 128>}, {transform_indices = @transform_11, window_bounds = array<i64: 1000, 128>}, {pipeline_mode = #tpu.pipeline_mode<synchronous>, transform_indices = @transform_12, window_bounds = array<i64: 256, 256>}, {pipeline_mode = #tpu.pipeline_mode<synchronous>, transform_indices = @transform_13, window_bounds = array<i64: 1, 128>}, {pipeline_mode = #tpu.pipeline_mode<synchronous>, transform_indices = @transform_14, window_bounds = array<i64: 1, 128>}]} {
    %get3A = arith.constant 0 : index
    %get3A_0 = arith.constant 0 : index
    %get3A_1 = arith.constant 0 : index
    %get3A_2 = vector.load %arg1[%get3A, %get3A_0, %get3A_1] : memref<1x1000x128xf32, #tpu.memory_space<vmem>>, vector<1x1000x128xf32>
    %get3A_3 = vector.shape_cast %get3A_2 : vector<1x1000x128xf32> to vector<1000x128xf32>
    %get3A_4 = arith.constant 0 : index
    %get3A_5 = arith.constant 0 : index
    %get3A_6 = arith.constant 0 : index
    %get3A_7 = vector.load %arg3[%get3A_4, %get3A_5, %get3A_6] : memref<1x1000x128xf32, #tpu.memory_space<vmem>>, vector<1x1000x128xf32>
    %get3A_8 = vector.shape_cast %get3A_7 : vector<1x1000x128xf32> to vector<1000x128xf32>
    %add3A = arith.addf %get3A_3, %get3A_8 : vector<1000x128xf32>
    %get3A_9 = arith.constant 0 : index
    %get3A_10 = arith.constant 0 : index
    %get3A_11 = arith.constant 0 : index
    %get3A_12 = vector.load %arg2[%get3A_9, %get3A_10, %get3A_11] : memref<1x1000x128xf32, #tpu.memory_space<vmem>>, vector<1x1000x128xf32>
    %get3A_13 = vector.shape_cast %get3A_12 : vector<1x1000x128xf32> to vector<1000x128xf32>
    %get3A_14 = arith.constant 0 : index
    %get3A_15 = arith.constant 0 : index
    %get3A_16 = arith.constant 0 : index
    %get3A_17 = vector.load %arg4[%get3A_14, %get3A_15, %get3A_16] : memref<1x1000x128xf32, #tpu.memory_space<vmem>>, vector<1x1000x128xf32>
    %get3A_18 = vector.shape_cast %get3A_17 : vector<1x1000x128xf32> to vector<1000x128xf32>
    %add3A_19 = arith.addf %get3A_13, %get3A_18 : vector<1000x128xf32>
    %concatenate3A = tpu.concatenate %add3A, %add3A_19 in 1 : vector<1000x128xf32>, vector<1000x128xf32> -> vector<1000x256xf32>
    %get3A_20 = arith.constant 0 : index
    %get3A_21 = arith.constant 0 : index
    %get3A_22 = vector.load %arg5[%get3A_20, %get3A_21] : memref<1000x128xf32, #tpu.memory_space<vmem>>, vector<1000x128xf32>
    %get3A_23 = arith.constant 0 : index
    %get3A_24 = arith.constant 0 : index
    %get3A_25 = vector.load %arg6[%get3A_23, %get3A_24] : memref<128x256xf32, #tpu.memory_space<vmem>>, vector<128x256xf32>
    %dot_general3A = arith.constant dense<0.000000e+00> : vector<1000x256xf32>
    %dot_general3A_26 = tpu.matmul %get3A_22, %get3A_25, %dot_general3A {dimension_numbers = #tpu.dot_dimension_numbers<[1], [0], [0], [1], [0, 0, 1, 1], [], []>, transpose_lhs_hint = false} : vector<1000x128xf32>, vector<128x256xf32>, vector<1000x256xf32> -> vector<1000x256xf32>
    %get3A_27 = arith.constant 0 : index
    %get3A_28 = arith.constant 0 : index
    %get3A_29 = vector.load %arg7[%get3A_27, %get3A_28] : memref<1x256xf32, #tpu.memory_space<vmem>>, vector<1x256xf32>
    %add3A_30 = vector.broadcast %get3A_29 : vector<1x256xf32> to vector<1000x256xf32>
    %add3A_31 = arith.addf %dot_general3A_26, %add3A_30 : vector<1000x256xf32>
    %max3A = arith.constant 0.000000e+00 : f32
    %max3A_32 = vector.broadcast %max3A : f32 to vector<1000x256xf32>
    %max3A_33 = arith.maximumf %add3A_31, %max3A_32 : vector<1000x256xf32>
    %add3A_34 = arith.addf %concatenate3A, %max3A_33 : vector<1000x256xf32>
    %eq3A = arith.constant 0 : i32
    %eq3A_35 = arith.cmpi eq, %arg0, %eq3A : i32
    %convert_element_type3A = arith.extui %eq3A_35 : i1 to i32
    %cond3A = arith.constant 0 : i32
    %cond3A_36 = arith.cmpi ne, %convert_element_type3A, %cond3A : i32
    scf.if %cond3A_36 {
      %broadcast_in_dim3A_92 = arith.constant 0.000000e+00 : f32
      %broadcast_in_dim3A_93 = vector.broadcast %broadcast_in_dim3A_92 : f32 to vector<256x256xf32>
      %swap3A_94 = arith.constant 0 : index
      %swap3A_95 = arith.constant 0 : index
      %swap3A_96 = vector.load %arg13[%swap3A_94, %swap3A_95] : memref<256x256xf32, #tpu.memory_space<vmem>>, vector<256x256xf32>
      tpu.vector_store %arg13[%swap3A_94, %swap3A_95], %broadcast_in_dim3A_93 {strides = array<i32>} : memref<256x256xf32, #tpu.memory_space<vmem>>, vector<256x256xf32>,
      %broadcast_in_dim3A_97 = arith.constant 0.000000e+00 : f32
      %broadcast_in_dim3A_98 = vector.broadcast %broadcast_in_dim3A_97 : f32 to vector<1x128xf32>
      %swap3A_99 = arith.constant 0 : index
      %swap3A_100 = arith.constant 0 : index
      %swap3A_101 = vector.load %arg14[%swap3A_99, %swap3A_100] : memref<1x128xf32, #tpu.memory_space<vmem>>, vector<1x128xf32>
      tpu.vector_store %arg14[%swap3A_99, %swap3A_100], %broadcast_in_dim3A_98 {strides = array<i32>} : memref<1x128xf32, #tpu.memory_space<vmem>>, vector<1x128xf32>,
      %broadcast_in_dim3A_102 = arith.constant 0.000000e+00 : f32
      %broadcast_in_dim3A_103 = vector.broadcast %broadcast_in_dim3A_102 : f32 to vector<1x128xf32>
      %swap3A_104 = arith.constant 0 : index
      %swap3A_105 = arith.constant 0 : index
      %swap3A_106 = vector.load %arg15[%swap3A_104, %swap3A_105] : memref<1x128xf32, #tpu.memory_space<vmem>>, vector<1x128xf32>
      tpu.vector_store %arg15[%swap3A_104, %swap3A_105], %broadcast_in_dim3A_103 {strides = array<i32>} : memref<1x128xf32, #tpu.memory_space<vmem>>, vector<1x128xf32>,
    } else {
    }
    %get3A_37 = arith.constant 0 : index
    %get3A_38 = arith.constant 0 : index
    %get3A_39 = vector.load %arg13[%get3A_37, %get3A_38] : memref<256x256xf32, #tpu.memory_space<vmem>>, vector<256x256xf32>
    %dot_general3A_40 = arith.constant dense<0.000000e+00> : vector<256x256xf32>
    %dot_general3A_41 = tpu.matmul %add3A_34, %add3A_34, %dot_general3A_40 {dimension_numbers = #tpu.dot_dimension_numbers<[0], [0], [1], [1], [0, 1, 1, 1], [], []>, transpose_lhs_hint = false} : vector<1000x256xf32>, vector<1000x256xf32>, vector<256x256xf32> -> vector<256x256xf32>
    %add3A_42 = arith.addf %get3A_39, %dot_general3A_41 : vector<256x256xf32>
    %swap3A = arith.constant 0 : index
    %swap3A_43 = arith.constant 0 : index
    %swap3A_44 = vector.load %arg13[%swap3A, %swap3A_43] : memref<256x256xf32, #tpu.memory_space<vmem>>, vector<256x256xf32>
    tpu.vector_store %arg13[%swap3A, %swap3A_43], %add3A_42 {strides = array<i32>} : memref<256x256xf32, #tpu.memory_space<vmem>>, vector<256x256xf32>,
    %get3A_45 = arith.constant 0 : index
    %get3A_46 = arith.constant 0 : index
    %get3A_47 = vector.load %arg8[%get3A_45, %get3A_46] : memref<256x256xf32, #tpu.memory_space<vmem>>, vector<256x256xf32>
    %dot_general3A_48 = arith.constant dense<0.000000e+00> : vector<1000x256xf32>
    %dot_general3A_49 = tpu.matmul %add3A_34, %get3A_47, %dot_general3A_48 {dimension_numbers = #tpu.dot_dimension_numbers<[1], [0], [0], [1], [0, 0, 1, 1], [], []>, transpose_lhs_hint = false} : vector<1000x256xf32>, vector<256x256xf32>, vector<1000x256xf32> -> vector<1000x256xf32>
    %get3A_50 = arith.constant 0 : index
    %get3A_51 = arith.constant 0 : index
    %get3A_52 = vector.load %arg9[%get3A_50, %get3A_51] : memref<1x256xf32, #tpu.memory_space<vmem>>, vector<1x256xf32>
    %add3A_53 = vector.broadcast %get3A_52 : vector<1x256xf32> to vector<1000x256xf32>
    %add3A_54 = arith.addf %dot_general3A_49, %add3A_53 : vector<1000x256xf32>
    %max3A_55 = arith.constant 0.000000e+00 : f32
    %max3A_56 = vector.broadcast %max3A_55 : f32 to vector<1000x256xf32>
    %max3A_57 = arith.maximumf %add3A_54, %max3A_56 : vector<1000x256xf32>
    %get3A_58 = arith.constant 0 : index
    %get3A_59 = arith.constant 0 : index
    %get3A_60 = vector.load %arg10[%get3A_58, %get3A_59] : memref<256x128xf32, #tpu.memory_space<vmem>>, vector<256x128xf32>
    %dot_general3A_61 = arith.constant dense<0.000000e+00> : vector<1000x128xf32>
    %dot_general3A_62 = tpu.matmul %max3A_57, %get3A_60, %dot_general3A_61 {dimension_numbers = #tpu.dot_dimension_numbers<[1], [0], [0], [1], [0, 0, 1, 1], [], []>, transpose_lhs_hint = false} : vector<1000x256xf32>, vector<256x128xf32>, vector<1000x128xf32> -> vector<1000x128xf32>
    %get3A_63 = arith.constant 0 : index
    %get3A_64 = arith.constant 0 : index
    %get3A_65 = vector.load %arg11[%get3A_63, %get3A_64] : memref<1x128xf32, #tpu.memory_space<vmem>>, vector<1x128xf32>
    %add3A_66 = vector.broadcast %get3A_65 : vector<1x128xf32> to vector<1000x128xf32>
    %add3A_67 = arith.addf %dot_general3A_62, %add3A_66 : vector<1000x128xf32>
    %max3A_68 = arith.constant 0.000000e+00 : f32
    %max3A_69 = vector.broadcast %max3A_68 : f32 to vector<1000x128xf32>
    %max3A_70 = arith.maximumf %add3A_67, %max3A_69 : vector<1000x128xf32>
    %swap3A_71 = arith.constant 0 : index
    %swap3A_72 = arith.constant 0 : index
    %swap3A_73 = vector.load %arg12[%swap3A_71, %swap3A_72] : memref<1000x128xf32, #tpu.memory_space<vmem>>, vector<1000x128xf32>
    tpu.vector_store %arg12[%swap3A_71, %swap3A_72], %max3A_70 {strides = array<i32>} : memref<1000x128xf32, #tpu.memory_space<vmem>>, vector<1000x128xf32>,
    %get3A_74 = arith.constant 0 : index
    %get3A_75 = arith.constant 0 : index
    %get3A_76 = vector.load %arg14[%get3A_74, %get3A_75] : memref<1x128xf32, #tpu.memory_space<vmem>>, vector<1x128xf32>
    %reduce_sum3A = arith.constant dense<0.000000e+00> : vector<128xf32>
    %reduce_sum3A_77 = vector.multi_reduction <add>, %max3A_70, %reduce_sum3A [0] : vector<1000x128xf32> to vector<128xf32>
    %broadcast_in_dim3A = vector.shape_cast %reduce_sum3A_77 : vector<128xf32> to vector<1x128xf32>
    %add3A_78 = arith.addf %get3A_76, %broadcast_in_dim3A : vector<1x128xf32>
    %swap3A_79 = arith.constant 0 : index
    %swap3A_80 = arith.constant 0 : index
    %swap3A_81 = vector.load %arg14[%swap3A_79, %swap3A_80] : memref<1x128xf32, #tpu.memory_space<vmem>>, vector<1x128xf32>
    tpu.vector_store %arg14[%swap3A_79, %swap3A_80], %add3A_78 {strides = array<i32>} : memref<1x128xf32, #tpu.memory_space<vmem>>, vector<1x128xf32>,
    %get3A_82 = arith.constant 0 : index
    %get3A_83 = arith.constant 0 : index
    %get3A_84 = vector.load %arg15[%get3A_82, %get3A_83] : memref<1x128xf32, #tpu.memory_space<vmem>>, vector<1x128xf32>
    %mul3A = arith.mulf %max3A_70, %max3A_70 : vector<1000x128xf32>
    %reduce_sum3A_85 = arith.constant dense<0.000000e+00> : vector<128xf32>
    %reduce_sum3A_86 = vector.multi_reduction <add>, %mul3A, %reduce_sum3A_85 [0] : vector<1000x128xf32> to vector<128xf32>
    %broadcast_in_dim3A_87 = vector.shape_cast %reduce_sum3A_86 : vector<128xf32> to vector<1x128xf32>
    %add3A_88 = arith.addf %get3A_84, %broadcast_in_dim3A_87 : vector<1x128xf32>
    %swap3A_89 = arith.constant 0 : index
    %swap3A_90 = arith.constant 0 : index
    %swap3A_91 = vector.load %arg15[%swap3A_89, %swap3A_90] : memref<1x128xf32, #tpu.memory_space<vmem>>, vector<1x128xf32>
    tpu.vector_store %arg15[%swap3A_89, %swap3A_90], %add3A_88 {strides = array<i32>} : memref<1x128xf32, #tpu.memory_space<vmem>>, vector<1x128xf32>,
    return
  }
  func.func @transform_0(%arg0: i32) -> (i32, i32, i32) {
    %c0_i32 = arith.constant 0 : i32
    %c0_i32_0 = arith.constant 0 : i32
    %c0_i32_1 = arith.constant 0 : i32
    return %c0_i32, %arg0, %c0_i32_0 : i32, i32, i32
  }
  func.func @transform_1(%arg0: i32) -> (i32, i32, i32) {
    %c1_i32 = arith.constant 1 : i32
    %c0_i32 = arith.constant 0 : i32
    %c0_i32_0 = arith.constant 0 : i32
    return %c1_i32, %arg0, %c0_i32 : i32, i32, i32
  }
  func.func @transform_2(%arg0: i32) -> (i32, i32, i32) {
    %c0_i32 = arith.constant 0 : i32
    %c0_i32_0 = arith.constant 0 : i32
    %c0_i32_1 = arith.constant 0 : i32
    return %c0_i32, %arg0, %c0_i32_0 : i32, i32, i32
  }
  func.func @transform_3(%arg0: i32) -> (i32, i32, i32) {
    %c1_i32 = arith.constant 1 : i32
    %c0_i32 = arith.constant 0 : i32
    %c0_i32_0 = arith.constant 0 : i32
    return %c1_i32, %arg0, %c0_i32 : i32, i32, i32
  }
  func.func @transform_4(%arg0: i32) -> (i32, i32) {
    %c0_i32 = arith.constant 0 : i32
    %c0_i32_0 = arith.constant 0 : i32
    return %arg0, %c0_i32 : i32, i32
  }
  func.func @transform_5(%arg0: i32) -> (i32, i32) {
    %c0_i32 = arith.constant 0 : i32
    %c0_i32_0 = arith.constant 0 : i32
    %c0_i32_1 = arith.constant 0 : i32
    return %c0_i32, %c0_i32_0 : i32, i32
  }
  func.func @transform_6(%arg0: i32) -> (i32, i32) {
    %c0_i32 = arith.constant 0 : i32
    %c0_i32_0 = arith.constant 0 : i32
    %c0_i32_1 = arith.constant 0 : i32
    return %c0_i32, %c0_i32_0 : i32, i32
  }
  func.func @transform_7(%arg0: i32) -> (i32, i32) {
    %c0_i32 = arith.constant 0 : i32
    %c0_i32_0 = arith.constant 0 : i32
    %c0_i32_1 = arith.constant 0 : i32
    return %c0_i32, %c0_i32_0 : i32, i32
  }
  func.func @transform_8(%arg0: i32) -> (i32, i32) {
    %c0_i32 = arith.constant 0 : i32
    %c0_i32_0 = arith.constant 0 : i32
    %c0_i32_1 = arith.constant 0 : i32
    return %c0_i32, %c0_i32_0 : i32, i32
  }
  func.func @transform_9(%arg0: i32) -> (i32, i32) {
    %c0_i32 = arith.constant 0 : i32
    %c0_i32_0 = arith.constant 0 : i32
    %c0_i32_1 = arith.constant 0 : i32
    return %c0_i32, %c0_i32_0 : i32, i32
  }
  func.func @transform_10(%arg0: i32) -> (i32, i32) {
    %c0_i32 = arith.constant 0 : i32
    %c0_i32_0 = arith.constant 0 : i32
    %c0_i32_1 = arith.constant 0 : i32
    return %c0_i32, %c0_i32_0 : i32, i32
  }
  func.func @transform_11(%arg0: i32) -> (i32, i32) {
    %c0_i32 = arith.constant 0 : i32
    %c0_i32_0 = arith.constant 0 : i32
    return %arg0, %c0_i32 : i32, i32
  }
  func.func @transform_12(%arg0: i32) -> (i32, i32) {
    %c0_i32 = arith.constant 0 : i32
    %c0_i32_0 = arith.constant 0 : i32
    %c0_i32_1 = arith.constant 0 : i32
    return %c0_i32, %c0_i32_0 : i32, i32
  }
  func.func @transform_13(%arg0: i32) -> (i32, i32) {
    %c0_i32 = arith.constant 0 : i32
    %c0_i32_0 = arith.constant 0 : i32
    %c0_i32_1 = arith.constant 0 : i32
    return %c0_i32, %c0_i32_0 : i32, i32
  }
  func.func @transform_14(%arg0: i32) -> (i32, i32) {
    %c0_i32 = arith.constant 0 : i32
    %c0_i32_0 = arith.constant 0 : i32
    %c0_i32_1 = arith.constant 0 : i32
    return %c0_i32, %c0_i32_0 : i32, i32
  }
}

module attributes {stable_mosaic.version = 14 : i64} {
  func.func @_bn_body(%arg0: i32, %arg1: memref<1000x128xf32, #tpu.memory_space<vmem>>, %arg2: memref<1x128xf32, #tpu.memory_space<vmem>>, %arg3: memref<1x128xf32, #tpu.memory_space<vmem>>, %arg4: memref<1x128xf32, #tpu.memory_space<vmem>>, %arg5: memref<1x128xf32, #tpu.memory_space<vmem>>, %arg6: memref<1000x128xf32, #tpu.memory_space<vmem>>) attributes {dimension_semantics = [#tpu.dimension_semantics<arbitrary>], iteration_bounds = array<i64: 10>, scalar_prefetch = 0 : i64, scratch_operands = 0 : i64, tpu.core_type = #tpu.core_type<tc>, window_params = [{transform_indices = @transform_0, window_bounds = array<i64: 1000, 128>}, {pipeline_mode = #tpu.pipeline_mode<synchronous>, transform_indices = @transform_1, window_bounds = array<i64: 1, 128>}, {pipeline_mode = #tpu.pipeline_mode<synchronous>, transform_indices = @transform_2, window_bounds = array<i64: 1, 128>}, {pipeline_mode = #tpu.pipeline_mode<synchronous>, transform_indices = @transform_3, window_bounds = array<i64: 1, 128>}, {pipeline_mode = #tpu.pipeline_mode<synchronous>, transform_indices = @transform_4, window_bounds = array<i64: 1, 128>}, {transform_indices = @transform_5, window_bounds = array<i64: 1000, 128>}]} {
    %get3A = arith.constant 0 : index
    %get3A_0 = arith.constant 0 : index
    %get3A_1 = vector.load %arg2[%get3A, %get3A_0] : memref<1x128xf32, #tpu.memory_space<vmem>>, vector<1x128xf32>
    %div3A = arith.constant 1.000000e+04 : f32
    %div3A_2 = vector.broadcast %div3A : f32 to vector<1x128xf32>
    %div3A_3 = arith.divf %get3A_1, %div3A_2 : vector<1x128xf32>
    %get3A_4 = arith.constant 0 : index
    %get3A_5 = arith.constant 0 : index
    %get3A_6 = vector.load %arg3[%get3A_4, %get3A_5] : memref<1x128xf32, #tpu.memory_space<vmem>>, vector<1x128xf32>
    %div3A_7 = arith.constant 1.000000e+04 : f32
    %div3A_8 = vector.broadcast %div3A_7 : f32 to vector<1x128xf32>
    %div3A_9 = arith.divf %get3A_6, %div3A_8 : vector<1x128xf32>
    %mul3A = arith.mulf %div3A_3, %div3A_3 : vector<1x128xf32>
    %sub3A = arith.subf %div3A_9, %mul3A : vector<1x128xf32>
    %add3A = arith.constant 9.99999974E-6 : f32
    %add3A_10 = vector.broadcast %add3A : f32 to vector<1x128xf32>
    %add3A_11 = arith.addf %sub3A, %add3A_10 : vector<1x128xf32>
    %rsqrt3A = math.rsqrt %add3A_11 : vector<1x128xf32>
    %get3A_12 = arith.constant 0 : index
    %get3A_13 = arith.constant 0 : index
    %get3A_14 = vector.load %arg1[%get3A_12, %get3A_13] : memref<1000x128xf32, #tpu.memory_space<vmem>>, vector<1000x128xf32>
    %sub3A_15 = vector.broadcast %div3A_3 : vector<1x128xf32> to vector<1000x128xf32>
    %sub3A_16 = arith.subf %get3A_14, %sub3A_15 : vector<1000x128xf32>
    %get3A_17 = arith.constant 0 : index
    %get3A_18 = arith.constant 0 : index
    %get3A_19 = vector.load %arg4[%get3A_17, %get3A_18] : memref<1x128xf32, #tpu.memory_space<vmem>>, vector<1x128xf32>
    %mul3A_20 = arith.mulf %rsqrt3A, %get3A_19 : vector<1x128xf32>
    %mul3A_21 = vector.broadcast %mul3A_20 : vector<1x128xf32> to vector<1000x128xf32>
    %mul3A_22 = arith.mulf %sub3A_16, %mul3A_21 : vector<1000x128xf32>
    %get3A_23 = arith.constant 0 : index
    %get3A_24 = arith.constant 0 : index
    %get3A_25 = vector.load %arg5[%get3A_23, %get3A_24] : memref<1x128xf32, #tpu.memory_space<vmem>>, vector<1x128xf32>
    %add3A_26 = vector.broadcast %get3A_25 : vector<1x128xf32> to vector<1000x128xf32>
    %add3A_27 = arith.addf %mul3A_22, %add3A_26 : vector<1000x128xf32>
    %swap3A = arith.constant 0 : index
    %swap3A_28 = arith.constant 0 : index
    %swap3A_29 = vector.load %arg6[%swap3A, %swap3A_28] : memref<1000x128xf32, #tpu.memory_space<vmem>>, vector<1000x128xf32>
    tpu.vector_store %arg6[%swap3A, %swap3A_28], %add3A_27 {strides = array<i32>} : memref<1000x128xf32, #tpu.memory_space<vmem>>, vector<1000x128xf32>,
    return
  }
  func.func @transform_0(%arg0: i32) -> (i32, i32) {
    %c0_i32 = arith.constant 0 : i32
    %c0_i32_0 = arith.constant 0 : i32
    return %arg0, %c0_i32 : i32, i32
  }
  func.func @transform_1(%arg0: i32) -> (i32, i32) {
    %c0_i32 = arith.constant 0 : i32
    %c0_i32_0 = arith.constant 0 : i32
    %c0_i32_1 = arith.constant 0 : i32
    return %c0_i32, %c0_i32_0 : i32, i32
  }
  func.func @transform_2(%arg0: i32) -> (i32, i32) {
    %c0_i32 = arith.constant 0 : i32
    %c0_i32_0 = arith.constant 0 : i32
    %c0_i32_1 = arith.constant 0 : i32
    return %c0_i32, %c0_i32_0 : i32, i32
  }
  func.func @transform_3(%arg0: i32) -> (i32, i32) {
    %c0_i32 = arith.constant 0 : i32
    %c0_i32_0 = arith.constant 0 : i32
    %c0_i32_1 = arith.constant 0 : i32
    return %c0_i32, %c0_i32_0 : i32, i32
  }
  func.func @transform_4(%arg0: i32) -> (i32, i32) {
    %c0_i32 = arith.constant 0 : i32
    %c0_i32_0 = arith.constant 0 : i32
    %c0_i32_1 = arith.constant 0 : i32
    return %c0_i32, %c0_i32_0 : i32, i32
  }
  func.func @transform_5(%arg0: i32) -> (i32, i32) {
    %c0_i32 = arith.constant 0 : i32
    %c0_i32_0 = arith.constant 0 : i32
    return %arg0, %c0_i32 : i32, i32
  }
}

</mosaic_0001>

<sc_bundles>
// kernel: kernel.10.cloned.1.call-start
scs
__scs_entry_jumppad:
0x0: {  	(pc) =	sbr.rel $0x88, $3  }
0x1: {  	(tag) =	ssettag $0x0;
	lr =	simm.s32 $0x1  }
0x2: {  	[smem:$0x3F91] =	sst lr;
	_ =	strace $0xD0000000  }
0x3: {  	_ = 	snop  }
0x4: {  	_ = 	snop  }
0x5: {  	_ = 	snop  }
0x6: {  	_ = 	snop  }
0x7: {  	_ = 	snop  }
__scs_overlays_trampoline_lowered:
0x8: {  	[smem:$0x3FA0] =	sst s0  }
0x9: {  	[smem:$0x3FA1] =	sst s1  }
0xa: {  	[smem:$0x3FA2] =	sst s2  }
0xb: {  	[smem:$0x3FA3] =	sst s3  }
0xc: {  	[smem:$0x3FA4] =	sst s4  }
0xd: {  	[smem:$0x3FA5] =	sst s5  }
0xe: {  	[smem:$0x3FA6] =	sst s6  }
0xf: {  	[smem:$0x3FA7] =	sst s7  }
0x10: {  	[smem:$0x3FA8] =	sst s8  }
0x11: {  	[smem:$0x3FA9] =	sst s9;
	s0 =	simm.s32 @!p0 $0x0  }
0x12: {  	s1 =	sld [smem:$0x3F8F];
	s0 =	simm.s32 @p0 $0x1  }
0x13: {  	[smem:$0x3FAA] =	sst s0;
	s0 =	simm.s32 @!p1 $0x0  }
0x14: {  	s2 =	sld [smem:$0x3F8E];
	s0 =	simm.s32 @p1 $0x1  }
0x15: {  	[smem:$0x3FAB] =	sst s0;
	s0 =	simm.s32 @!p2 $0x0  }
0x16: {  	s3 =	sld [smem:$0x3FDB];
	s0 =	simm.s32 @p2 $0x1  }
0x17: {  	s4 =	simm.s32 $0x1BF5;
	[smem:$0x3FAD] =	sst s0  }
0x18: {  	s0 =	sld [smem:$0x3F90];
	_ =	swait.ge [sflag:s4], $0x0  }
0x19: {  	s7 =	sld [smem:$0x3F91]  }
0x1a: {  	s8 =	sadd.s32 $0xFFFFE003, lr  }
0x1b: {  	s9 =	sadd.s32 $0xFFFFFEF7, lr;
	s5 =	simm.s32 $0xFFFFFFFF;
	p2 =	slt.u32 s8, $0xFFFFF086  }
0x1c: {  	p1 =	slt.u32 s9, $0xF7A;
	s5 =	simm.s32 @!p2 $0x0  }
0x1d: {  	s5 =	simm.s32 @p1 $0x1;
	p0 =	seq.s32 s7, s2  }
0x1e: {  	s7 =	smul.u32 @!p0 $0xF7A, s2;
	p2 =	seq.s32 @!p0 s5, $0x0  }
0x1f: {  	s9 =	smul.u32 $0xF7A, s1;
	s8 =	simm.s32 @!p0 $0x1BF5;
	p2 =	por !p2, p0  }
0x20: {  	[sflag:s8] =	ssyncset.s32 @!p0 $0xFFFFF086;
	s6 =	sadd.s32 @!p0 s3, s7;
	s7 =	simm.s32 @!p0 $0x108  }
0x21: {  	s3 =	sadd.s32 s3, s9;
	s6 =	sadd.s32 @!p0 $0x88, s6;
	s7 =	simm.s32 @p2 $0x1082  }
0x22: {  	[simem:s7], [sflag:s8] =	dma.local @!p0 [hbm:s6], $0xF7A  }
0x23: {  	s9 =	sor.u32 $0xD0000000, s2;
	s6 =	simm.s32 $0x108;
	_ =	swait.ge @!p0 [sflag:s8], $0x0  }
0x24: {  	s3 =	sadd.s32 $0x88, s3;
	s6 =	simm.s32 @!p1 $0x1082;
	[sflag:s4] =	ssyncset.s32 $0xFFFFF086  }
0x25: {  	[simem:s6], [sflag:s4] =	dma.local [hbm:s3], $0xF7A  }
0x26: {  	[smem:$0x3F91] =	sst s1;
	(tag) =	ssettag s2;
	_ =	strace s9  }
0x27: {  	s1 =	sld [smem:$0x3FA1]  }
0x28: {  	s2 =	sld [smem:$0x3FA2]  }
0x29: {  	s4 =	sld [smem:$0x3FA4]  }
0x2a: {  	p0 =	seq.s32 s5, $0x0;
	s5 =	sld [smem:$0x3FA5]  }
0x2b: {  	s6 =	sld [smem:$0x3FA6]  }
0x2c: {  	s7 =	sld [smem:$0x3FA7]  }
0x2d: {  	s3 =	simm.s32 $0x108;
	s8 =	sld [smem:$0x3FA8]  }
0x2e: {  	s3 =	simm.s32 @!p0 $0x1082;
	s9 =	sld [smem:$0x3FA9]  }
0x2f: {  	lr =	sadd.s32 s0, s3;
	s0 =	sld [smem:$0x3FA0]  }
0x30: {  	s3 =	sld [smem:$0x3FA3]  }
0x31: {  	[smem:$0x3FAC] =	sst s10  }
0x32: {  	s10 =	sld [smem:$0x3FAA];
	_ =	sdelay $0x3  }
0x33: {  	p0 =	seq.s32 s10, $0x1;
	s10 =	sld [smem:$0x3FAC];
	_ =	sdelay $0x3  }
0x34: {  	[smem:$0x3FAC] =	sst s10  }
0x35: {  	s10 =	sld [smem:$0x3FAB];
	_ =	sdelay $0x3  }
0x36: {  	p1 =	seq.s32 s10, $0x1;
	s10 =	sld [smem:$0x3FAC];
	_ =	sdelay $0x3  }
0x37: {  	[smem:$0x3FAC] =	sst s10  }
0x38: {  	s10 =	sld [smem:$0x3FAD]  }
0x39: {  	_ = 	snop;
	(pc) =	sbr.ind lr, $3  }
0x3a: {  	_ = 	snop  }
0x3b: {  	_ = 	snop  }
0x3c: {  	p2 =	seq.s32 s10, $0x1;
	s10 =	sld [smem:$0x3FAC]  }
0x3d: {  	_ =	shalt  }
0x3e: {  	_ =	shalt  }
0x3f: {  	_ =	shalt  }
0x40: {  	_ =	shalt  }
0x41: {  	_ =	shalt  }
0x42: {  	_ =	shalt  }
0x43: {  	_ =	shalt  }
0x44: {  	_ =	shalt  }
0x45: {  	_ =	shalt  }
0x46: {  	_ =	shalt  }
0x47: {  	_ =	shalt  }
0x48: {  	_ =	shalt  }
0x49: {  	_ =	shalt  }
0x4a: {  	_ =	shalt  }
0x4b: {  	_ =	shalt  }
0x4c: {  	_ =	shalt  }
0x4d: {  	_ =	shalt  }
0x4e: {  	_ =	shalt  }
0x4f: {  	_ =	shalt  }
0x50: {  	_ =	shalt  }
0x51: {  	_ =	shalt  }
0x52: {  	_ =	shalt  }
0x53: {  	_ =	shalt  }
0x54: {  	_ =	shalt  }
0x55: {  	_ =	shalt  }
0x56: {  	_ =	shalt  }
0x57: {  	_ =	shalt  }
0x58: {  	_ =	shalt  }
0x59: {  	_ =	shalt  }
0x5a: {  	_ =	shalt  }
0x5b: {  	_ =	shalt  }
0x5c: {  	_ =	shalt  }
0x5d: {  	_ =	shalt  }
0x5e: {  	_ =	shalt  }
0x5f: {  	_ =	shalt  }
0x60: {  	_ =	shalt  }
0x61: {  	_ =	shalt  }
0x62: {  	_ =	shalt  }
0x63: {  	_ =	shalt  }
0x64: {  	_ =	shalt  }
0x65: {  	_ =	shalt  }
0x66: {  	_ =	shalt  }
0x67: {  	_ =	shalt  }
0x68: {  	_ =	shalt  }
0x69: {  	_ =	shalt  }
0x6a: {  	_ =	shalt  }
0x6b: {  	_ =	shalt  }
0x6c: {  	_ =	shalt  }
0x6d: {  	_ =	shalt  }
0x6e: {  	_ =	shalt  }
0x6f: {  	_ =	shalt  }
0x70: {  	_ =	shalt  }
0x71: {  	_ =	shalt  }
0x72: {  	_ =	shalt  }
0x73: {  	_ =	shalt  }
0x74: {  	_ =	shalt  }
0x75: {  	_ =	shalt  }
0x76: {  	_ =	shalt  }
0x77: {  	_ =	shalt  }
0x78: {  	_ =	shalt  }
0x79: {  	_ =	shalt  }
0x7a: {  	_ =	shalt  }
0x7b: {  	_ =	shalt  }
0x7c: {  	_ =	shalt  }
0x7d: {  	_ =	shalt  }
0x7e: {  	_ =	shalt  }
0x7f: {  	_ =	shalt  }
0x80: {  	_ =	shalt  }
0x81: {  	_ =	shalt  }
0x82: {  	_ =	shalt  }
0x83: {  	_ =	shalt  }
0x84: {  	_ =	shalt  }
0x85: {  	_ =	shalt  }
0x86: {  	_ =	shalt  }
0x87: {  	_ =	shalt  }
.Lfunc_end0:
.L_simem_size_0:
called_computation_lowered:
.L_overlay_start_0:
0x88: {  	s2 =	sld [smem:$0x3FD9]  }
0x89: {  	s3 =	sld [smem:$0x3FFE];
	_ =	sdelay $0x1  }
0x8a: {  	s1 =	srdreg.scid  }
0x8b: {  	s0 =	sand.u32 $0x1, s1  }
0x8c: {  	s17 =	sshll.u32 s0, $0xA;
	s2 =	sadd.s32 s3, s2  }
0x8d: {  	s2 =	sadd.s32 s2, s17  }
0x8e: {  	[smem:$0x3FB8] =	sst s2  }
0x8f: {  	_ = 	snop  }
0x90: {  	s18 =	sld [smem:$0x3FC9];
	(tm) =	ssettm $0x1  }
0x91: {  	s19 =	sld [smem:$0x3FFB];
	_ =	sdelay $0x3  }
0x92: {  	_ =	strace s19  }
0x93: {  	s2 =	sld [smem:$0x3FFC];
	_ =	sdelay $0x3  }
0x94: {  	_ =	strace s2  }
0x95: {  	s2 =	sld [smem:$0x3FFD];
	_ =	sdelay $0x3  }
0x96: {  	_ =	strace s2  }
0x97: {  	_ =	strace $0x8FFFFFFF  }
0x98: {  	s20 =	sld [smem:$0x3FDB];
	_ =	sdelay $0x1  }
0x99: {  	s4 =	simm.s32 $_scs_section_size  }
0x9a: {  	s5 =	simm.s32 $_size__tile_overlayer_lowered;
	s6 =	simm.s32 $_tile_overlayer_lowered  }
0x9b: {  	s7 =	simm.s32 $0x1BFF;
	s21 =	sshll.u32 s6, $0x1;
	s4 =	sadd.s32 s4, s20  }
0x9c: {  	s22 =	simm.s32 $0x0;
	s5 =	sshll.u32 s5, $0x1;
	s6 =	sadd.s32 s21, s4  }
0x9d: {  	[timem:s22], [sflag:s7] =	dma.local [hbm:s6], s5  }
0x9e: {  	_ =	swait.ge [sflag:s7], s5  }
0x9f: {  	s5 =	ssub.s32 $0x0, s5;
	[sflag:s7] =	ssyncset.done $0x0  }
0xa0: {  	[sflag:s7] =	ssyncadd.s32 s5;
	_ =	sdelay $0x1  }
0xa1: {  	s23 =	simm.s32 $0x1B8B  }
0xa2: {  	_ =	swait.ge [sflag:s23], $0x1  }
0xa3: {  	[sflag:s23] =	ssyncset.done $0x0  }
0xa4: {  	[sflag:s23] =	ssyncadd.s32 $0xFFFFFFFF  }
0xa5: {  	s5 =	sld [smem:$0x0]  }
0xa6: {  	s6 =	sand.u32 $0xFFFFFFFE, s1  }
0xa7: {  	p0 =	sne.s32 s1, s6  }
0xa8: {  	s6 =	sshll.u32 @p0 s6, $0xE  }
0xa9: {  	s6 =	sadd.s32 @p0 $0x11B8D, s6;
	s7 =	sshll.u32 @p0 s5, $0x11  }
0xaa: {  	s6 =	sor.u32 @p0 s7, s6  }
0xab: {  	[sflag:s6] =	ssyncadd.remote.s32 @p0 $0x1;
	_ =	sdelay $0x1  }
0xac: {  	s6 =	simm.s32 @p0 $0x1B8D  }
0xad: {  	_ =	swait.eq @p0 [sflag:s6], $0x1  }
0xae: {  	[sflag:s6] =	ssyncadd.s32 @p0 $0xFFFFFFFF  }
0xaf: {  	s7 =	sshll.u32 @!p0 s1, $0xE  }
0xb0: {  	s7 =	sor.u32 @!p0 $0x4000, s7;
	s6 =	simm.s32 @!p0 $0x1B8D  }
0xb1: {  	s5 =	sshll.u32 @!p0 s5, $0x11;
	s7 =	sadd.s32 @!p0 $0x11B8D, s7;
	_ =	swait.eq @!p0 [sflag:s6], $0x1  }
0xb2: {  	s5 =	sor.u32 @!p0 s5, s7;
	[sflag:s6] =	ssyncadd.s32 @!p0 $0xFFFFFFFF  }
0xb3: {  	s25 =	simm.s32 $0x1B8E;
	s24 =	sld [smem:$0x3FFE];
	[sflag:s5] =	ssyncadd.remote.s32 @!p0 $0x1  }
0xb4: {  	s26 =	simm.s32 $execute0_lowered;
	[smem:$0x3FD2] =	sst s25  }
0xb5: {  	s6 =	sshll.u32 s26, $0x1;
	_ =	strace $0x80000049;
	[dreg:$0x1] =	wrdreg $0xFFFFFFFF  }
0xb6: {  	s28 =	simm.s32 $_size_execute0_lowered;
	s4 =	sadd.s32 s4, s6;
	[dreg:$0x0] =	wrdreg $0x0  }
0xb7: {  	s6 =	sshll.u32 s28, $0x1;
	[dreg:$0x2] =	wrdreg s4  }
0xb8: {  	[dreg:$0x3] =	wrdreg s6  }
0xb9: {  	[dreg:$0x4] =	wrdreg $0xC0  }
0xba: {  	_ =	task [dreg:s22], $0x5FFFF  }
0xbb: {  	[dreg:$0x1] =	wrdreg $0xFFFFFFFF  }
0xbc: {  	[dreg:$0x0] =	wrdreg $0x60  }
0xbd: {  	[dreg:$0x2] =	wrdreg s18  }
0xbe: {  	[dreg:$0x3] =	wrdreg s24  }
0xbf: {  	[dreg:$0x4] =	wrdreg $0x9  }
0xc0: {  	_ =	task.clear_ibuf [dreg:s22], $0x5FFFF;
	_ =	strace $0x90000049  }
0xc1: {  	s29 =	simm.s32 $0x9;
	_ =	strace $0x8000004B  }
0xc2: {  	_ =	swait.ge [sflag:s29], $0x1  }
0xc3: {  	[sflag:s29] =	ssyncadd.s32 $0xFFFFFFFF  }
0xc4: {  	_ =	strace $0x9000004B  }
0xc5: {  	_ =	sfence  }
0xc6: {  	s30 =	sld [smem:$0x0];
	_ =	sdelay $0x2  }
0xc7: {  	s31 =	sshll.u32 s1, $0xD;
	s1 =	sshrl.u32 s1, $0x2  }
0xc8: {  	s4 =	sand.u32 $0x4000, s31;
	s1 =	sadd.s32 s1, s30  }
0xc9: {  	s0 =	sor.u32 s4, s0;
	s1 =	sshll.u32 s1, $0x11  }
0xca: {  	s0 =	sor.u32 s1, s0  }
0xcb: {  	s0 =	sadd.s32 $0x8F2B, s0  }
0xcc: {  	[sflag:s0] =	ssyncadd.remote.s32 $0x1  }
0xcd: {  	_ =	sfence.sel $0xFFFF  }
0xce: {  	[dreg:$0x0] =	wrdreg $0xFFFFFFFF;
	(pc) =	sbr.abs _section_cstart, $3  }
0xcf: {  	[dreg:$0x1] =	wrdreg $0xFFFFFFFF  }
0xd0: {  	_ =	task.clear_ibuf [dreg:s22], $0x2FFFF;
	_ =	strace $0x9FFFFFFF  }
0xd1: {  	(tm) =	ssettm $0x7FFFFFFF  }
tec
execute0_lowered:
.L_overlay_start_1:
0x0: {  	(tag) =	ssettag $0x1  }
0x1: {  	s2 =	rddreg [dreg:$0x0]  }
0x2: {  	s0 =	srdreg.scid;
	s5 =	rddreg [dreg:$0x1]  }
0x3: {  	s3 =	simm.s32 $0x0;
	s10 =	simm.s32 $0x3B00;
	s11 =	simm.s32 $0x6300  }
0x4: {  	s12 =	simm.s32 $0x8B00;
	s13 =	simm.s32 $0xB300;
	s14 =	simm.s32 $0x1  }
0x5: {  	s15 =	simm.s32 $0x2;
	s16 =	simm.s32 $0x3;
	s17 =	simm.s32 $0x4  }
0x6: {  	s18 =	simm.s32 $0x5;
	s19 =	simm.s32 $0x6;
	s20 =	simm.s32 $0x7  }
0x7: {  	s21 =	simm.s32 $0x8;
	s22 =	simm.s32 $0x9;
	s23 =	simm.s32 $0xA  }
0x8: {  	s24 =	simm.s32 $0x0;
	s4 =	sand.u32 $0x1, s0;
	s0 =	stileid.u32  }
0x9: {  	[smem:$0x7FF] =	sst s3;
	s1 =	sshll.u32 s4, $0x4;
	s7 =	smul.u32 $0x12C000, s4  }
0xa: {  	s4 =	ssub.s32 $0x2, s4;
	s8 =	smul.u32 $0x12C00, s0;
	s6 =	sor.u32 s0, s1  }
0xb: {  	s1 =	rddreg [dreg:$0x2];
	s9 =	sshrl.u32 s4, $0x1;
	s6 =	smul.u32 $0x12C0, s6  }
0xc: {  	_ =	strace $0x8000004A;
	s7 =	sadd.s32 s7, s5;
	s31 =	ssub.s32 s4, s9  }
0xd: {  	s9 =	simm.s32 $0x1300;
	s7 =	sadd.s32 s8, s7;
	s6 =	sshrl.u32 s6, $0x3  }
0xe: {  	s8 =	simm.s32 $0x50;
	s5 =	sadd.s32 s6, s5;
	s6 =	sadd.s32 $0x297A00, s7  }
0xf: {  	s7 =	simm.s32 $0xB;
	s4 =	sadd.s32 $0x3C00, s5;
	s5 =	smax.u32 s31, $0x1  }
.LBB2_1:
0x10: {  	[tilespmem:s3], [sflag:$0xB] =	stream.linear.gather [hbm4b:s4+s3], $0x12C0, $0x38;
	[tilespmem:$0xDB00] =	vst v63  }
0x11: {  	_ =	swait.ge [sflag:s7], $0x12C0  }
0x12: {  	[sflag:s7] =	ssyncset.done $0x0  }
0x13: {  	s25 =	simm.s32 $0x0;
	[sflag:s7] =	ssyncadd.s32 $0xFFFFED40  }
0x14: {  	[tilespmem:s9], [sflag:$0x1] =	stream.indirect.gather [hbm4b:s2+s8], $0x80, s25, s8, $0xb8;
	[tilespmem:$0xDB00] =	vst v63  }
0x15: {  	s29 =	simm.s32 $0x50  }
0x16: {  	[tilespmem:s10], [sflag:$0x2] =	stream.indirect.gather [hbm4b:s2+s8], $0x80, s29, s8, $0xb8;
	[tilespmem:$0xDB00] =	vst v63  }
0x17: {  	s30 =	simm.s32 $0xA0  }
0x18: {  	[tilespmem:s11], [sflag:$0x3] =	stream.indirect.gather [hbm4b:s2+s8], $0x80, s30, s8, $0xb8;
	[tilespmem:$0xDB00] =	vst v63  }
0x19: {  	s31 =	simm.s32 $0xF0  }
0x1a: {  	[tilespmem:s12], [sflag:$0x4] =	stream.indirect.gather [hbm4b:s2+s8], $0x80, s31, s8, $0xb8;
	[tilespmem:$0xDB00] =	vst v63  }
0x1b: {  	s26 =	simm.s32 $0x140  }
0x1c: {  	[tilespmem:s13], [sflag:$0x5] =	stream.indirect.gather [hbm4b:s2+s8], $0x80, s26, s8, $0xb8;
	[tilespmem:$0xDB00] =	vst v63  }
0x1d: {  	_ =	swait.ge [sflag:s14], $0x2800  }
0x1e: {  	[sflag:s14] =	ssyncset.done $0x0  }
0x1f: {  	s29 =	sadd.s32 $0x0, s6;
	[sflag:s14] =	ssyncadd.s32 $0xFFFFD800  }
0x20: {  	[hbm4b:s29+s3] =	stream.linear.scatter [tilespmem:s9], [sflag:$0x6], $0x2800, $0x38;
	[tilespmem:$0xDB00] =	vst v63  }
0x21: {  	_ =	swait.ge [sflag:s15], $0x2800  }
0x22: {  	[sflag:s15] =	ssyncset.done $0x0  }
0x23: {  	s26 =	sadd.s32 $0x500, s29;
	[sflag:s15] =	ssyncadd.s32 $0xFFFFD800  }
0x24: {  	[hbm4b:s26+s3] =	stream.linear.scatter [tilespmem:s10], [sflag:$0x7], $0x2800, $0x38;
	[tilespmem:$0xDB00] =	vst v63  }
0x25: {  	_ =	swait.ge [sflag:s16], $0x2800  }
0x26: {  	[sflag:s16] =	ssyncset.done $0x0  }
0x27: {  	s30 =	sadd.s32 $0xA00, s29;
	[sflag:s16] =	ssyncadd.s32 $0xFFFFD800  }
0x28: {  	[hbm4b:s30+s3] =	stream.linear.scatter [tilespmem:s11], [sflag:$0x8], $0x2800, $0x38;
	[tilespmem:$0xDB00] =	vst v63  }
0x29: {  	_ =	swait.ge [sflag:s17], $0x2800  }
0x2a: {  	[sflag:s17] =	ssyncset.done $0x0  }
0x2b: {  	s31 =	sadd.s32 $0xF00, s29;
	[sflag:s17] =	ssyncadd.s32 $0xFFFFD800  }
0x2c: {  	[hbm4b:s31+s3] =	stream.linear.scatter [tilespmem:s12], [sflag:$0x9], $0x2800, $0x38;
	[tilespmem:$0xDB00] =	vst v63  }
0x2d: {  	_ =	swait.ge [sflag:s18], $0x2800  }
0x2e: {  	[sflag:s18] =	ssyncset.done $0x0  }
0x2f: {  	s25 =	sadd.s32 $0x1400, s29;
	[sflag:s18] =	ssyncadd.s32 $0xFFFFD800  }
0x30: {  	[hbm4b:s25+s3] =	stream.linear.scatter [tilespmem:s13], [sflag:$0xA], $0x2800, $0x38;
	[tilespmem:$0xDB00] =	vst v63  }
0x31: {  	_ =	swait.ge [sflag:s19], $0x2800  }
0x32: {  	[sflag:s19] =	ssyncset.done $0x0  }
0x33: {  	[sflag:s19] =	ssyncadd.s32 $0xFFFFD800  }
0x34: {  	_ =	swait.ge [sflag:s20], $0x2800  }
0x35: {  	[sflag:s20] =	ssyncset.done $0x0  }
0x36: {  	[sflag:s20] =	ssyncadd.s32 $0xFFFFD800  }
0x37: {  	_ =	swait.ge [sflag:s21], $0x2800  }
0x38: {  	[sflag:s21] =	ssyncset.done $0x0  }
0x39: {  	[sflag:s21] =	ssyncadd.s32 $0xFFFFD800  }
0x3a: {  	_ =	swait.ge [sflag:s22], $0x2800  }
0x3b: {  	[sflag:s22] =	ssyncset.done $0x0  }
0x3c: {  	[sflag:s22] =	ssyncadd.s32 $0xFFFFD800  }
0x3d: {  	s28 =	simm.s32 $0x3200;
	_ =	swait.ge [sflag:s23], $0x2800  }
0x3e: {  	s26 =	simm.s32 $0x2D0;
	s25 =	simm.s32 $0x1900;
	[sflag:s23] =	ssyncset.done $0x0  }
.LBB2_2:
0x3f: {  	p0 =	sne.s32 s28, $0x11300;
	s29 =	sadd.s32 $0xFFFFFEC0, s26;
	[sflag:s23] =	ssyncadd.s32 $0xFFFFD800  }
0x40: {  	[tilespmem:s9], [sflag:$0x1] =	stream.indirect.gather [hbm4b:s2+s8], $0x80, s29, s8, $0xb8;
	[tilespmem:$0xDB00] =	vst v63  }
0x41: {  	s30 =	smov.u32 s28;
	s28 =	sadd.s32 $0x1900, s28;
	s29 =	sadd.s32 $0xFFFFFF10, s26  }
0x42: {  	[tilespmem:s10], [sflag:$0x2] =	stream.indirect.gather [hbm4b:s2+s8], $0x80, s29, s8, $0xb8;
	[tilespmem:$0xDB00] =	vst v63  }
0x43: {  	s29 =	sadd.s32 $0xFFFFFF60, s26  }
0x44: {  	[tilespmem:s11], [sflag:$0x3] =	stream.indirect.gather [hbm4b:s2+s8], $0x80, s29, s8, $0xb8;
	[tilespmem:$0xDB00] =	vst v63  }
0x45: {  	s29 =	sadd.s32 $0xFFFFFFB0, s26  }
0x46: {  	[tilespmem:s12], [sflag:$0x4] =	stream.indirect.gather [hbm4b:s2+s8], $0x80, s29, s8, $0xb8;
	[tilespmem:$0xDB00] =	vst v63  }
0x47: {  	_ = 	snop  }
0x48: {  	[tilespmem:s13], [sflag:$0x5] =	stream.indirect.gather [hbm4b:s2+s8], $0x80, s26, s8, $0xb8;
	[tilespmem:$0xDB00] =	vst v63  }
0x49: {  	_ =	swait.ge [sflag:s14], $0x2800  }
0x4a: {  	[sflag:s14] =	ssyncset.done $0x0  }
0x4b: {  	s29 =	sadd.s32 s25, s6;
	s25 =	smov.u32 s30;
	[sflag:s14] =	ssyncadd.s32 $0xFFFFD800  }
0x4c: {  	[hbm4b:s29+s3] =	stream.linear.scatter [tilespmem:s9], [sflag:$0x6], $0x2800, $0x38;
	[tilespmem:$0xDB00] =	vst v63  }
0x4d: {  	_ =	swait.ge [sflag:s15], $0x2800  }
0x4e: {  	[sflag:s15] =	ssyncset.done $0x0  }
0x4f: {  	s30 =	sadd.s32 $0x500, s29;
	[sflag:s15] =	ssyncadd.s32 $0xFFFFD800  }
0x50: {  	[hbm4b:s30+s3] =	stream.linear.scatter [tilespmem:s10], [sflag:$0x7], $0x2800, $0x38;
	[tilespmem:$0xDB00] =	vst v63  }
0x51: {  	_ =	swait.ge [sflag:s16], $0x2800  }
0x52: {  	[sflag:s16] =	ssyncset.done $0x0  }
0x53: {  	s30 =	sadd.s32 $0xA00, s29;
	[sflag:s16] =	ssyncadd.s32 $0xFFFFD800  }
0x54: {  	[hbm4b:s30+s3] =	stream.linear.scatter [tilespmem:s11], [sflag:$0x8], $0x2800, $0x38;
	[tilespmem:$0xDB00] =	vst v63  }
0x55: {  	_ =	swait.ge [sflag:s17], $0x2800  }
0x56: {  	[sflag:s17] =	ssyncset.done $0x0  }
0x57: {  	s30 =	sadd.s32 $0xF00, s29;
	[sflag:s17] =	ssyncadd.s32 $0xFFFFD800  }
0x58: {  	[hbm4b:s30+s3] =	stream.linear.scatter [tilespmem:s12], [sflag:$0x9], $0x2800, $0x38;
	[tilespmem:$0xDB00] =	vst v63  }
0x59: {  	_ =	swait.ge [sflag:s18], $0x2800  }
0x5a: {  	[sflag:s18] =	ssyncset.done $0x0  }
0x5b: {  	s29 =	sadd.s32 $0x1400, s29;
	[sflag:s18] =	ssyncadd.s32 $0xFFFFD800  }
0x5c: {  	[hbm4b:s29+s3] =	stream.linear.scatter [tilespmem:s13], [sflag:$0xA], $0x2800, $0x38;
	[tilespmem:$0xDB00] =	vst v63  }
0x5d: {  	_ =	swait.ge [sflag:s19], $0x2800  }
0x5e: {  	[sflag:s19] =	ssyncset.done $0x0  }
0x5f: {  	[sflag:s19] =	ssyncadd.s32 $0xFFFFD800  }
0x60: {  	_ =	swait.ge [sflag:s20], $0x2800  }
0x61: {  	[sflag:s20] =	ssyncset.done $0x0  }
0x62: {  	[sflag:s20] =	ssyncadd.s32 $0xFFFFD800  }
0x63: {  	_ =	swait.ge [sflag:s21], $0x2800  }
0x64: {  	[sflag:s21] =	ssyncset.done $0x0  }
0x65: {  	[sflag:s21] =	ssyncadd.s32 $0xFFFFD800  }
.Ltmp0:
0x66: {  	_ =	swait.ge [sflag:s22], $0x2800;
	(pc) =	sbr.rel @p0 .LBB2_2-.Ltmp0, $4  }
0x67: {  	[sflag:s22] =	ssyncset.done $0x0  }
0x68: {  	[sflag:s22] =	ssyncadd.s32 $0xFFFFD800  }
0x69: {  	_ =	swait.ge [sflag:s23], $0x2800  }
0x6a: {  	s26 =	sadd.s32 $0x190, s26;
	[sflag:s23] =	ssyncset.done $0x0  }
0x6b: {  	s28 =	sadd.s32 $0xFFFFFEC0, s26;
	[sflag:s23] =	ssyncadd.s32 $0xFFFFD800  }
0x6c: {  	[tilespmem:s9], [sflag:$0x1] =	stream.indirect.gather [hbm4b:s2+s8], $0x80, s28, s8, $0xb8;
	[tilespmem:$0xDB00] =	vst v63  }
0x6d: {  	s29 =	sadd.s32 $0xFFFFFF10, s26  }
0x6e: {  	[tilespmem:s10], [sflag:$0x2] =	stream.indirect.gather [hbm4b:s2+s8], $0x80, s29, s8, $0xb8;
	[tilespmem:$0xDB00] =	vst v63  }
0x6f: {  	s30 =	sadd.s32 $0xFFFFFF60, s26  }
0x70: {  	[tilespmem:s11], [sflag:$0x3] =	stream.indirect.gather [hbm4b:s2+s8], $0x80, s30, s8, $0xb8;
	[tilespmem:$0xDB00] =	vst v63  }
0x71: {  	s31 =	sadd.s32 $0xFFFFFFB0, s26  }
0x72: {  	[tilespmem:s12], [sflag:$0x4] =	stream.indirect.gather [hbm4b:s2+s8], $0x80, s31, s8, $0xb8;
	[tilespmem:$0xDB00] =	vst v63  }
0x73: {  	_ = 	snop  }
0x74: {  	[tilespmem:s13], [sflag:$0x5] =	stream.indirect.gather [hbm4b:s2+s8], $0x80, s26, s8, $0xb8;
	[tilespmem:$0xDB00] =	vst v63  }
0x75: {  	_ =	swait.ge [sflag:s14], $0x2800  }
0x76: {  	[sflag:s14] =	ssyncset.done $0x0  }
0x77: {  	s25 =	sadd.s32 s25, s6;
	[sflag:s14] =	ssyncadd.s32 $0xFFFFD800  }
0x78: {  	[hbm4b:s25+s3] =	stream.linear.scatter [tilespmem:s9], [sflag:$0x6], $0x2800, $0x38;
	[tilespmem:$0xDB00] =	vst v63  }
0x79: {  	_ =	swait.ge [sflag:s15], $0x2800  }
0x7a: {  	[sflag:s15] =	ssyncset.done $0x0  }
0x7b: {  	s29 =	sadd.s32 $0x500, s25;
	[sflag:s15] =	ssyncadd.s32 $0xFFFFD800  }
0x7c: {  	[hbm4b:s29+s3] =	stream.linear.scatter [tilespmem:s10], [sflag:$0x7], $0x2800, $0x38;
	[tilespmem:$0xDB00] =	vst v63  }
0x7d: {  	_ =	swait.ge [sflag:s16], $0x2800  }
0x7e: {  	[sflag:s16] =	ssyncset.done $0x0  }
0x7f: {  	s30 =	sadd.s32 $0xA00, s25;
	[sflag:s16] =	ssyncadd.s32 $0xFFFFD800  }
0x80: {  	[hbm4b:s30+s3] =	stream.linear.scatter [tilespmem:s11], [sflag:$0x8], $0x2800, $0x38;
	[tilespmem:$0xDB00] =	vst v63  }
0x81: {  	_ =	swait.ge [sflag:s17], $0x2800  }
0x82: {  	[sflag:s17] =	ssyncset.done $0x0  }
0x83: {  	s31 =	sadd.s32 $0xF00, s25;
	[sflag:s17] =	ssyncadd.s32 $0xFFFFD800  }
0x84: {  	[hbm4b:s31+s3] =	stream.linear.scatter [tilespmem:s12], [sflag:$0x9], $0x2800, $0x38;
	[tilespmem:$0xDB00] =	vst v63  }
0x85: {  	_ =	swait.ge [sflag:s18], $0x2800  }
0x86: {  	[sflag:s18] =	ssyncset.done $0x0  }
0x87: {  	s25 =	sadd.s32 $0x1400, s25;
	[sflag:s18] =	ssyncadd.s32 $0xFFFFD800  }
0x88: {  	[hbm4b:s25+s3] =	stream.linear.scatter [tilespmem:s13], [sflag:$0xA], $0x2800, $0x38;
	[tilespmem:$0xDB00] =	vst v63  }
0x89: {  	_ =	swait.ge [sflag:s19], $0x2800  }
0x8a: {  	[sflag:s19] =	ssyncset.done $0x0  }
0x8b: {  	[sflag:s19] =	ssyncadd.s32 $0xFFFFD800  }
0x8c: {  	_ =	swait.ge [sflag:s20], $0x2800  }
0x8d: {  	[sflag:s20] =	ssyncset.done $0x0  }
0x8e: {  	[sflag:s20] =	ssyncadd.s32 $0xFFFFD800  }
0x8f: {  	_ =	swait.ge [sflag:s21], $0x2800  }
0x90: {  	[sflag:s21] =	ssyncset.done $0x0  }
0x91: {  	s24 =	sadd.s32 $0x1, s24;
	[sflag:s21] =	ssyncadd.s32 $0xFFFFD800  }
0x92: {  	p0 =	sne.s32 s24, s5;
	_ =	swait.ge [sflag:s22], $0x2800  }
.Ltmp1:
0x93: {  	[sflag:s22] =	ssyncset.done $0x0;
	(pc) =	sbr.rel @p0 .LBB2_1-.Ltmp1, $4  }
0x94: {  	[sflag:s22] =	ssyncadd.s32 $0xFFFFD800  }
0x95: {  	_ =	swait.ge [sflag:s23], $0x2800  }
0x96: {  	[sflag:s23] =	ssyncset.done $0x0  }
0x97: {  	[sflag:s23] =	ssyncadd.s32 $0xFFFFD800  }
0x98: {  	_ =	sfence.sel $0x180000  }
0x99: {  	[bflag:$0x0] =	sbarrier.arrive $0xFFFF  }
0x9a: {  	p0 =	sne.s32 s0, $0x0;
	_ =	strace $0x9000004A  }
0x9b: {  	s0 =	sadd.s32 @!p0 $0x100000, s1;
	[bflag:$0x2] =	sbarrier.arrive $0xFFFF  }
0x9c: {  	[sflag:s0] =	ssyncadd.tile.s32 @!p0 $0x1;
	_ =	shalt  }
.Lfunc_end2:
_tile_overlayer_lowered:
.L_overlay_start_2:
0x9d: {  	(tag) =	ssettag $0x2  }
0x9e: {  	s0 =	rddreg [dreg:$0x0];
	s2 =	stileid.u32  }
0x9f: {  	s1 =	rddreg [dreg:$0x1];
	p0 =	sne.s32 s2, $0x0  }
0xa0: {  	s3 =	rddreg [dreg:$0x2];
	[bflag:$0x3] =	sbarrier.arrive $0xFFFF;
	s2 =	simm.s32 @!p0 $0x1C0B  }
0xa1: {  	[timem:s3], [sflag:s2] =	dma.local @!p0 [hbm:s0], s1  }
0xa2: {  	s0 =	simm.s32 @!p0 $0xB  }
0xa3: {  	_ =	swait.ge @!p0 [sflag:s0], s1  }
0xa4: {  	s1 =	ssub.s32 @!p0 $0x0, s1;
	[sflag:s0] =	ssyncset.done @!p0 $0x0  }
0xa5: {  	[sflag:s0] =	ssyncadd.s32 @!p0 s1  }
0xa6: {  	[bflag:$0x3] =	sbarrier.arrive $0xFFFF  }
0xa7: {  	_ =	shalt  }

// kernel: kernel.13.cloned.1.call-start
scs
__scs_entry_jumppad:
0x0: {  	(pc) =	sbr.rel $0x88, $3  }
0x1: {  	(tag) =	ssettag $0x0;
	lr =	simm.s32 $0x1  }
0x2: {  	[smem:$0x3F91] =	sst lr;
	_ =	strace $0xD0000000  }
0x3: {  	_ = 	snop  }
0x4: {  	_ = 	snop  }
0x5: {  	_ = 	snop  }
0x6: {  	_ = 	snop  }
0x7: {  	_ = 	snop  }
__scs_overlays_trampoline_lowered:
0x8: {  	[smem:$0x3FA0] =	sst s0  }
0x9: {  	[smem:$0x3FA1] =	sst s1  }
0xa: {  	[smem:$0x3FA2] =	sst s2  }
0xb: {  	[smem:$0x3FA3] =	sst s3  }
0xc: {  	[smem:$0x3FA4] =	sst s4  }
0xd: {  	[smem:$0x3FA5] =	sst s5  }
0xe: {  	[smem:$0x3FA6] =	sst s6  }
0xf: {  	[smem:$0x3FA7] =	sst s7  }
0x10: {  	[smem:$0x3FA8] =	sst s8  }
0x11: {  	[smem:$0x3FA9] =	sst s9;
	s0 =	simm.s32 @!p0 $0x0  }
0x12: {  	s1 =	sld [smem:$0x3F8F];
	s0 =	simm.s32 @p0 $0x1  }
0x13: {  	[smem:$0x3FAA] =	sst s0;
	s0 =	simm.s32 @!p1 $0x0  }
0x14: {  	s2 =	sld [smem:$0x3F8E];
	s0 =	simm.s32 @p1 $0x1  }
0x15: {  	[smem:$0x3FAB] =	sst s0;
	s0 =	simm.s32 @!p2 $0x0  }
0x16: {  	s3 =	sld [smem:$0x3FDB];
	s0 =	simm.s32 @p2 $0x1  }
0x17: {  	s4 =	simm.s32 $0x1BF5;
	[smem:$0x3FAD] =	sst s0  }
0x18: {  	s0 =	sld [smem:$0x3F90];
	_ =	swait.ge [sflag:s4], $0x0  }
0x19: {  	s7 =	sld [smem:$0x3F91]  }
0x1a: {  	s8 =	sadd.s32 $0xFFFFE003, lr  }
0x1b: {  	s9 =	sadd.s32 $0xFFFFFEF7, lr;
	s5 =	simm.s32 $0xFFFFFFFF;
	p2 =	slt.u32 s8, $0xFFFFF086  }
0x1c: {  	p1 =	slt.u32 s9, $0xF7A;
	s5 =	simm.s32 @!p2 $0x0  }
0x1d: {  	s5 =	simm.s32 @p1 $0x1;
	p0 =	seq.s32 s7, s2  }
0x1e: {  	s7 =	smul.u32 @!p0 $0xF7A, s2;
	p2 =	seq.s32 @!p0 s5, $0x0  }
0x1f: {  	s9 =	smul.u32 $0xF7A, s1;
	s8 =	simm.s32 @!p0 $0x1BF5;
	p2 =	por !p2, p0  }
0x20: {  	[sflag:s8] =	ssyncset.s32 @!p0 $0xFFFFF086;
	s6 =	sadd.s32 @!p0 s3, s7;
	s7 =	simm.s32 @!p0 $0x108  }
0x21: {  	s3 =	sadd.s32 s3, s9;
	s6 =	sadd.s32 @!p0 $0x88, s6;
	s7 =	simm.s32 @p2 $0x1082  }
0x22: {  	[simem:s7], [sflag:s8] =	dma.local @!p0 [hbm:s6], $0xF7A  }
0x23: {  	s9 =	sor.u32 $0xD0000000, s2;
	s6 =	simm.s32 $0x108;
	_ =	swait.ge @!p0 [sflag:s8], $0x0  }
0x24: {  	s3 =	sadd.s32 $0x88, s3;
	s6 =	simm.s32 @!p1 $0x1082;
	[sflag:s4] =	ssyncset.s32 $0xFFFFF086  }
0x25: {  	[simem:s6], [sflag:s4] =	dma.local [hbm:s3], $0xF7A  }
0x26: {  	[smem:$0x3F91] =	sst s1;
	(tag) =	ssettag s2;
	_ =	strace s9  }
0x27: {  	s1 =	sld [smem:$0x3FA1]  }
0x28: {  	s2 =	sld [smem:$0x3FA2]  }
0x29: {  	s4 =	sld [smem:$0x3FA4]  }
0x2a: {  	p0 =	seq.s32 s5, $0x0;
	s5 =	sld [smem:$0x3FA5]  }
0x2b: {  	s6 =	sld [smem:$0x3FA6]  }
0x2c: {  	s7 =	sld [smem:$0x3FA7]  }
0x2d: {  	s3 =	simm.s32 $0x108;
	s8 =	sld [smem:$0x3FA8]  }
0x2e: {  	s3 =	simm.s32 @!p0 $0x1082;
	s9 =	sld [smem:$0x3FA9]  }
0x2f: {  	lr =	sadd.s32 s0, s3;
	s0 =	sld [smem:$0x3FA0]  }
0x30: {  	s3 =	sld [smem:$0x3FA3]  }
0x31: {  	[smem:$0x3FAC] =	sst s10  }
0x32: {  	s10 =	sld [smem:$0x3FAA];
	_ =	sdelay $0x3  }
0x33: {  	p0 =	seq.s32 s10, $0x1;
	s10 =	sld [smem:$0x3FAC];
	_ =	sdelay $0x3  }
0x34: {  	[smem:$0x3FAC] =	sst s10  }
0x35: {  	s10 =	sld [smem:$0x3FAB];
	_ =	sdelay $0x3  }
0x36: {  	p1 =	seq.s32 s10, $0x1;
	s10 =	sld [smem:$0x3FAC];
	_ =	sdelay $0x3  }
0x37: {  	[smem:$0x3FAC] =	sst s10  }
0x38: {  	s10 =	sld [smem:$0x3FAD]  }
0x39: {  	_ = 	snop;
	(pc) =	sbr.ind lr, $3  }
0x3a: {  	_ = 	snop  }
0x3b: {  	_ = 	snop  }
0x3c: {  	p2 =	seq.s32 s10, $0x1;
	s10 =	sld [smem:$0x3FAC]  }
0x3d: {  	_ =	shalt  }
0x3e: {  	_ =	shalt  }
0x3f: {  	_ =	shalt  }
0x40: {  	_ =	shalt  }
0x41: {  	_ =	shalt  }
0x42: {  	_ =	shalt  }
0x43: {  	_ =	shalt  }
0x44: {  	_ =	shalt  }
0x45: {  	_ =	shalt  }
0x46: {  	_ =	shalt  }
0x47: {  	_ =	shalt  }
0x48: {  	_ =	shalt  }
0x49: {  	_ =	shalt  }
0x4a: {  	_ =	shalt  }
0x4b: {  	_ =	shalt  }
0x4c: {  	_ =	shalt  }
0x4d: {  	_ =	shalt  }
0x4e: {  	_ =	shalt  }
0x4f: {  	_ =	shalt  }
0x50: {  	_ =	shalt  }
0x51: {  	_ =	shalt  }
0x52: {  	_ =	shalt  }
0x53: {  	_ =	shalt  }
0x54: {  	_ =	shalt  }
0x55: {  	_ =	shalt  }
0x56: {  	_ =	shalt  }
0x57: {  	_ =	shalt  }
0x58: {  	_ =	shalt  }
0x59: {  	_ =	shalt  }
0x5a: {  	_ =	shalt  }
0x5b: {  	_ =	shalt  }
0x5c: {  	_ =	shalt  }
0x5d: {  	_ =	shalt  }
0x5e: {  	_ =	shalt  }
0x5f: {  	_ =	shalt  }
0x60: {  	_ =	shalt  }
0x61: {  	_ =	shalt  }
0x62: {  	_ =	shalt  }
0x63: {  	_ =	shalt  }
0x64: {  	_ =	shalt  }
0x65: {  	_ =	shalt  }
0x66: {  	_ =	shalt  }
0x67: {  	_ =	shalt  }
0x68: {  	_ =	shalt  }
0x69: {  	_ =	shalt  }
0x6a: {  	_ =	shalt  }
0x6b: {  	_ =	shalt  }
0x6c: {  	_ =	shalt  }
0x6d: {  	_ =	shalt  }
0x6e: {  	_ =	shalt  }
0x6f: {  	_ =	shalt  }
0x70: {  	_ =	shalt  }
0x71: {  	_ =	shalt  }
0x72: {  	_ =	shalt  }
0x73: {  	_ =	shalt  }
0x74: {  	_ =	shalt  }
0x75: {  	_ =	shalt  }
0x76: {  	_ =	shalt  }
0x77: {  	_ =	shalt  }
0x78: {  	_ =	shalt  }
0x79: {  	_ =	shalt  }
0x7a: {  	_ =	shalt  }
0x7b: {  	_ =	shalt  }
0x7c: {  	_ =	shalt  }
0x7d: {  	_ =	shalt  }
0x7e: {  	_ =	shalt  }
0x7f: {  	_ =	shalt  }
0x80: {  	_ =	shalt  }
0x81: {  	_ =	shalt  }
0x82: {  	_ =	shalt  }
0x83: {  	_ =	shalt  }
0x84: {  	_ =	shalt  }
0x85: {  	_ =	shalt  }
0x86: {  	_ =	shalt  }
0x87: {  	_ =	shalt  }
.Lfunc_end0:
.L_simem_size_0:
called_computation.1_lowered:
.L_overlay_start_0:
0x88: {  	s2 =	sld [smem:$0x3FD9]  }
0x89: {  	s3 =	sld [smem:$0x3FFE];
	_ =	sdelay $0x1  }
0x8a: {  	s1 =	srdreg.scid  }
0x8b: {  	s0 =	sand.u32 $0x1, s1  }
0x8c: {  	s15 =	sshll.u32 s0, $0xA;
	s2 =	sadd.s32 s3, s2  }
0x8d: {  	s2 =	sadd.s32 s2, s15  }
0x8e: {  	[smem:$0x3FB8] =	sst s2  }
0x8f: {  	_ = 	snop  }
0x90: {  	s2 =	sld [smem:$0x3FD0];
	_ =	sdelay $0x2  }
0x91: {  	s16 =	simm.s32 $0xB;
	s4 =	simm.s32 $0x10  }
0x92: {  	[smem:s4], [sflag:s16] =	dma.local [hbm:s2], $0x1  }
0x93: {  	_ =	swait.eq [sflag:s16], $0x1  }
0x94: {  	[sflag:s16] =	ssyncset.done $0x0  }
0x95: {  	[sflag:s16] =	ssyncadd.s32 $0xFFFFFFFF  }
0x96: {  	s17 =	sld [smem:$0x10];
	(tm) =	ssettm $0x1  }
0x97: {  	s18 =	sld [smem:$0x3FFB];
	_ =	sdelay $0x3  }
0x98: {  	_ =	strace s18  }
0x99: {  	s2 =	sld [smem:$0x3FFC];
	_ =	sdelay $0x3  }
0x9a: {  	_ =	strace s2  }
0x9b: {  	s2 =	sld [smem:$0x3FFD];
	_ =	sdelay $0x3  }
0x9c: {  	_ =	strace s2  }
0x9d: {  	_ =	strace $0x8FFFFFFF  }
0x9e: {  	s19 =	sld [smem:$0x3FDB];
	_ =	sdelay $0x1  }
0x9f: {  	s20 =	simm.s32 $_scs_section_size  }
0xa0: {  	s5 =	simm.s32 $_size__tile_overlayer_lowered;
	s6 =	simm.s32 $_tile_overlayer_lowered  }
0xa1: {  	s7 =	simm.s32 $0x1BFF;
	s21 =	sshll.u32 s6, $0x1;
	s4 =	sadd.s32 s20, s19  }
0xa2: {  	s22 =	simm.s32 $0x0;
	s5 =	sshll.u32 s5, $0x1;
	s6 =	sadd.s32 s21, s4  }
0xa3: {  	[timem:s22], [sflag:s7] =	dma.local [hbm:s6], s5  }
0xa4: {  	_ =	swait.ge [sflag:s7], s5  }
0xa5: {  	s5 =	ssub.s32 $0x0, s5;
	[sflag:s7] =	ssyncset.done $0x0  }
0xa6: {  	[sflag:s7] =	ssyncadd.s32 s5;
	_ =	sdelay $0x1  }
0xa7: {  	s23 =	simm.s32 $0x1B8B  }
0xa8: {  	_ =	swait.ge [sflag:s23], $0x1  }
0xa9: {  	[sflag:s23] =	ssyncset.done $0x0  }
0xaa: {  	[sflag:s23] =	ssyncadd.s32 $0xFFFFFFFF  }
0xab: {  	s5 =	sld [smem:$0x0]  }
0xac: {  	s6 =	sand.u32 $0xFFFFFFFE, s1  }
0xad: {  	p0 =	sne.s32 s1, s6  }
0xae: {  	s6 =	sshll.u32 @p0 s6, $0xE  }
0xaf: {  	s6 =	sadd.s32 @p0 $0x11B8D, s6;
	s7 =	sshll.u32 @p0 s5, $0x11  }
0xb0: {  	s6 =	sor.u32 @p0 s7, s6  }
0xb1: {  	[sflag:s6] =	ssyncadd.remote.s32 @p0 $0x1;
	_ =	sdelay $0x1  }
0xb2: {  	s6 =	simm.s32 @p0 $0x1B8D  }
0xb3: {  	_ =	swait.eq @p0 [sflag:s6], $0x1  }
0xb4: {  	[sflag:s6] =	ssyncadd.s32 @p0 $0xFFFFFFFF  }
0xb5: {  	s7 =	sshll.u32 @!p0 s1, $0xE  }
0xb6: {  	s7 =	sor.u32 @!p0 $0x4000, s7;
	s6 =	simm.s32 @!p0 $0x1B8D  }
0xb7: {  	s5 =	sshll.u32 @!p0 s5, $0x11;
	s7 =	sadd.s32 @!p0 $0x11B8D, s7;
	_ =	swait.eq @!p0 [sflag:s6], $0x1  }
0xb8: {  	s5 =	sor.u32 @!p0 s5, s7;
	[sflag:s6] =	ssyncadd.s32 @!p0 $0xFFFFFFFF  }
0xb9: {  	s25 =	simm.s32 $0x1B8E;
	s24 =	sld [smem:$0x3FFE];
	[sflag:s5] =	ssyncadd.remote.s32 @!p0 $0x1  }
0xba: {  	s26 =	simm.s32 $execute0_lowered;
	[smem:$0x3FD2] =	sst s25  }
0xbb: {  	s6 =	sshll.u32 s26, $0x1;
	_ =	strace $0x8000004F;
	[dreg:$0x1] =	wrdreg $0xFFFFFFFF  }
0xbc: {  	s28 =	simm.s32 $_size_execute0_lowered;
	s4 =	sadd.s32 s4, s6;
	[dreg:$0x0] =	wrdreg $0x0  }
0xbd: {  	s6 =	sshll.u32 s28, $0x1;
	[dreg:$0x2] =	wrdreg s4  }
0xbe: {  	[dreg:$0x3] =	wrdreg s6  }
0xbf: {  	[dreg:$0x4] =	wrdreg $0xC0  }
0xc0: {  	_ =	task [dreg:s22], $0x5FFFF  }
0xc1: {  	[dreg:$0x1] =	wrdreg $0xFFFFFFFF  }
0xc2: {  	[dreg:$0x0] =	wrdreg $0x60  }
0xc3: {  	[dreg:$0x2] =	wrdreg s24  }
0xc4: {  	[dreg:$0x3] =	wrdreg s17  }
0xc5: {  	[dreg:$0x4] =	wrdreg $0x81000  }
0xc6: {  	[dreg:$0x5] =	wrdreg $0x9  }
0xc7: {  	_ =	task.clear_ibuf [dreg:s22], $0x6FFFF;
	_ =	strace $0x9000004F  }
0xc8: {  	s29 =	simm.s32 $0x9;
	_ =	strace $0x80000051  }
0xc9: {  	_ =	swait.ge [sflag:s29], $0x1  }
0xca: {  	[sflag:s29] =	ssyncadd.s32 $0xFFFFFFFF  }
0xcb: {  	_ =	strace $0x90000051  }
0xcc: {  	_ =	sfence  }
0xcd: {  	s30 =	sld [smem:$0x0];
	_ =	sdelay $0x2  }
0xce: {  	s31 =	sshll.u32 s1, $0xD;
	s1 =	sshrl.u32 s1, $0x2  }
0xcf: {  	s4 =	sand.u32 $0x4000, s31;
	s1 =	sadd.s32 s1, s30  }
0xd0: {  	s0 =	sor.u32 s4, s0;
	s1 =	sshll.u32 s1, $0x11  }
0xd1: {  	s0 =	sor.u32 s1, s0  }
0xd2: {  	s0 =	sadd.s32 $0x8F2B, s0  }
0xd3: {  	[sflag:s0] =	ssyncadd.remote.s32 $0x1  }
0xd4: {  	_ =	sfence.sel $0xFFFF  }
0xd5: {  	[dreg:$0x0] =	wrdreg $0xFFFFFFFF;
	(pc) =	sbr.abs _section_cstart, $3  }
0xd6: {  	[dreg:$0x1] =	wrdreg $0xFFFFFFFF  }
0xd7: {  	_ =	task.clear_ibuf [dreg:s22], $0x2FFFF;
	_ =	strace $0x9FFFFFFF  }
0xd8: {  	(tm) =	ssettm $0x7FFFFFFF  }
0xd9: {  	_ =	shalt  }
tec
execute0_lowered:
.L_overlay_start_1:
0x0: {  	(tag) =	ssettag $0x1  }
0x1: {  	s5 =	rddreg [dreg:$0x0]  }
0x2: {  	s11 =	rddreg [dreg:$0x1]  }
0x3: {  	s1 =	rddreg [dreg:$0x2]  }
0x4: {  	s0 =	rddreg [dreg:$0x3];
	s3 =	simm.s32 $0x0  }
0x5: {  	s2 =	srdreg.scid;
	s17 =	simm.s32 $0x100;
	s18 =	simm.s32 $0x80  }
0x6: {  	s19 =	simm.s32 $0x4100;
	s20 =	simm.s32 $0x1;
	s6 =	sand.u32 $0x1, s2  }
0x7: {  	s21 =	simm.s32 $0x3;
	s2 =	stileid.u32;
	s7 =	smul.u32 $0x140000, s6  }
0x8: {  	[smem:$0x7FF] =	sst s3;
	s12 =	sadd.s32 $0xA03A00, s5;
	s8 =	smul.u32 $0x14000, s2  }
0x9: {  	s4 =	sadd.s32 $0xDA00, s5;
	_ =	strace $0x80000050;
	s9 =	smul.u32 $0x50000, s2  }
0xa: {  	s22 =	ssub.s32 $0x2, s6;
	s13 =	smul.u32 $0x2580, s2;
	s24 =	sshll.u32 s2, $0x6  }
0xb: {  	s28 =	sshll.u32 s6, $0x7;
	s29 =	smul.u32 $0x258000, s2;
	s16 =	sshll.u32 s6, $0xA  }
0xc: {  	s30 =	smul.u32 $0x4B0, s2;
	s10 =	sshrl.u32 s22, $0x1;
	s7 =	sadd.s32 s8, s7  }
0xd: {  	s10 =	ssub.s32 s22, s10;
	s23 =	sshrl.u32 s9, $0x2;
	s25 =	sadd.s32 $0x2500, s13  }
0xe: {  	s9 =	sadd.s32 s12, s28;
	s13 =	sor.u32 s16, s29;
	s16 =	simm.s32 $0x800  }
0xf: {  	s22 =	simm.s32 $0x2;
	s7 =	sshrl.u32 s7, $0x3;
	s15 =	sadd.s32 s23, s1  }
0x10: {  	s26 =	sshrl.u32 s25, $0x3;
	s31 =	sshrl.u32 s13, $0x3;
	s13 =	sadd.s32 $0x8000, s13  }
0x11: {  	s23 =	simm.s32 $0x4;
	s14 =	sadd.s32 s7, s5;
	s5 =	sor.u32 $0x1C07, s24  }
0x12: {  	s7 =	sshll.u32 s25, $0x5;
	s6 =	sadd.s32 s11, s26;
	s11 =	sadd.s32 s30, s11  }
0x13: {  	s13 =	sshrl.u32 s13, $0x3;
	s24 =	simm.s32 $0x5;
	s25 =	simm.s32 $0x6  }
0x14: {  	s26 =	simm.s32 $0x0;
	s7 =	sadd.s32 s7, s9;
	s8 =	sadd.s32 $0x60200, s14  }
0x15: {  	s9 =	smax.u32 s10, $0x1;
	s10 =	sadd.s32 s31, s12;
	s12 =	sadd.s32 s13, s12  }
0x16: {  	s13 =	sshrl.u32 s15, $0x3;
	s14 =	simm.s32 $0x7;
	s15 =	simm.s32 $0x400  }
.LBB2_1:
0x17: {  	[spmem:s13], [sflag:s5] =	dma.local [hbm:s4], $0x2800  }
0x18: {  	_ =	swait.ge [sflag:s14], $0x2800  }
0x19: {  	[sflag:s14] =	ssyncset.done $0x0  }
0x1a: {  	[sflag:s14] =	ssyncadd.s32 $0xFFFFD800  }
0x1b: {  	[bflag:$0x0] =	sbarrier.arrive $0xFFFF  }
0x1c: {  	[tilespmem:s3], [sflag:$0x1] =	stream.linear.gather [hbm4b:s11+s3], $0x80, $0x38;
	[tilespmem:$0x1C100] =	vst v63  }
0x1d: {  	s28 =	sadd.s32 $0x0, s10  }
0x1e: {  	[tilespmem:s17], [sflag:$0x3] =	stream.strided.gather [hbm4b:s28+s15], $0x4000, s16, s15, $0x38;
	[tilespmem:$0x1C100] =	vst v63  }
0x1f: {  	s28 =	sadd.s32 $0x10, s11  }
0x20: {  	[tilespmem:s18], [sflag:$0x2] =	stream.linear.gather [hbm4b:s28+s3], $0x80, $0x38;
	[tilespmem:$0x1C100] =	vst v63  }
0x21: {  	s28 =	sadd.s32 $0x0, s12  }
0x22: {  	[tilespmem:s19], [sflag:$0x4] =	stream.strided.gather [hbm4b:s28+s15], $0x4000, s16, s15, $0x38;
	[tilespmem:$0x1C100] =	vst v63  }
0x23: {  	_ =	swait.ge [sflag:s20], $0x80  }
0x24: {  	[sflag:s20] =	ssyncset.done $0x0  }
0x25: {  	[sflag:s20] =	ssyncadd.s32 $0xFFFFFF80  }
0x26: {  	_ =	swait.ge [sflag:s21], $0x4000  }
0x27: {  	[sflag:s21] =	ssyncset.done $0x0  }
0x28: {  	[sflag:s21] =	ssyncadd.s32 $0xFFFFC000  }
0x29: {  	[spmem:s1] =	stream.indirect.scatter.add.f32 [tilespmem:s17], [sflag:$0x5], $0x80, s3, s18, $0xb8;
	[tilespmem:$0x1C100] =	vst v63  }
0x2a: {  	_ =	swait.ge [sflag:s22], $0x80  }
0x2b: {  	[sflag:s22] =	ssyncset.done $0x0  }
0x2c: {  	[sflag:s22] =	ssyncadd.s32 $0xFFFFFF80  }
0x2d: {  	_ =	swait.ge [sflag:s23], $0x4000  }
0x2e: {  	[sflag:s23] =	ssyncset.done $0x0  }
0x2f: {  	[sflag:s23] =	ssyncadd.s32 $0xFFFFC000  }
0x30: {  	[spmem:s1] =	stream.indirect.scatter.add.f32 [tilespmem:s19], [sflag:$0x6], $0x80, s18, s18, $0xb8;
	[tilespmem:$0x1C100] =	vst v63  }
0x31: {  	_ =	swait.ge [sflag:s24], $0x4000  }
0x32: {  	[sflag:s24] =	ssyncset.done $0x0  }
0x33: {  	[sflag:s24] =	ssyncadd.s32 $0xFFFFC000  }
0x34: {  	_ =	swait.ge [sflag:s25], $0x4000  }
0x35: {  	s29 =	smov.u32 s11;
	s28 =	simm.s32 $0x2000;
	[sflag:s25] =	ssyncset.done $0x0  }
.LBB2_2:
0x36: {  	p0 =	sne.s32 s28, $0x48000;
	[sflag:s25] =	ssyncadd.s32 $0xFFFFC000;
	s29 =	sadd.s32 $0x20, s29  }
0x37: {  	[tilespmem:s3], [sflag:$0x1] =	stream.linear.gather [hbm4b:s29+s3], $0x80, $0x38;
	[tilespmem:$0x1C100] =	vst v63  }
0x38: {  	s30 =	sadd.s32 s28, s10;
	s31 =	smov.u32 s28;
	s28 =	sadd.s32 $0x2000, s28  }
0x39: {  	[tilespmem:s17], [sflag:$0x3] =	stream.strided.gather [hbm4b:s30+s15], $0x4000, s16, s15, $0x38;
	[tilespmem:$0x1C100] =	vst v63  }
0x3a: {  	s30 =	sadd.s32 $0x10, s29  }
0x3b: {  	[tilespmem:s18], [sflag:$0x2] =	stream.linear.gather [hbm4b:s30+s3], $0x80, $0x38;
	[tilespmem:$0x1C100] =	vst v63  }
0x3c: {  	s30 =	sadd.s32 s31, s12  }
0x3d: {  	[tilespmem:s19], [sflag:$0x4] =	stream.strided.gather [hbm4b:s30+s15], $0x4000, s16, s15, $0x38;
	[tilespmem:$0x1C100] =	vst v63  }
0x3e: {  	_ =	swait.ge [sflag:s20], $0x80  }
0x3f: {  	[sflag:s20] =	ssyncset.done $0x0  }
0x40: {  	[sflag:s20] =	ssyncadd.s32 $0xFFFFFF80  }
0x41: {  	_ =	swait.ge [sflag:s21], $0x4000  }
0x42: {  	[sflag:s21] =	ssyncset.done $0x0  }
0x43: {  	[sflag:s21] =	ssyncadd.s32 $0xFFFFC000  }
0x44: {  	[spmem:s1] =	stream.indirect.scatter.add.f32 [tilespmem:s17], [sflag:$0x5], $0x80, s3, s18, $0xb8;
	[tilespmem:$0x1C100] =	vst v63  }
0x45: {  	_ =	swait.ge [sflag:s22], $0x80  }
0x46: {  	[sflag:s22] =	ssyncset.done $0x0  }
0x47: {  	[sflag:s22] =	ssyncadd.s32 $0xFFFFFF80  }
0x48: {  	_ =	swait.ge [sflag:s23], $0x4000  }
0x49: {  	[sflag:s23] =	ssyncset.done $0x0  }
0x4a: {  	[sflag:s23] =	ssyncadd.s32 $0xFFFFC000  }
0x4b: {  	[spmem:s1] =	stream.indirect.scatter.add.f32 [tilespmem:s19], [sflag:$0x6], $0x80, s18, s18, $0xb8;
	[tilespmem:$0x1C100] =	vst v63  }
.Ltmp0:
0x4c: {  	_ =	swait.ge [sflag:s24], $0x4000;
	(pc) =	sbr.rel @p0 .LBB2_2-.Ltmp0, $4  }
0x4d: {  	[sflag:s24] =	ssyncset.done $0x0  }
0x4e: {  	[sflag:s24] =	ssyncadd.s32 $0xFFFFC000  }
0x4f: {  	_ =	swait.ge [sflag:s25], $0x4000  }
0x50: {  	[sflag:s25] =	ssyncset.done $0x0  }
0x51: {  	[sflag:s25] =	ssyncadd.s32 $0xFFFFC000  }
0x52: {  	[tilespmem:s3], [sflag:$0x1] =	stream.linear.gather [hbm4b:s6+s3], $0x80, $0x38;
	[tilespmem:$0x1C100] =	vst v63  }
0x53: {  	_ = 	snop  }
0x54: {  	[tilespmem:s17], [sflag:$0x3] =	stream.strided.gather [hbm4b:s7+s15], $0x4000, s16, s15, $0x38;
	[tilespmem:$0x1C100] =	vst v63  }
0x55: {  	_ =	swait.ge [sflag:s20], $0x80  }
0x56: {  	[sflag:s20] =	ssyncset.done $0x0  }
0x57: {  	[sflag:s20] =	ssyncadd.s32 $0xFFFFFF80  }
0x58: {  	_ =	swait.ge [sflag:s21], $0x4000  }
0x59: {  	[sflag:s21] =	ssyncset.done $0x0  }
0x5a: {  	[sflag:s21] =	ssyncadd.s32 $0xFFFFC000  }
0x5b: {  	[spmem:s1] =	stream.indirect.scatter.add.f32 [tilespmem:s17], [sflag:$0x7], $0x80, s3, s18, $0xb8;
	[tilespmem:$0x1C100] =	vst v63  }
0x5c: {  	_ =	swait.ge [sflag:s14], $0x4000  }
0x5d: {  	s26 =	sadd.s32 $0x1, s26;
	[sflag:s14] =	ssyncset.done $0x0  }
0x5e: {  	p0 =	sne.s32 s26, s9;
	[sflag:s14] =	ssyncadd.s32 $0xFFFFC000  }
.Ltmp1:
0x5f: {  	[bflag:$0x0] =	sbarrier.arrive $0xFFFF;
	(pc) =	sbr.rel @p0 .LBB2_1-.Ltmp1, $4  }
0x60: {  	[hbm:s8], [sflag:s5] =	dma.local [spmem:s13], $0x2800  }
0x61: {  	_ =	swait.ge [sflag:s14], $0x2800  }
0x62: {  	[sflag:s14] =	ssyncset.done $0x0  }
0x63: {  	[sflag:s14] =	ssyncadd.s32 $0xFFFFD800  }
0x64: {  	_ =	sfence.sel $0x180000  }
0x65: {  	[bflag:$0x0] =	sbarrier.arrive $0xFFFF  }
0x66: {  	p0 =	sne.s32 s2, $0x0;
	_ =	strace $0x90000050  }
0x67: {  	s0 =	sadd.s32 @!p0 $0x100000, s0;
	[bflag:$0x2] =	sbarrier.arrive $0xFFFF  }
0x68: {  	[sflag:s0] =	ssyncadd.tile.s32 @!p0 $0x1;
	_ =	shalt  }
.Lfunc_end2:
_tile_overlayer_lowered:
.L_overlay_start_2:
0x69: {  	(tag) =	ssettag $0x2  }
0x6a: {  	s0 =	rddreg [dreg:$0x0];
	s2 =	stileid.u32  }
0x6b: {  	s1 =	rddreg [dreg:$0x1];
	p0 =	sne.s32 s2, $0x0  }
0x6c: {  	s3 =	rddreg [dreg:$0x2];
	[bflag:$0x3] =	sbarrier.arrive $0xFFFF;
	s2 =	simm.s32 @!p0 $0x1C07  }
0x6d: {  	[timem:s3], [sflag:s2] =	dma.local @!p0 [hbm:s0], s1  }
0x6e: {  	s0 =	simm.s32 @!p0 $0x7  }
0x6f: {  	_ =	swait.ge @!p0 [sflag:s0], s1  }
0x70: {  	s1 =	ssub.s32 @!p0 $0x0, s1;
	[sflag:s0] =	ssyncset.done @!p0 $0x0  }
0x71: {  	[sflag:s0] =	ssyncadd.s32 @!p0 s1  }
0x72: {  	[bflag:$0x3] =	sbarrier.arrive $0xFFFF  }
0x73: {  	_ =	shalt  }

// kernel: kernel.16.cloned.1.call-start
scs
__scs_entry_jumppad:
0x0: {  	(pc) =	sbr.rel $0x88, $3  }
0x1: {  	(tag) =	ssettag $0x0;
	lr =	simm.s32 $0x1  }
0x2: {  	[smem:$0x3F91] =	sst lr;
	_ =	strace $0xD0000000  }
0x3: {  	_ = 	snop  }
0x4: {  	_ = 	snop  }
0x5: {  	_ = 	snop  }
0x6: {  	_ = 	snop  }
0x7: {  	_ = 	snop  }
__scs_overlays_trampoline_lowered:
0x8: {  	[smem:$0x3FA0] =	sst s0  }
0x9: {  	[smem:$0x3FA1] =	sst s1  }
0xa: {  	[smem:$0x3FA2] =	sst s2  }
0xb: {  	[smem:$0x3FA3] =	sst s3  }
0xc: {  	[smem:$0x3FA4] =	sst s4  }
0xd: {  	[smem:$0x3FA5] =	sst s5  }
0xe: {  	[smem:$0x3FA6] =	sst s6  }
0xf: {  	[smem:$0x3FA7] =	sst s7  }
0x10: {  	[smem:$0x3FA8] =	sst s8  }
0x11: {  	[smem:$0x3FA9] =	sst s9;
	s0 =	simm.s32 @!p0 $0x0  }
0x12: {  	s1 =	sld [smem:$0x3F8F];
	s0 =	simm.s32 @p0 $0x1  }
0x13: {  	[smem:$0x3FAA] =	sst s0;
	s0 =	simm.s32 @!p1 $0x0  }
0x14: {  	s2 =	sld [smem:$0x3F8E];
	s0 =	simm.s32 @p1 $0x1  }
0x15: {  	[smem:$0x3FAB] =	sst s0;
	s0 =	simm.s32 @!p2 $0x0  }
0x16: {  	s3 =	sld [smem:$0x3FDB];
	s0 =	simm.s32 @p2 $0x1  }
0x17: {  	s4 =	simm.s32 $0x1BF5;
	[smem:$0x3FAD] =	sst s0  }
0x18: {  	s0 =	sld [smem:$0x3F90];
	_ =	swait.ge [sflag:s4], $0x0  }
0x19: {  	s7 =	sld [smem:$0x3F91]  }
0x1a: {  	s8 =	sadd.s32 $0xFFFFE003, lr  }
0x1b: {  	s9 =	sadd.s32 $0xFFFFFEF7, lr;
	s5 =	simm.s32 $0xFFFFFFFF;
	p2 =	slt.u32 s8, $0xFFFFF086  }
0x1c: {  	p1 =	slt.u32 s9, $0xF7A;
	s5 =	simm.s32 @!p2 $0x0  }
0x1d: {  	s5 =	simm.s32 @p1 $0x1;
	p0 =	seq.s32 s7, s2  }
0x1e: {  	s7 =	smul.u32 @!p0 $0xF7A, s2;
	p2 =	seq.s32 @!p0 s5, $0x0  }
0x1f: {  	s9 =	smul.u32 $0xF7A, s1;
	s8 =	simm.s32 @!p0 $0x1BF5;
	p2 =	por !p2, p0  }
0x20: {  	[sflag:s8] =	ssyncset.s32 @!p0 $0xFFFFF086;
	s6 =	sadd.s32 @!p0 s3, s7;
	s7 =	simm.s32 @!p0 $0x108  }
0x21: {  	s3 =	sadd.s32 s3, s9;
	s6 =	sadd.s32 @!p0 $0x88, s6;
	s7 =	simm.s32 @p2 $0x1082  }
0x22: {  	[simem:s7], [sflag:s8] =	dma.local @!p0 [hbm:s6], $0xF7A  }
0x23: {  	s9 =	sor.u32 $0xD0000000, s2;
	s6 =	simm.s32 $0x108;
	_ =	swait.ge @!p0 [sflag:s8], $0x0  }
0x24: {  	s3 =	sadd.s32 $0x88, s3;
	s6 =	simm.s32 @!p1 $0x1082;
	[sflag:s4] =	ssyncset.s32 $0xFFFFF086  }
0x25: {  	[simem:s6], [sflag:s4] =	dma.local [hbm:s3], $0xF7A  }
0x26: {  	[smem:$0x3F91] =	sst s1;
	(tag) =	ssettag s2;
	_ =	strace s9  }
0x27: {  	s1 =	sld [smem:$0x3FA1]  }
0x28: {  	s2 =	sld [smem:$0x3FA2]  }
0x29: {  	s4 =	sld [smem:$0x3FA4]  }
0x2a: {  	p0 =	seq.s32 s5, $0x0;
	s5 =	sld [smem:$0x3FA5]  }
0x2b: {  	s6 =	sld [smem:$0x3FA6]  }
0x2c: {  	s7 =	sld [smem:$0x3FA7]  }
0x2d: {  	s3 =	simm.s32 $0x108;
	s8 =	sld [smem:$0x3FA8]  }
0x2e: {  	s3 =	simm.s32 @!p0 $0x1082;
	s9 =	sld [smem:$0x3FA9]  }
0x2f: {  	lr =	sadd.s32 s0, s3;
	s0 =	sld [smem:$0x3FA0]  }
0x30: {  	s3 =	sld [smem:$0x3FA3]  }
0x31: {  	[smem:$0x3FAC] =	sst s10  }
0x32: {  	s10 =	sld [smem:$0x3FAA];
	_ =	sdelay $0x3  }
0x33: {  	p0 =	seq.s32 s10, $0x1;
	s10 =	sld [smem:$0x3FAC];
	_ =	sdelay $0x3  }
0x34: {  	[smem:$0x3FAC] =	sst s10  }
0x35: {  	s10 =	sld [smem:$0x3FAB];
	_ =	sdelay $0x3  }
0x36: {  	p1 =	seq.s32 s10, $0x1;
	s10 =	sld [smem:$0x3FAC];
	_ =	sdelay $0x3  }
0x37: {  	[smem:$0x3FAC] =	sst s10  }
0x38: {  	s10 =	sld [smem:$0x3FAD]  }
0x39: {  	_ = 	snop;
	(pc) =	sbr.ind lr, $3  }
0x3a: {  	_ = 	snop  }
0x3b: {  	_ = 	snop  }
0x3c: {  	p2 =	seq.s32 s10, $0x1;
	s10 =	sld [smem:$0x3FAC]  }
0x3d: {  	_ =	shalt  }
0x3e: {  	_ =	shalt  }
0x3f: {  	_ =	shalt  }
0x40: {  	_ =	shalt  }
0x41: {  	_ =	shalt  }
0x42: {  	_ =	shalt  }
0x43: {  	_ =	shalt  }
0x44: {  	_ =	shalt  }
0x45: {  	_ =	shalt  }
0x46: {  	_ =	shalt  }
0x47: {  	_ =	shalt  }
0x48: {  	_ =	shalt  }
0x49: {  	_ =	shalt  }
0x4a: {  	_ =	shalt  }
0x4b: {  	_ =	shalt  }
0x4c: {  	_ =	shalt  }
0x4d: {  	_ =	shalt  }
0x4e: {  	_ =	shalt  }
0x4f: {  	_ =	shalt  }
0x50: {  	_ =	shalt  }
0x51: {  	_ =	shalt  }
0x52: {  	_ =	shalt  }
0x53: {  	_ =	shalt  }
0x54: {  	_ =	shalt  }
0x55: {  	_ =	shalt  }
0x56: {  	_ =	shalt  }
0x57: {  	_ =	shalt  }
0x58: {  	_ =	shalt  }
0x59: {  	_ =	shalt  }
0x5a: {  	_ =	shalt  }
0x5b: {  	_ =	shalt  }
0x5c: {  	_ =	shalt  }
0x5d: {  	_ =	shalt  }
0x5e: {  	_ =	shalt  }
0x5f: {  	_ =	shalt  }
0x60: {  	_ =	shalt  }
0x61: {  	_ =	shalt  }
0x62: {  	_ =	shalt  }
0x63: {  	_ =	shalt  }
0x64: {  	_ =	shalt  }
0x65: {  	_ =	shalt  }
0x66: {  	_ =	shalt  }
0x67: {  	_ =	shalt  }
0x68: {  	_ =	shalt  }
0x69: {  	_ =	shalt  }
0x6a: {  	_ =	shalt  }
0x6b: {  	_ =	shalt  }
0x6c: {  	_ =	shalt  }
0x6d: {  	_ =	shalt  }
0x6e: {  	_ =	shalt  }
0x6f: {  	_ =	shalt  }
0x70: {  	_ =	shalt  }
0x71: {  	_ =	shalt  }
0x72: {  	_ =	shalt  }
0x73: {  	_ =	shalt  }
0x74: {  	_ =	shalt  }
0x75: {  	_ =	shalt  }
0x76: {  	_ =	shalt  }
0x77: {  	_ =	shalt  }
0x78: {  	_ =	shalt  }
0x79: {  	_ =	shalt  }
0x7a: {  	_ =	shalt  }
0x7b: {  	_ =	shalt  }
0x7c: {  	_ =	shalt  }
0x7d: {  	_ =	shalt  }
0x7e: {  	_ =	shalt  }
0x7f: {  	_ =	shalt  }
0x80: {  	_ =	shalt  }
0x81: {  	_ =	shalt  }
0x82: {  	_ =	shalt  }
0x83: {  	_ =	shalt  }
0x84: {  	_ =	shalt  }
0x85: {  	_ =	shalt  }
0x86: {  	_ =	shalt  }
0x87: {  	_ =	shalt  }
.Lfunc_end0:
.L_simem_size_0:
called_computation.2_lowered:
.L_overlay_start_0:
0x88: {  	s2 =	sld [smem:$0x3FD9]  }
0x89: {  	s3 =	sld [smem:$0x3FFE];
	_ =	sdelay $0x1  }
0x8a: {  	s1 =	srdreg.scid  }
0x8b: {  	s0 =	sand.u32 $0x1, s1  }
0x8c: {  	s17 =	sshll.u32 s0, $0xA;
	s2 =	sadd.s32 s3, s2  }
0x8d: {  	s2 =	sadd.s32 s2, s17  }
0x8e: {  	[smem:$0x3FB8] =	sst s2  }
0x8f: {  	_ = 	snop  }
0x90: {  	s2 =	sld [smem:$0x3FC9];
	(tm) =	ssettm $0x1  }
0x91: {  	s18 =	sld [smem:$0x3FFB];
	_ =	sdelay $0x3  }
0x92: {  	_ =	strace s18  }
0x93: {  	s3 =	sld [smem:$0x3FFC];
	_ =	sdelay $0x3  }
0x94: {  	_ =	strace s3  }
0x95: {  	s3 =	sld [smem:$0x3FFD];
	_ =	sdelay $0x3  }
0x96: {  	_ =	strace s3  }
0x97: {  	_ =	strace $0x8FFFFFFF  }
0x98: {  	s19 =	sld [smem:$0x3FDB];
	_ =	sdelay $0x1  }
0x99: {  	s4 =	simm.s32 $_scs_section_size  }
0x9a: {  	s5 =	simm.s32 $_size__tile_overlayer_lowered;
	s6 =	simm.s32 $_tile_overlayer_lowered  }
0x9b: {  	s22 =	simm.s32 $0x1BFF;
	s21 =	sshll.u32 s6, $0x1;
	s3 =	sadd.s32 s4, s19  }
0x9c: {  	s7 =	simm.s32 $0x0;
	s20 =	sshll.u32 s5, $0x1;
	s5 =	sadd.s32 s21, s3  }
0x9d: {  	[timem:s7], [sflag:s22] =	dma.local [hbm:s5], s20  }
0x9e: {  	_ =	swait.ge [sflag:s22], s20  }
0x9f: {  	s4 =	ssub.s32 $0x0, s20;
	[sflag:s22] =	ssyncset.done $0x0  }
0xa0: {  	[sflag:s22] =	ssyncadd.s32 s4;
	_ =	sdelay $0x1  }
0xa1: {  	s23 =	simm.s32 $0x1B8B  }
0xa2: {  	_ =	swait.ge [sflag:s23], $0x1  }
0xa3: {  	[sflag:s23] =	ssyncset.done $0x0  }
0xa4: {  	s25 =	simm.s32 $0x1B8E;
	s24 =	sld [smem:$0x3FFE];
	[sflag:s23] =	ssyncadd.s32 $0xFFFFFFFF  }
0xa5: {  	s26 =	simm.s32 $execute0_lowered;
	[smem:$0x3FD2] =	sst s25  }
0xa6: {  	s5 =	sshll.u32 s26, $0x1;
	_ =	strace $0x80000046;
	[dreg:$0x1] =	wrdreg $0xFFFFFFFF  }
0xa7: {  	s28 =	simm.s32 $_size_execute0_lowered;
	s3 =	sadd.s32 s3, s5;
	[dreg:$0x0] =	wrdreg $0x0  }
0xa8: {  	s5 =	sshll.u32 s28, $0x1;
	[dreg:$0x2] =	wrdreg s3  }
0xa9: {  	[dreg:$0x3] =	wrdreg s5  }
0xaa: {  	[dreg:$0x4] =	wrdreg $0xC0  }
0xab: {  	_ =	task [dreg:s7], $0x5FFFF  }
0xac: {  	[dreg:$0x1] =	wrdreg $0xFFFFFFFF  }
0xad: {  	[dreg:$0x0] =	wrdreg $0x60  }
0xae: {  	[dreg:$0x2] =	wrdreg s2  }
0xaf: {  	[dreg:$0x3] =	wrdreg s24  }
0xb0: {  	[dreg:$0x4] =	wrdreg $0xA  }
0xb1: {  	_ =	task.clear_ibuf [dreg:s7], $0x5FFFF;
	_ =	strace $0x90000046  }
0xb2: {  	s29 =	simm.s32 $0xA;
	_ =	strace $0x80000048  }
0xb3: {  	_ =	swait.ge [sflag:s29], $0x1  }
0xb4: {  	[sflag:s29] =	ssyncadd.s32 $0xFFFFFFFF  }
0xb5: {  	_ =	strace $0x90000048  }
0xb6: {  	_ =	sfence  }
0xb7: {  	s30 =	sld [smem:$0x0];
	_ =	sdelay $0x2  }
0xb8: {  	s31 =	sshll.u32 s1, $0xD;
	s1 =	sshrl.u32 s1, $0x2  }
0xb9: {  	s3 =	sand.u32 $0x4000, s31;
	s1 =	sadd.s32 s1, s30  }
0xba: {  	s0 =	sor.u32 s3, s0;
	s1 =	sshll.u32 s1, $0x11  }
0xbb: {  	s0 =	sor.u32 s1, s0  }
0xbc: {  	s0 =	sadd.s32 $0x8F2B, s0  }
0xbd: {  	[sflag:s0] =	ssyncadd.remote.s32 $0x1  }
0xbe: {  	_ =	sfence.sel $0xFFFF  }
0xbf: {  	[dreg:$0x0] =	wrdreg $0xFFFFFFFF;
	(pc) =	sbr.abs _section_cstart, $3  }
0xc0: {  	[dreg:$0x1] =	wrdreg $0xFFFFFFFF  }
0xc1: {  	_ =	task.clear_ibuf [dreg:s7], $0x2FFFF;
	_ =	strace $0x9FFFFFFF  }
0xc2: {  	(tm) =	ssettm $0x7FFFFFFF  }
0xc3: {  	_ =	shalt  }
tec
execute0_lowered:
.L_overlay_start_1:
0x0: {  	(tag) =	ssettag $0x1  }
0x1: {  	s1 =	rddreg [dreg:$0x0]  }
0x2: {  	s0 =	srdreg.scid;
	s4 =	rddreg [dreg:$0x1]  }
0x3: {  	s2 =	stileid.u32;
	s3 =	simm.s32 $0x0;
	s10 =	simm.s32 $0x3C80  }
0x4: {  	s11 =	simm.s32 $0x6480;
	s12 =	simm.s32 $0x8C80;
	s13 =	simm.s32 $0xB480  }
0x5: {  	s14 =	simm.s32 $0x1;
	s15 =	simm.s32 $0x2;
	s16 =	simm.s32 $0x3  }
0x6: {  	s17 =	simm.s32 $0x4;
	s18 =	simm.s32 $0x5;
	s19 =	simm.s32 $0x6  }
0x7: {  	s20 =	simm.s32 $0x7;
	s21 =	simm.s32 $0x8;
	s22 =	simm.s32 $0x9  }
0x8: {  	s23 =	simm.s32 $0xA;
	s24 =	simm.s32 $0x0;
	s5 =	sand.u32 $0x1, s0  }
0x9: {  	s0 =	rddreg [dreg:$0x2];
	s8 =	smul.u32 $0x14500, s2;
	s6 =	sshll.u32 s5, $0x4  }
0xa: {  	s7 =	smul.u32 $0x145000, s5;
	s5 =	ssub.s32 $0x2, s5;
	s6 =	sor.u32 s2, s6  }
0xb: {  	[smem:$0x7FF] =	sst s3;
	s9 =	sshrl.u32 s5, $0x1;
	s6 =	smul.u32 $0x1450, s6  }
0xc: {  	_ =	strace $0x80000047;
	s7 =	sadd.s32 s7, s4;
	s5 =	ssub.s32 s5, s9  }
0xd: {  	s9 =	simm.s32 $0x1480;
	s31 =	sadd.s32 s8, s7;
	s6 =	sshrl.u32 s6, $0x3  }
0xe: {  	s5 =	smax.u32 s5, $0x1;
	s7 =	simm.s32 $0xB;
	s4 =	sadd.s32 s4, s6  }
0xf: {  	s8 =	simm.s32 $0x50;
	s6 =	sadd.s32 $0xDA00, s31;
	s4 =	sadd.s32 $0x8700, s4  }
.LBB2_1:
0x10: {  	[tilespmem:s3], [sflag:$0xB] =	stream.linear.gather [hbm4b:s4+s3], $0x1450, $0x38;
	[tilespmem:$0xDC80] =	vst v63  }
0x11: {  	_ =	swait.ge [sflag:s7], $0x1450  }
0x12: {  	[sflag:s7] =	ssyncset.done $0x0  }
0x13: {  	s25 =	simm.s32 $0x0;
	[sflag:s7] =	ssyncadd.s32 $0xFFFFEBB0  }
0x14: {  	[tilespmem:s9], [sflag:$0x1] =	stream.indirect.gather [hbm4b:s1+s8], $0x80, s25, s8, $0xb8;
	[tilespmem:$0xDC80] =	vst v63  }
0x15: {  	s29 =	simm.s32 $0x50  }
0x16: {  	[tilespmem:s10], [sflag:$0x2] =	stream.indirect.gather [hbm4b:s1+s8], $0x80, s29, s8, $0xb8;
	[tilespmem:$0xDC80] =	vst v63  }
0x17: {  	s30 =	simm.s32 $0xA0  }
0x18: {  	[tilespmem:s11], [sflag:$0x3] =	stream.indirect.gather [hbm4b:s1+s8], $0x80, s30, s8, $0xb8;
	[tilespmem:$0xDC80] =	vst v63  }
0x19: {  	s31 =	simm.s32 $0xF0  }
0x1a: {  	[tilespmem:s12], [sflag:$0x4] =	stream.indirect.gather [hbm4b:s1+s8], $0x80, s31, s8, $0xb8;
	[tilespmem:$0xDC80] =	vst v63  }
0x1b: {  	s26 =	simm.s32 $0x140  }
0x1c: {  	[tilespmem:s13], [sflag:$0x5] =	stream.indirect.gather [hbm4b:s1+s8], $0x80, s26, s8, $0xb8;
	[tilespmem:$0xDC80] =	vst v63  }
0x1d: {  	_ =	swait.ge [sflag:s14], $0x2800  }
0x1e: {  	[sflag:s14] =	ssyncset.done $0x0  }
0x1f: {  	s29 =	sadd.s32 $0x0, s6;
	[sflag:s14] =	ssyncadd.s32 $0xFFFFD800  }
0x20: {  	[hbm4b:s29+s3] =	stream.linear.scatter [tilespmem:s9], [sflag:$0x6], $0x2800, $0x38;
	[tilespmem:$0xDC80] =	vst v63  }
0x21: {  	_ =	swait.ge [sflag:s15], $0x2800  }
0x22: {  	[sflag:s15] =	ssyncset.done $0x0  }
0x23: {  	s26 =	sadd.s32 $0x500, s29;
	[sflag:s15] =	ssyncadd.s32 $0xFFFFD800  }
0x24: {  	[hbm4b:s26+s3] =	stream.linear.scatter [tilespmem:s10], [sflag:$0x7], $0x2800, $0x38;
	[tilespmem:$0xDC80] =	vst v63  }
0x25: {  	_ =	swait.ge [sflag:s16], $0x2800  }
0x26: {  	[sflag:s16] =	ssyncset.done $0x0  }
0x27: {  	s30 =	sadd.s32 $0xA00, s29;
	[sflag:s16] =	ssyncadd.s32 $0xFFFFD800  }
0x28: {  	[hbm4b:s30+s3] =	stream.linear.scatter [tilespmem:s11], [sflag:$0x8], $0x2800, $0x38;
	[tilespmem:$0xDC80] =	vst v63  }
0x29: {  	_ =	swait.ge [sflag:s17], $0x2800  }
0x2a: {  	[sflag:s17] =	ssyncset.done $0x0  }
0x2b: {  	s31 =	sadd.s32 $0xF00, s29;
	[sflag:s17] =	ssyncadd.s32 $0xFFFFD800  }
0x2c: {  	[hbm4b:s31+s3] =	stream.linear.scatter [tilespmem:s12], [sflag:$0x9], $0x2800, $0x38;
	[tilespmem:$0xDC80] =	vst v63  }
0x2d: {  	_ =	swait.ge [sflag:s18], $0x2800  }
0x2e: {  	[sflag:s18] =	ssyncset.done $0x0  }
0x2f: {  	s25 =	sadd.s32 $0x1400, s29;
	[sflag:s18] =	ssyncadd.s32 $0xFFFFD800  }
0x30: {  	[hbm4b:s25+s3] =	stream.linear.scatter [tilespmem:s13], [sflag:$0xA], $0x2800, $0x38;
	[tilespmem:$0xDC80] =	vst v63  }
0x31: {  	_ =	swait.ge [sflag:s19], $0x2800  }
0x32: {  	[sflag:s19] =	ssyncset.done $0x0  }
0x33: {  	[sflag:s19] =	ssyncadd.s32 $0xFFFFD800  }
0x34: {  	_ =	swait.ge [sflag:s20], $0x2800  }
0x35: {  	[sflag:s20] =	ssyncset.done $0x0  }
0x36: {  	[sflag:s20] =	ssyncadd.s32 $0xFFFFD800  }
0x37: {  	_ =	swait.ge [sflag:s21], $0x2800  }
0x38: {  	[sflag:s21] =	ssyncset.done $0x0  }
0x39: {  	[sflag:s21] =	ssyncadd.s32 $0xFFFFD800  }
0x3a: {  	_ =	swait.ge [sflag:s22], $0x2800  }
0x3b: {  	[sflag:s22] =	ssyncset.done $0x0  }
0x3c: {  	[sflag:s22] =	ssyncadd.s32 $0xFFFFD800  }
0x3d: {  	s28 =	simm.s32 $0x3200;
	_ =	swait.ge [sflag:s23], $0x2800  }
0x3e: {  	s26 =	simm.s32 $0x2D0;
	s25 =	simm.s32 $0x1900;
	[sflag:s23] =	ssyncset.done $0x0  }
.LBB2_2:
0x3f: {  	p0 =	sne.s32 s28, $0x12C00;
	s29 =	sadd.s32 $0xFFFFFEC0, s26;
	[sflag:s23] =	ssyncadd.s32 $0xFFFFD800  }
0x40: {  	[tilespmem:s9], [sflag:$0x1] =	stream.indirect.gather [hbm4b:s1+s8], $0x80, s29, s8, $0xb8;
	[tilespmem:$0xDC80] =	vst v63  }
0x41: {  	s30 =	smov.u32 s28;
	s28 =	sadd.s32 $0x1900, s28;
	s29 =	sadd.s32 $0xFFFFFF10, s26  }
0x42: {  	[tilespmem:s10], [sflag:$0x2] =	stream.indirect.gather [hbm4b:s1+s8], $0x80, s29, s8, $0xb8;
	[tilespmem:$0xDC80] =	vst v63  }
0x43: {  	s29 =	sadd.s32 $0xFFFFFF60, s26  }
0x44: {  	[tilespmem:s11], [sflag:$0x3] =	stream.indirect.gather [hbm4b:s1+s8], $0x80, s29, s8, $0xb8;
	[tilespmem:$0xDC80] =	vst v63  }
0x45: {  	s29 =	sadd.s32 $0xFFFFFFB0, s26  }
0x46: {  	[tilespmem:s12], [sflag:$0x4] =	stream.indirect.gather [hbm4b:s1+s8], $0x80, s29, s8, $0xb8;
	[tilespmem:$0xDC80] =	vst v63  }
0x47: {  	_ = 	snop  }
0x48: {  	[tilespmem:s13], [sflag:$0x5] =	stream.indirect.gather [hbm4b:s1+s8], $0x80, s26, s8, $0xb8;
	[tilespmem:$0xDC80] =	vst v63  }
0x49: {  	_ =	swait.ge [sflag:s14], $0x2800  }
0x4a: {  	[sflag:s14] =	ssyncset.done $0x0  }
0x4b: {  	s29 =	sadd.s32 s25, s6;
	s25 =	smov.u32 s30;
	[sflag:s14] =	ssyncadd.s32 $0xFFFFD800  }
0x4c: {  	[hbm4b:s29+s3] =	stream.linear.scatter [tilespmem:s9], [sflag:$0x6], $0x2800, $0x38;
	[tilespmem:$0xDC80] =	vst v63  }
0x4d: {  	_ =	swait.ge [sflag:s15], $0x2800  }
0x4e: {  	[sflag:s15] =	ssyncset.done $0x0  }
0x4f: {  	s30 =	sadd.s32 $0x500, s29;
	[sflag:s15] =	ssyncadd.s32 $0xFFFFD800  }
0x50: {  	[hbm4b:s30+s3] =	stream.linear.scatter [tilespmem:s10], [sflag:$0x7], $0x2800, $0x38;
	[tilespmem:$0xDC80] =	vst v63  }
0x51: {  	_ =	swait.ge [sflag:s16], $0x2800  }
0x52: {  	[sflag:s16] =	ssyncset.done $0x0  }
0x53: {  	s30 =	sadd.s32 $0xA00, s29;
	[sflag:s16] =	ssyncadd.s32 $0xFFFFD800  }
0x54: {  	[hbm4b:s30+s3] =	stream.linear.scatter [tilespmem:s11], [sflag:$0x8], $0x2800, $0x38;
	[tilespmem:$0xDC80] =	vst v63  }
0x55: {  	_ =	swait.ge [sflag:s17], $0x2800  }
0x56: {  	[sflag:s17] =	ssyncset.done $0x0  }
0x57: {  	s30 =	sadd.s32 $0xF00, s29;
	[sflag:s17] =	ssyncadd.s32 $0xFFFFD800  }
0x58: {  	[hbm4b:s30+s3] =	stream.linear.scatter [tilespmem:s12], [sflag:$0x9], $0x2800, $0x38;
	[tilespmem:$0xDC80] =	vst v63  }
0x59: {  	_ =	swait.ge [sflag:s18], $0x2800  }
0x5a: {  	[sflag:s18] =	ssyncset.done $0x0  }
0x5b: {  	s29 =	sadd.s32 $0x1400, s29;
	[sflag:s18] =	ssyncadd.s32 $0xFFFFD800  }
0x5c: {  	[hbm4b:s29+s3] =	stream.linear.scatter [tilespmem:s13], [sflag:$0xA], $0x2800, $0x38;
	[tilespmem:$0xDC80] =	vst v63  }
0x5d: {  	_ =	swait.ge [sflag:s19], $0x2800  }
0x5e: {  	[sflag:s19] =	ssyncset.done $0x0  }
0x5f: {  	[sflag:s19] =	ssyncadd.s32 $0xFFFFD800  }
0x60: {  	_ =	swait.ge [sflag:s20], $0x2800  }
0x61: {  	[sflag:s20] =	ssyncset.done $0x0  }
0x62: {  	[sflag:s20] =	ssyncadd.s32 $0xFFFFD800  }
0x63: {  	_ =	swait.ge [sflag:s21], $0x2800  }
0x64: {  	[sflag:s21] =	ssyncset.done $0x0  }
0x65: {  	[sflag:s21] =	ssyncadd.s32 $0xFFFFD800  }
.Ltmp0:
0x66: {  	_ =	swait.ge [sflag:s22], $0x2800;
	(pc) =	sbr.rel @p0 .LBB2_2-.Ltmp0, $4  }
0x67: {  	[sflag:s22] =	ssyncset.done $0x0  }
0x68: {  	[sflag:s22] =	ssyncadd.s32 $0xFFFFD800  }
0x69: {  	_ =	swait.ge [sflag:s23], $0x2800  }
0x6a: {  	s26 =	sadd.s32 $0x190, s26;
	[sflag:s23] =	ssyncset.done $0x0  }
0x6b: {  	s28 =	sadd.s32 $0xFFFFFEC0, s26;
	[sflag:s23] =	ssyncadd.s32 $0xFFFFD800  }
0x6c: {  	[tilespmem:s9], [sflag:$0x1] =	stream.indirect.gather [hbm4b:s1+s8], $0x80, s28, s8, $0xb8;
	[tilespmem:$0xDC80] =	vst v63  }
0x6d: {  	s29 =	sadd.s32 $0xFFFFFF10, s26  }
0x6e: {  	[tilespmem:s10], [sflag:$0x2] =	stream.indirect.gather [hbm4b:s1+s8], $0x80, s29, s8, $0xb8;
	[tilespmem:$0xDC80] =	vst v63  }
0x6f: {  	s30 =	sadd.s32 $0xFFFFFF60, s26  }
0x70: {  	[tilespmem:s11], [sflag:$0x3] =	stream.indirect.gather [hbm4b:s1+s8], $0x80, s30, s8, $0xb8;
	[tilespmem:$0xDC80] =	vst v63  }
0x71: {  	s31 =	sadd.s32 $0xFFFFFFB0, s26  }
0x72: {  	[tilespmem:s12], [sflag:$0x4] =	stream.indirect.gather [hbm4b:s1+s8], $0x80, s31, s8, $0xb8;
	[tilespmem:$0xDC80] =	vst v63  }
0x73: {  	_ = 	snop  }
0x74: {  	[tilespmem:s13], [sflag:$0x5] =	stream.indirect.gather [hbm4b:s1+s8], $0x80, s26, s8, $0xb8;
	[tilespmem:$0xDC80] =	vst v63  }
0x75: {  	_ =	swait.ge [sflag:s14], $0x2800  }
0x76: {  	[sflag:s14] =	ssyncset.done $0x0  }
0x77: {  	s25 =	sadd.s32 s25, s6;
	[sflag:s14] =	ssyncadd.s32 $0xFFFFD800  }
0x78: {  	[hbm4b:s25+s3] =	stream.linear.scatter [tilespmem:s9], [sflag:$0x6], $0x2800, $0x38;
	[tilespmem:$0xDC80] =	vst v63  }
0x79: {  	_ =	swait.ge [sflag:s15], $0x2800  }
0x7a: {  	[sflag:s15] =	ssyncset.done $0x0  }
0x7b: {  	s29 =	sadd.s32 $0x500, s25;
	[sflag:s15] =	ssyncadd.s32 $0xFFFFD800  }
0x7c: {  	[hbm4b:s29+s3] =	stream.linear.scatter [tilespmem:s10], [sflag:$0x7], $0x2800, $0x38;
	[tilespmem:$0xDC80] =	vst v63  }
0x7d: {  	_ =	swait.ge [sflag:s16], $0x2800  }
0x7e: {  	[sflag:s16] =	ssyncset.done $0x0  }
0x7f: {  	s30 =	sadd.s32 $0xA00, s25;
	[sflag:s16] =	ssyncadd.s32 $0xFFFFD800  }
0x80: {  	[hbm4b:s30+s3] =	stream.linear.scatter [tilespmem:s11], [sflag:$0x8], $0x2800, $0x38;
	[tilespmem:$0xDC80] =	vst v63  }
0x81: {  	_ =	swait.ge [sflag:s17], $0x2800  }
0x82: {  	[sflag:s17] =	ssyncset.done $0x0  }
0x83: {  	s31 =	sadd.s32 $0xF00, s25;
	[sflag:s17] =	ssyncadd.s32 $0xFFFFD800  }
0x84: {  	[hbm4b:s31+s3] =	stream.linear.scatter [tilespmem:s12], [sflag:$0x9], $0x2800, $0x38;
	[tilespmem:$0xDC80] =	vst v63  }
0x85: {  	_ =	swait.ge [sflag:s18], $0x2800  }
0x86: {  	[sflag:s18] =	ssyncset.done $0x0  }
0x87: {  	s25 =	sadd.s32 $0x1400, s25;
	[sflag:s18] =	ssyncadd.s32 $0xFFFFD800  }
0x88: {  	[hbm4b:s25+s3] =	stream.linear.scatter [tilespmem:s13], [sflag:$0xA], $0x2800, $0x38;
	[tilespmem:$0xDC80] =	vst v63  }
0x89: {  	_ =	swait.ge [sflag:s19], $0x2800  }
0x8a: {  	[sflag:s19] =	ssyncset.done $0x0  }
0x8b: {  	[sflag:s19] =	ssyncadd.s32 $0xFFFFD800  }
0x8c: {  	_ =	swait.ge [sflag:s20], $0x2800  }
0x8d: {  	[sflag:s20] =	ssyncset.done $0x0  }
0x8e: {  	[sflag:s20] =	ssyncadd.s32 $0xFFFFD800  }
0x8f: {  	_ =	swait.ge [sflag:s21], $0x2800  }
0x90: {  	[sflag:s21] =	ssyncset.done $0x0  }
0x91: {  	s24 =	sadd.s32 $0x1, s24;
	[sflag:s21] =	ssyncadd.s32 $0xFFFFD800  }
0x92: {  	p0 =	sne.s32 s24, s5;
	_ =	swait.ge [sflag:s22], $0x2800  }
.Ltmp1:
0x93: {  	[sflag:s22] =	ssyncset.done $0x0;
	(pc) =	sbr.rel @p0 .LBB2_1-.Ltmp1, $4  }
0x94: {  	[sflag:s22] =	ssyncadd.s32 $0xFFFFD800  }
0x95: {  	_ =	swait.ge [sflag:s23], $0x2800  }
0x96: {  	[sflag:s23] =	ssyncset.done $0x0  }
0x97: {  	[sflag:s23] =	ssyncadd.s32 $0xFFFFD800  }
0x98: {  	_ =	sfence.sel $0x180000  }
0x99: {  	[bflag:$0x0] =	sbarrier.arrive $0xFFFF  }
0x9a: {  	p0 =	sne.s32 s2, $0x0;
	_ =	strace $0x90000047  }
0x9b: {  	s0 =	sadd.s32 @!p0 $0x100000, s0;
	[bflag:$0x2] =	sbarrier.arrive $0xFFFF  }
0x9c: {  	[sflag:s0] =	ssyncadd.tile.s32 @!p0 $0x1;
	_ =	shalt  }
.Lfunc_end2:
_tile_overlayer_lowered:
.L_overlay_start_2:
0x9d: {  	(tag) =	ssettag $0x2  }
0x9e: {  	s0 =	rddreg [dreg:$0x0];
	s2 =	stileid.u32  }
0x9f: {  	s1 =	rddreg [dreg:$0x1];
	p0 =	sne.s32 s2, $0x0  }
0xa0: {  	s3 =	rddreg [dreg:$0x2];
	[bflag:$0x3] =	sbarrier.arrive $0xFFFF;
	s2 =	simm.s32 @!p0 $0x1C0B  }
0xa1: {  	[timem:s3], [sflag:s2] =	dma.local @!p0 [hbm:s0], s1  }
0xa2: {  	s0 =	simm.s32 @!p0 $0xB  }
0xa3: {  	_ =	swait.ge @!p0 [sflag:s0], s1  }
0xa4: {  	s1 =	ssub.s32 @!p0 $0x0, s1;
	[sflag:s0] =	ssyncset.done @!p0 $0x0  }
0xa5: {  	[sflag:s0] =	ssyncadd.s32 @!p0 s1  }
0xa6: {  	[bflag:$0x3] =	sbarrier.arrive $0xFFFF  }
0xa7: {  	_ =	shalt  }

// kernel: kernel.19.cloned.1.call-start
scs
__scs_entry_jumppad:
0x0: {  	(pc) =	sbr.rel $0x88, $3  }
0x1: {  	(tag) =	ssettag $0x0;
	lr =	simm.s32 $0x1  }
0x2: {  	[smem:$0x3F91] =	sst lr;
	_ =	strace $0xD0000000  }
0x3: {  	_ = 	snop  }
0x4: {  	_ = 	snop  }
0x5: {  	_ = 	snop  }
0x6: {  	_ = 	snop  }
0x7: {  	_ = 	snop  }
__scs_overlays_trampoline_lowered:
0x8: {  	[smem:$0x3FA0] =	sst s0  }
0x9: {  	[smem:$0x3FA1] =	sst s1  }
0xa: {  	[smem:$0x3FA2] =	sst s2  }
0xb: {  	[smem:$0x3FA3] =	sst s3  }
0xc: {  	[smem:$0x3FA4] =	sst s4  }
0xd: {  	[smem:$0x3FA5] =	sst s5  }
0xe: {  	[smem:$0x3FA6] =	sst s6  }
0xf: {  	[smem:$0x3FA7] =	sst s7  }
0x10: {  	[smem:$0x3FA8] =	sst s8  }
0x11: {  	[smem:$0x3FA9] =	sst s9;
	s0 =	simm.s32 @!p0 $0x0  }
0x12: {  	s1 =	sld [smem:$0x3F8F];
	s0 =	simm.s32 @p0 $0x1  }
0x13: {  	[smem:$0x3FAA] =	sst s0;
	s0 =	simm.s32 @!p1 $0x0  }
0x14: {  	s2 =	sld [smem:$0x3F8E];
	s0 =	simm.s32 @p1 $0x1  }
0x15: {  	[smem:$0x3FAB] =	sst s0;
	s0 =	simm.s32 @!p2 $0x0  }
0x16: {  	s3 =	sld [smem:$0x3FDB];
	s0 =	simm.s32 @p2 $0x1  }
0x17: {  	s4 =	simm.s32 $0x1BF5;
	[smem:$0x3FAD] =	sst s0  }
0x18: {  	s0 =	sld [smem:$0x3F90];
	_ =	swait.ge [sflag:s4], $0x0  }
0x19: {  	s7 =	sld [smem:$0x3F91]  }
0x1a: {  	s8 =	sadd.s32 $0xFFFFE003, lr  }
0x1b: {  	s9 =	sadd.s32 $0xFFFFFEF7, lr;
	s5 =	simm.s32 $0xFFFFFFFF;
	p2 =	slt.u32 s8, $0xFFFFF086  }
0x1c: {  	p1 =	slt.u32 s9, $0xF7A;
	s5 =	simm.s32 @!p2 $0x0  }
0x1d: {  	s5 =	simm.s32 @p1 $0x1;
	p0 =	seq.s32 s7, s2  }
0x1e: {  	s7 =	smul.u32 @!p0 $0xF7A, s2;
	p2 =	seq.s32 @!p0 s5, $0x0  }
0x1f: {  	s9 =	smul.u32 $0xF7A, s1;
	s8 =	simm.s32 @!p0 $0x1BF5;
	p2 =	por !p2, p0  }
0x20: {  	[sflag:s8] =	ssyncset.s32 @!p0 $0xFFFFF086;
	s6 =	sadd.s32 @!p0 s3, s7;
	s7 =	simm.s32 @!p0 $0x108  }
0x21: {  	s3 =	sadd.s32 s3, s9;
	s6 =	sadd.s32 @!p0 $0x88, s6;
	s7 =	simm.s32 @p2 $0x1082  }
0x22: {  	[simem:s7], [sflag:s8] =	dma.local @!p0 [hbm:s6], $0xF7A  }
0x23: {  	s9 =	sor.u32 $0xD0000000, s2;
	s6 =	simm.s32 $0x108;
	_ =	swait.ge @!p0 [sflag:s8], $0x0  }
0x24: {  	s3 =	sadd.s32 $0x88, s3;
	s6 =	simm.s32 @!p1 $0x1082;
	[sflag:s4] =	ssyncset.s32 $0xFFFFF086  }
0x25: {  	[simem:s6], [sflag:s4] =	dma.local [hbm:s3], $0xF7A  }
0x26: {  	[smem:$0x3F91] =	sst s1;
	(tag) =	ssettag s2;
	_ =	strace s9  }
0x27: {  	s1 =	sld [smem:$0x3FA1]  }
0x28: {  	s2 =	sld [smem:$0x3FA2]  }
0x29: {  	s4 =	sld [smem:$0x3FA4]  }
0x2a: {  	p0 =	seq.s32 s5, $0x0;
	s5 =	sld [smem:$0x3FA5]  }
0x2b: {  	s6 =	sld [smem:$0x3FA6]  }
0x2c: {  	s7 =	sld [smem:$0x3FA7]  }
0x2d: {  	s3 =	simm.s32 $0x108;
	s8 =	sld [smem:$0x3FA8]  }
0x2e: {  	s3 =	simm.s32 @!p0 $0x1082;
	s9 =	sld [smem:$0x3FA9]  }
0x2f: {  	lr =	sadd.s32 s0, s3;
	s0 =	sld [smem:$0x3FA0]  }
0x30: {  	s3 =	sld [smem:$0x3FA3]  }
0x31: {  	[smem:$0x3FAC] =	sst s10  }
0x32: {  	s10 =	sld [smem:$0x3FAA];
	_ =	sdelay $0x3  }
0x33: {  	p0 =	seq.s32 s10, $0x1;
	s10 =	sld [smem:$0x3FAC];
	_ =	sdelay $0x3  }
0x34: {  	[smem:$0x3FAC] =	sst s10  }
0x35: {  	s10 =	sld [smem:$0x3FAB];
	_ =	sdelay $0x3  }
0x36: {  	p1 =	seq.s32 s10, $0x1;
	s10 =	sld [smem:$0x3FAC];
	_ =	sdelay $0x3  }
0x37: {  	[smem:$0x3FAC] =	sst s10  }
0x38: {  	s10 =	sld [smem:$0x3FAD]  }
0x39: {  	_ = 	snop;
	(pc) =	sbr.ind lr, $3  }
0x3a: {  	_ = 	snop  }
0x3b: {  	_ = 	snop  }
0x3c: {  	p2 =	seq.s32 s10, $0x1;
	s10 =	sld [smem:$0x3FAC]  }
0x3d: {  	_ =	shalt  }
0x3e: {  	_ =	shalt  }
0x3f: {  	_ =	shalt  }
0x40: {  	_ =	shalt  }
0x41: {  	_ =	shalt  }
0x42: {  	_ =	shalt  }
0x43: {  	_ =	shalt  }
0x44: {  	_ =	shalt  }
0x45: {  	_ =	shalt  }
0x46: {  	_ =	shalt  }
0x47: {  	_ =	shalt  }
0x48: {  	_ =	shalt  }
0x49: {  	_ =	shalt  }
0x4a: {  	_ =	shalt  }
0x4b: {  	_ =	shalt  }
0x4c: {  	_ =	shalt  }
0x4d: {  	_ =	shalt  }
0x4e: {  	_ =	shalt  }
0x4f: {  	_ =	shalt  }
0x50: {  	_ =	shalt  }
0x51: {  	_ =	shalt  }
0x52: {  	_ =	shalt  }
0x53: {  	_ =	shalt  }
0x54: {  	_ =	shalt  }
0x55: {  	_ =	shalt  }
0x56: {  	_ =	shalt  }
0x57: {  	_ =	shalt  }
0x58: {  	_ =	shalt  }
0x59: {  	_ =	shalt  }
0x5a: {  	_ =	shalt  }
0x5b: {  	_ =	shalt  }
0x5c: {  	_ =	shalt  }
0x5d: {  	_ =	shalt  }
0x5e: {  	_ =	shalt  }
0x5f: {  	_ =	shalt  }
0x60: {  	_ =	shalt  }
0x61: {  	_ =	shalt  }
0x62: {  	_ =	shalt  }
0x63: {  	_ =	shalt  }
0x64: {  	_ =	shalt  }
0x65: {  	_ =	shalt  }
0x66: {  	_ =	shalt  }
0x67: {  	_ =	shalt  }
0x68: {  	_ =	shalt  }
0x69: {  	_ =	shalt  }
0x6a: {  	_ =	shalt  }
0x6b: {  	_ =	shalt  }
0x6c: {  	_ =	shalt  }
0x6d: {  	_ =	shalt  }
0x6e: {  	_ =	shalt  }
0x6f: {  	_ =	shalt  }
0x70: {  	_ =	shalt  }
0x71: {  	_ =	shalt  }
0x72: {  	_ =	shalt  }
0x73: {  	_ =	shalt  }
0x74: {  	_ =	shalt  }
0x75: {  	_ =	shalt  }
0x76: {  	_ =	shalt  }
0x77: {  	_ =	shalt  }
0x78: {  	_ =	shalt  }
0x79: {  	_ =	shalt  }
0x7a: {  	_ =	shalt  }
0x7b: {  	_ =	shalt  }
0x7c: {  	_ =	shalt  }
0x7d: {  	_ =	shalt  }
0x7e: {  	_ =	shalt  }
0x7f: {  	_ =	shalt  }
0x80: {  	_ =	shalt  }
0x81: {  	_ =	shalt  }
0x82: {  	_ =	shalt  }
0x83: {  	_ =	shalt  }
0x84: {  	_ =	shalt  }
0x85: {  	_ =	shalt  }
0x86: {  	_ =	shalt  }
0x87: {  	_ =	shalt  }
.Lfunc_end0:
.L_simem_size_0:
called_computation.3_lowered:
.L_overlay_start_0:
0x88: {  	s2 =	sld [smem:$0x3FD9]  }
0x89: {  	s3 =	sld [smem:$0x3FFE];
	_ =	sdelay $0x1  }
0x8a: {  	s1 =	srdreg.scid  }
0x8b: {  	s0 =	sand.u32 $0x1, s1  }
0x8c: {  	s15 =	sshll.u32 s0, $0xA;
	s2 =	sadd.s32 s3, s2  }
0x8d: {  	s2 =	sadd.s32 s2, s15  }
0x8e: {  	[smem:$0x3FB8] =	sst s2  }
0x8f: {  	_ = 	snop  }
0x90: {  	s2 =	sld [smem:$0x3FD0];
	_ =	sdelay $0x2  }
0x91: {  	s16 =	simm.s32 $0xB;
	s4 =	simm.s32 $0x10  }
0x92: {  	[smem:s4], [sflag:s16] =	dma.local [hbm:s2], $0x1  }
0x93: {  	_ =	swait.eq [sflag:s16], $0x1  }
0x94: {  	[sflag:s16] =	ssyncset.done $0x0  }
0x95: {  	[sflag:s16] =	ssyncadd.s32 $0xFFFFFFFF  }
0x96: {  	s17 =	sld [smem:$0x10];
	(tm) =	ssettm $0x1  }
0x97: {  	s18 =	sld [smem:$0x3FFB];
	_ =	sdelay $0x3  }
0x98: {  	_ =	strace s18  }
0x99: {  	s2 =	sld [smem:$0x3FFC];
	_ =	sdelay $0x3  }
0x9a: {  	_ =	strace s2  }
0x9b: {  	s2 =	sld [smem:$0x3FFD];
	_ =	sdelay $0x3  }
0x9c: {  	_ =	strace s2  }
0x9d: {  	_ =	strace $0x8FFFFFFF  }
0x9e: {  	s19 =	sld [smem:$0x3FDB];
	_ =	sdelay $0x1  }
0x9f: {  	s20 =	simm.s32 $_scs_section_size  }
0xa0: {  	s5 =	simm.s32 $_size__tile_overlayer_lowered;
	s6 =	simm.s32 $_tile_overlayer_lowered  }
0xa1: {  	s7 =	simm.s32 $0x1BFF;
	s21 =	sshll.u32 s6, $0x1;
	s4 =	sadd.s32 s20, s19  }
0xa2: {  	s22 =	simm.s32 $0x0;
	s5 =	sshll.u32 s5, $0x1;
	s6 =	sadd.s32 s21, s4  }
0xa3: {  	[timem:s22], [sflag:s7] =	dma.local [hbm:s6], s5  }
0xa4: {  	_ =	swait.ge [sflag:s7], s5  }
0xa5: {  	s5 =	ssub.s32 $0x0, s5;
	[sflag:s7] =	ssyncset.done $0x0  }
0xa6: {  	[sflag:s7] =	ssyncadd.s32 s5;
	_ =	sdelay $0x1  }
0xa7: {  	s23 =	simm.s32 $0x1B8B  }
0xa8: {  	_ =	swait.ge [sflag:s23], $0x1  }
0xa9: {  	[sflag:s23] =	ssyncset.done $0x0  }
0xaa: {  	[sflag:s23] =	ssyncadd.s32 $0xFFFFFFFF  }
0xab: {  	s5 =	sld [smem:$0x0]  }
0xac: {  	s6 =	sand.u32 $0xFFFFFFFE, s1  }
0xad: {  	p0 =	sne.s32 s1, s6  }
0xae: {  	s6 =	sshll.u32 @p0 s6, $0xE  }
0xaf: {  	s6 =	sadd.s32 @p0 $0x11B8D, s6;
	s7 =	sshll.u32 @p0 s5, $0x11  }
0xb0: {  	s6 =	sor.u32 @p0 s7, s6  }
0xb1: {  	[sflag:s6] =	ssyncadd.remote.s32 @p0 $0x1;
	_ =	sdelay $0x1  }
0xb2: {  	s6 =	simm.s32 @p0 $0x1B8D  }
0xb3: {  	_ =	swait.eq @p0 [sflag:s6], $0x1  }
0xb4: {  	[sflag:s6] =	ssyncadd.s32 @p0 $0xFFFFFFFF  }
0xb5: {  	s7 =	sshll.u32 @!p0 s1, $0xE  }
0xb6: {  	s7 =	sor.u32 @!p0 $0x4000, s7;
	s6 =	simm.s32 @!p0 $0x1B8D  }
0xb7: {  	s5 =	sshll.u32 @!p0 s5, $0x11;
	s7 =	sadd.s32 @!p0 $0x11B8D, s7;
	_ =	swait.eq @!p0 [sflag:s6], $0x1  }
0xb8: {  	s5 =	sor.u32 @!p0 s5, s7;
	[sflag:s6] =	ssyncadd.s32 @!p0 $0xFFFFFFFF  }
0xb9: {  	s25 =	simm.s32 $0x1B8E;
	s24 =	sld [smem:$0x3FFE];
	[sflag:s5] =	ssyncadd.remote.s32 @!p0 $0x1  }
0xba: {  	s26 =	simm.s32 $execute0_lowered;
	[smem:$0x3FD2] =	sst s25  }
0xbb: {  	s6 =	sshll.u32 s26, $0x1;
	_ =	strace $0x8000004C;
	[dreg:$0x1] =	wrdreg $0xFFFFFFFF  }
0xbc: {  	s28 =	simm.s32 $_size_execute0_lowered;
	s4 =	sadd.s32 s4, s6;
	[dreg:$0x0] =	wrdreg $0x0  }
0xbd: {  	s6 =	sshll.u32 s28, $0x1;
	[dreg:$0x2] =	wrdreg s4  }
0xbe: {  	[dreg:$0x3] =	wrdreg s6  }
0xbf: {  	[dreg:$0x4] =	wrdreg $0xC0  }
0xc0: {  	_ =	task [dreg:s22], $0x5FFFF  }
0xc1: {  	[dreg:$0x1] =	wrdreg $0xFFFFFFFF  }
0xc2: {  	[dreg:$0x0] =	wrdreg $0x60  }
0xc3: {  	[dreg:$0x2] =	wrdreg s24  }
0xc4: {  	[dreg:$0x3] =	wrdreg s17  }
0xc5: {  	[dreg:$0x4] =	wrdreg $0x91800  }
0xc6: {  	[dreg:$0x5] =	wrdreg $0xA  }
0xc7: {  	_ =	task.clear_ibuf [dreg:s22], $0x6FFFF;
	_ =	strace $0x9000004C  }
0xc8: {  	s29 =	simm.s32 $0xA;
	_ =	strace $0x8000004E  }
0xc9: {  	_ =	swait.ge [sflag:s29], $0x1  }
0xca: {  	[sflag:s29] =	ssyncadd.s32 $0xFFFFFFFF  }
0xcb: {  	_ =	strace $0x9000004E  }
0xcc: {  	_ =	sfence  }
0xcd: {  	s30 =	sld [smem:$0x0];
	_ =	sdelay $0x2  }
0xce: {  	s31 =	sshll.u32 s1, $0xD;
	s1 =	sshrl.u32 s1, $0x2  }
0xcf: {  	s4 =	sand.u32 $0x4000, s31;
	s1 =	sadd.s32 s1, s30  }
0xd0: {  	s0 =	sor.u32 s4, s0;
	s1 =	sshll.u32 s1, $0x11  }
0xd1: {  	s0 =	sor.u32 s1, s0  }
0xd2: {  	s0 =	sadd.s32 $0x8F2B, s0  }
0xd3: {  	[sflag:s0] =	ssyncadd.remote.s32 $0x1  }
0xd4: {  	_ =	sfence.sel $0xFFFF  }
0xd5: {  	[dreg:$0x0] =	wrdreg $0xFFFFFFFF;
	(pc) =	sbr.abs _section_cstart, $3  }
0xd6: {  	[dreg:$0x1] =	wrdreg $0xFFFFFFFF  }
0xd7: {  	_ =	task.clear_ibuf [dreg:s22], $0x2FFFF;
	_ =	strace $0x9FFFFFFF  }
0xd8: {  	(tm) =	ssettm $0x7FFFFFFF  }
0xd9: {  	_ =	shalt  }
tec
execute0_lowered:
.L_overlay_start_1:
0x0: {  	(tag) =	ssettag $0x1  }
0x1: {  	s0 =	rddreg [dreg:$0x0]  }
0x2: {  	s2 =	rddreg [dreg:$0x1]  }
0x3: {  	s1 =	rddreg [dreg:$0x2];
	s4 =	stileid.u32  }
0x4: {  	s3 =	srdreg.scid;
	s7 =	smul.u32 $0x14000, s4  }
0x5: {  	s16 =	simm.s32 $0x7;
	s28 =	simm.s32 $0x6;
	s18 =	smul.u32 $0x50000, s4  }
0x6: {  	s29 =	simm.s32 $0x8100;
	s30 =	simm.s32 $0x8180;
	s9 =	smul.u32 $0x28A000, s4  }
0x7: {  	s5 =	sand.u32 $0x1, s3;
	s3 =	simm.s32 $0x0;
	s10 =	smul.u32 $0x28A0, s4  }
0x8: {  	s13 =	sadd.s32 $0x4EFA00, s0;
	s8 =	sadd.s32 $0xDA00, s0;
	s14 =	smul.u32 $0x514, s4  }
0x9: {  	s20 =	sshll.u32 s4, $0x6;
	s6 =	smul.u32 $0x140000, s5;
	[smem:$0x7FF] =	sst s3  }
0xa: {  	s17 =	ssub.s32 $0x2, s5;
	s5 =	sshll.u32 s5, $0xA;
	_ =	strace $0x8000004D  }
0xb: {  	[dreg:$0x4] =	wrdreg s8;
	s19 =	sshrl.u32 s17, $0x1;
	s8 =	sshrl.u32 s18, $0x2  }
0xc: {  	s12 =	sor.u32 s5, s9;
	s21 =	sshrl.u32 s10, $0x3;
	s5 =	sor.u32 $0x1C07, s20  }
0xd: {  	s18 =	simm.s32 $0x800;
	s20 =	simm.s32 $0x80;
	s6 =	sadd.s32 s7, s6  }
0xe: {  	s11 =	ssub.s32 s17, s19;
	s15 =	sadd.s32 s8, s1;
	s22 =	sadd.s32 $0x280000, s12  }
0xf: {  	s23 =	sadd.s32 s2, s21;
	s9 =	sadd.s32 $0x288000, s12;
	s24 =	sshrl.u32 s12, $0x3  }
0x10: {  	s2 =	sadd.s32 s14, s2;
	s25 =	sadd.s32 $0x8000, s12;
	s17 =	simm.s32 $0x400  }
0x11: {  	s19 =	simm.s32 $0x100;
	s21 =	simm.s32 $0x4100;
	s6 =	sshrl.u32 s6, $0x3  }
0x12: {  	s7 =	sshrl.u32 s22, $0x3;
	s8 =	sadd.s32 $0x5010, s23;
	s9 =	sshrl.u32 s9, $0x3  }
0x13: {  	s11 =	smax.u32 s11, $0x1;
	s12 =	sadd.s32 s24, s13;
	s31 =	sadd.s32 $0x4B00, s2  }
0x14: {  	s26 =	sshrl.u32 s25, $0x3;
	s15 =	sshrl.u32 s15, $0x3;
	s22 =	simm.s32 $0x1  }
0x15: {  	s24 =	simm.s32 $0x2;
	s25 =	simm.s32 $0x4;
	s0 =	sadd.s32 s6, s0  }
0x16: {  	s6 =	sadd.s32 $0x5000, s23;
	s7 =	sadd.s32 s13, s7;
	s9 =	sadd.s32 s13, s9  }
0x17: {  	s14 =	sadd.s32 s26, s13;
	s23 =	simm.s32 $0x3;
	s26 =	simm.s32 $0x5  }
0x18: {  	[dreg:$0x5] =	wrdreg s6;
	s10 =	sadd.s32 $0x10200, s0;
	s0 =	simm.s32 $0x0  }
.LBB2_1:
0x19: {  	s2 =	rddreg [dreg:$0x4]  }
0x1a: {  	[spmem:s15], [sflag:s5] =	dma.local [hbm:s2], $0x2800  }
0x1b: {  	_ =	swait.ge [sflag:s16], $0x2800  }
0x1c: {  	[sflag:s16] =	ssyncset.done $0x0  }
0x1d: {  	[sflag:s16] =	ssyncadd.s32 $0xFFFFD800  }
0x1e: {  	[bflag:$0x0] =	sbarrier.arrive $0xFFFF  }
0x1f: {  	[tilespmem:s3], [sflag:$0x1] =	stream.linear.gather [hbm4b:s31+s3], $0x80, $0x38;
	[tilespmem:$0x1D180] =	vst v63  }
0x20: {  	s4 =	sadd.s32 $0x0, s12  }
0x21: {  	[tilespmem:s19], [sflag:$0x3] =	stream.strided.gather [hbm4b:s4+s17], $0x4000, s18, s17, $0x38;
	[tilespmem:$0x1D180] =	vst v63  }
0x22: {  	s6 =	sadd.s32 $0x10, s31  }
0x23: {  	[tilespmem:s20], [sflag:$0x2] =	stream.linear.gather [hbm4b:s6+s3], $0x80, $0x38;
	[tilespmem:$0x1D180] =	vst v63  }
0x24: {  	s13 =	sadd.s32 $0x0, s14  }
0x25: {  	[tilespmem:s21], [sflag:$0x4] =	stream.strided.gather [hbm4b:s13+s17], $0x4000, s18, s17, $0x38;
	[tilespmem:$0x1D180] =	vst v63  }
0x26: {  	_ =	swait.ge [sflag:s22], $0x80  }
0x27: {  	[sflag:s22] =	ssyncset.done $0x0  }
0x28: {  	[sflag:s22] =	ssyncadd.s32 $0xFFFFFF80  }
0x29: {  	_ =	swait.ge [sflag:s23], $0x4000  }
0x2a: {  	[sflag:s23] =	ssyncset.done $0x0  }
0x2b: {  	[sflag:s23] =	ssyncadd.s32 $0xFFFFC000  }
0x2c: {  	[spmem:s1] =	stream.indirect.scatter.add.f32 [tilespmem:s19], [sflag:$0x5], $0x80, s3, s20, $0xb8;
	[tilespmem:$0x1D180] =	vst v63  }
0x2d: {  	_ =	swait.ge [sflag:s24], $0x80  }
0x2e: {  	[sflag:s24] =	ssyncset.done $0x0  }
0x2f: {  	[sflag:s24] =	ssyncadd.s32 $0xFFFFFF80  }
0x30: {  	_ =	swait.ge [sflag:s25], $0x4000  }
0x31: {  	[sflag:s25] =	ssyncset.done $0x0  }
0x32: {  	[sflag:s25] =	ssyncadd.s32 $0xFFFFC000  }
0x33: {  	[spmem:s1] =	stream.indirect.scatter.add.f32 [tilespmem:s21], [sflag:$0x6], $0x80, s20, s20, $0xb8;
	[tilespmem:$0x1D180] =	vst v63  }
0x34: {  	_ =	swait.ge [sflag:s26], $0x4000  }
0x35: {  	[sflag:s26] =	ssyncset.done $0x0  }
0x36: {  	[sflag:s26] =	ssyncadd.s32 $0xFFFFC000  }
0x37: {  	_ =	swait.ge [sflag:s28], $0x4000  }
0x38: {  	s2 =	simm.s32 $0x2000;
	s13 =	smov.u32 s31;
	[sflag:s28] =	ssyncset.done $0x0  }
.LBB2_2:
0x39: {  	p0 =	sne.s32 s2, $0x4E000;
	[sflag:s28] =	ssyncadd.s32 $0xFFFFC000;
	s13 =	sadd.s32 $0x20, s13  }
0x3a: {  	[tilespmem:s3], [sflag:$0x1] =	stream.linear.gather [hbm4b:s13+s3], $0x80, $0x38;
	[tilespmem:$0x1D180] =	vst v63  }
0x3b: {  	s4 =	sadd.s32 s2, s12;
	s6 =	smov.u32 s2;
	s2 =	sadd.s32 $0x2000, s2  }
0x3c: {  	[tilespmem:s19], [sflag:$0x3] =	stream.strided.gather [hbm4b:s4+s17], $0x4000, s18, s17, $0x38;
	[tilespmem:$0x1D180] =	vst v63  }
0x3d: {  	s4 =	sadd.s32 $0x10, s13  }
0x3e: {  	[tilespmem:s20], [sflag:$0x2] =	stream.linear.gather [hbm4b:s4+s3], $0x80, $0x38;
	[tilespmem:$0x1D180] =	vst v63  }
0x3f: {  	s4 =	sadd.s32 s6, s14  }
0x40: {  	[tilespmem:s21], [sflag:$0x4] =	stream.strided.gather [hbm4b:s4+s17], $0x4000, s18, s17, $0x38;
	[tilespmem:$0x1D180] =	vst v63  }
0x41: {  	_ =	swait.ge [sflag:s22], $0x80  }
0x42: {  	[sflag:s22] =	ssyncset.done $0x0  }
0x43: {  	[sflag:s22] =	ssyncadd.s32 $0xFFFFFF80  }
0x44: {  	_ =	swait.ge [sflag:s23], $0x4000  }
0x45: {  	[sflag:s23] =	ssyncset.done $0x0  }
0x46: {  	[sflag:s23] =	ssyncadd.s32 $0xFFFFC000  }
0x47: {  	[spmem:s1] =	stream.indirect.scatter.add.f32 [tilespmem:s19], [sflag:$0x5], $0x80, s3, s20, $0xb8;
	[tilespmem:$0x1D180] =	vst v63  }
0x48: {  	_ =	swait.ge [sflag:s24], $0x80  }
0x49: {  	[sflag:s24] =	ssyncset.done $0x0  }
0x4a: {  	[sflag:s24] =	ssyncadd.s32 $0xFFFFFF80  }
0x4b: {  	_ =	swait.ge [sflag:s25], $0x4000  }
0x4c: {  	[sflag:s25] =	ssyncset.done $0x0  }
0x4d: {  	[sflag:s25] =	ssyncadd.s32 $0xFFFFC000  }
0x4e: {  	[spmem:s1] =	stream.indirect.scatter.add.f32 [tilespmem:s21], [sflag:$0x6], $0x80, s20, s20, $0xb8;
	[tilespmem:$0x1D180] =	vst v63  }
.Ltmp0:
0x4f: {  	_ =	swait.ge [sflag:s26], $0x4000;
	(pc) =	sbr.rel @p0 .LBB2_2-.Ltmp0, $4  }
0x50: {  	[sflag:s26] =	ssyncset.done $0x0  }
0x51: {  	[sflag:s26] =	ssyncadd.s32 $0xFFFFC000  }
0x52: {  	_ =	swait.ge [sflag:s28], $0x4000  }
0x53: {  	[sflag:s28] =	ssyncset.done $0x0  }
0x54: {  	[sflag:s28] =	ssyncadd.s32 $0xFFFFC000;
	s2 =	rddreg [dreg:$0x5]  }
0x55: {  	[tilespmem:s3], [sflag:$0x1] =	stream.linear.gather [hbm4b:s2+s3], $0x80, $0x38;
	[tilespmem:$0x1D180] =	vst v63  }
0x56: {  	_ = 	snop  }
0x57: {  	[tilespmem:s19], [sflag:$0x3] =	stream.strided.gather [hbm4b:s7+s17], $0x4000, s18, s17, $0x38;
	[tilespmem:$0x1D180] =	vst v63  }
0x58: {  	_ =	swait.ge [sflag:s22], $0x80  }
0x59: {  	[sflag:s22] =	ssyncset.done $0x0  }
0x5a: {  	[sflag:s22] =	ssyncadd.s32 $0xFFFFFF80  }
0x5b: {  	_ =	swait.ge [sflag:s23], $0x4000  }
0x5c: {  	[sflag:s23] =	ssyncset.done $0x0  }
0x5d: {  	[sflag:s23] =	ssyncadd.s32 $0xFFFFC000  }
0x5e: {  	[spmem:s1] =	stream.indirect.scatter.add.f32 [tilespmem:s19], [sflag:$0x7], $0x80, s3, s20, $0xb8;
	[tilespmem:$0x1D180] =	vst v63  }
0x5f: {  	_ =	swait.ge [sflag:s16], $0x4000  }
0x60: {  	[sflag:s16] =	ssyncset.done $0x0  }
0x61: {  	[sflag:s16] =	ssyncadd.s32 $0xFFFFC000  }
0x62: {  	[tilespmem:s29], [sflag:$0x1] =	stream.linear.gather [hbm4b:s8+s3], $0x20, $0x38;
	[tilespmem:$0x1D180] =	vst v63  }
0x63: {  	_ = 	snop  }
0x64: {  	[tilespmem:s30], [sflag:$0x3] =	stream.strided.gather [hbm4b:s9+s17], $0x1000, s18, s17, $0x38;
	[tilespmem:$0x1D180] =	vst v63  }
0x65: {  	_ =	swait.ge [sflag:s22], $0x20  }
0x66: {  	[sflag:s22] =	ssyncset.done $0x0  }
0x67: {  	[sflag:s22] =	ssyncadd.s32 $0xFFFFFFE0  }
0x68: {  	_ =	swait.ge [sflag:s23], $0x1000  }
0x69: {  	[sflag:s23] =	ssyncset.done $0x0  }
0x6a: {  	s13 =	simm.s32 $0x20;
	[sflag:s23] =	ssyncadd.s32 $0xFFFFF000  }
0x6b: {  	[spmem:s1] =	stream.indirect.scatter.add.f32 [tilespmem:s30], [sflag:$0x7], $0x80, s29, s13, $0xb8;
	[tilespmem:$0x1D180] =	vst v63  }
0x6c: {  	_ =	swait.ge [sflag:s16], $0x1000  }
0x6d: {  	s0 =	sadd.s32 $0x1, s0;
	[sflag:s16] =	ssyncset.done $0x0  }
0x6e: {  	p0 =	sne.s32 s0, s11;
	[sflag:s16] =	ssyncadd.s32 $0xFFFFF000  }
.Ltmp1:
0x6f: {  	[bflag:$0x0] =	sbarrier.arrive $0xFFFF;
	(pc) =	sbr.rel @p0 .LBB2_1-.Ltmp1, $4  }
0x70: {  	[hbm:s10], [sflag:s5] =	dma.local [spmem:s15], $0x2800  }
0x71: {  	_ =	swait.ge [sflag:s16], $0x2800  }
0x72: {  	[sflag:s16] =	ssyncset.done $0x0  }
0x73: {  	[sflag:s16] =	ssyncadd.s32 $0xFFFFD800  }
0x74: {  	_ =	sfence.sel $0x180000  }
0x75: {  	[bflag:$0x0] =	sbarrier.arrive $0xFFFF  }
0x76: {  	_ =	strace $0x9000004D  }
0x77: {  	s0 =	stileid.u32;
	[bflag:$0x2] =	sbarrier.arrive $0xFFFF  }
0x78: {  	p0 =	sne.s32 s0, $0x0;
	s0 =	rddreg [dreg:$0x3]  }
0x79: {  	s0 =	sadd.s32 @!p0 $0x100000, s0  }
0x7a: {  	[sflag:s0] =	ssyncadd.tile.s32 @!p0 $0x1;
	_ =	shalt  }
.Lfunc_end2:
_tile_overlayer_lowered:
.L_overlay_start_2:
0x7b: {  	(tag) =	ssettag $0x2  }
0x7c: {  	s0 =	rddreg [dreg:$0x0];
	s2 =	stileid.u32  }
0x7d: {  	s1 =	rddreg [dreg:$0x1];
	p0 =	sne.s32 s2, $0x0  }
0x7e: {  	s3 =	rddreg [dreg:$0x2];
	[bflag:$0x3] =	sbarrier.arrive $0xFFFF;
	s2 =	simm.s32 @!p0 $0x1C07  }
0x7f: {  	[timem:s3], [sflag:s2] =	dma.local @!p0 [hbm:s0], s1  }
0x80: {  	s0 =	simm.s32 @!p0 $0x7  }
0x81: {  	_ =	swait.ge @!p0 [sflag:s0], s1  }
0x82: {  	s1 =	ssub.s32 @!p0 $0x0, s1;
	[sflag:s0] =	ssyncset.done @!p0 $0x0  }
0x83: {  	[sflag:s0] =	ssyncadd.s32 @!p0 s1  }
0x84: {  	[bflag:$0x3] =	sbarrier.arrive $0xFFFF  }
0x85: {  	_ =	shalt  }

</sc_bundles>
